<compile_context>
chip_gen: v7x
topology: tpu7x:2x2x1
jax: 0.10.2.dev20260603
libtpu: 0.0.44.dev20260713+nightly
codegen_flags: <defaults>
</compile_context>

<pallas_src>
import functools

import jax
import jax.numpy as jnp
from jax import lax
from jax.experimental import pallas as pl
from jax.experimental.pallas import tpu as pltpu
from jax.experimental.pallas import tpu_sc as plsc

_B = 16384
_D = 64
_V = 100000

_info = plsc.get_sparse_core_info()
_NC = _info.num_cores
_NS = _info.num_subcores
_NW = _NC * _NS
_DPW = _D // (_NW // 2)
_SEG = 8192
_NSEG = _B // _SEG


def _gather_rows(row_v, idx_v, out_v, write_seg):
    for seg in range(_NSEG):
        @plsc.parallel_loop(0, _SEG // 16, unroll=8)
        def _(g):
            iv = idx_v[pl.ds(seg * _SEG + g * 16, 16)]
            out_v[pl.ds(g * 16, 16)] = plsc.load_gather(row_v, [iv])
        write_seg(seg)


def _gather_body(ugT_t, igT_t, ub_t, ib_t, users, items,
                 ugT_o, igT_o, ub_o, ib_o,
                 row_v, idx_v, out_v, sem):
    wid = lax.axis_index("s") * _NC + lax.axis_index("c")
    is_user = wid < (_NW // 2)
    local = lax.rem(wid, _NW // 2)
    d_base = local * _DPW

    @pl.when(is_user)
    def _():
        pltpu.sync_copy(users, idx_v)

    @pl.when(jnp.logical_not(is_user))
    def _():
        pltpu.sync_copy(items, idx_v)

    for t in range(_DPW):
        d = d_base + t

        @pl.when(is_user)
        def _():
            pltpu.sync_copy(ugT_t.at[d], row_v)

            def write_seg(seg):
                pltpu.sync_copy(out_v, ugT_o.at[d, pl.ds(seg * _SEG, _SEG)])
            _gather_rows(row_v, idx_v, out_v, write_seg)

        @pl.when(jnp.logical_not(is_user))
        def _():
            pltpu.sync_copy(igT_t.at[d], row_v)

            def write_seg(seg):
                pltpu.sync_copy(out_v, igT_o.at[d, pl.ds(seg * _SEG, _SEG)])
            _gather_rows(row_v, idx_v, out_v, write_seg)

    bpt = _B // (_NW // 2)
    base = local * bpt

    def beta_gather(beta_t, beta_o):
        copies = [
            pltpu.async_copy(beta_t.at[idx_v.at[pl.ds(base + c * 128, 128)]],
                             out_v.at[pl.ds(c * 128, 128)], sem)
            for c in range(bpt // 128)
        ]
        for c in copies:
            c.wait()
        pltpu.sync_copy(out_v.at[pl.ds(0, bpt)], beta_o.at[pl.ds(base, bpt)])

    @pl.when(is_user)
    def _():
        beta_gather(ub_t, ub_o)

    @pl.when(jnp.logical_not(is_user))
    def _():
        beta_gather(ib_t, ib_o)


_sc_gather = functools.partial(
    pl.kernel,
    mesh=plsc.VectorSubcoreMesh(core_axis_name="c", subcore_axis_name="s"),
    out_type=[
        jax.ShapeDtypeStruct((_D, _B), jnp.float32),
        jax.ShapeDtypeStruct((_D, _B), jnp.float32),
        jax.ShapeDtypeStruct((_B,), jnp.float32),
        jax.ShapeDtypeStruct((_B,), jnp.float32),
    ],
    scratch_types=[
        pltpu.VMEM((_V,), jnp.float32),
        pltpu.VMEM((_B,), jnp.int32),
        pltpu.VMEM((_SEG,), jnp.float32),
        pltpu.SemaphoreType.DMA,
    ],
    compiler_params=pltpu.CompilerParams(needs_layout_passes=False),
)(_gather_body)


def _math_body(ug_ref, ig_ref, ub_ref, ib_ref, out_ref):
    ug = ug_ref[...]
    ig = ig_ref[...]
    cu = jnp.maximum(jnp.sqrt(jnp.sum(ug * ug, axis=1, keepdims=True)), 1e-12)
    ci = jnp.maximum(jnp.sqrt(jnp.sum(ig * ig, axis=1, keepdims=True)), 1e-12)
    w = 1.0 / (cu * ci)
    wu = 1.0 / (cu * cu)
    wi = 1.0 / (ci * ci)
    num = jnp.sum(ug * ig * w, axis=0)
    rnu = jnp.sqrt(jnp.sum(ug * ug * wu, axis=0))
    rni = jnp.sqrt(jnp.sum(ig * ig * wi, axis=0))
    den = jnp.maximum(rnu, 1e-8) * jnp.maximum(rni, 1e-8)
    ub = ub_ref[...]
    ib = ib_ref[...]
    nbu = jnp.maximum(jnp.sqrt(jnp.sum(ub * ub)), 1e-12)
    nbi = jnp.maximum(jnp.sqrt(jnp.sum(ib * ib)), 1e-12)
    out_ref[...] = ib / nbi + ub / nbu + num / den


_tc_math = pl.pallas_call(
    _math_body,
    out_shape=jax.ShapeDtypeStruct((_B,), jnp.float32),
)


def kernel(users, items, user_gama, item_gama, user_beta, item_beta):
    users = users.astype(jnp.int32)
    items = items.astype(jnp.int32)
    ugT_t = user_gama.T
    igT_t = item_gama.T
    ub_t = user_beta.reshape(-1)
    ib_t = item_beta.reshape(-1)
    ugT, igT, ub, ib = _sc_gather(ugT_t, igT_t, ub_t, ib_t, users, items)
    return _tc_math(ugT, igT, ub, ib)

# --- scband reference (transcript-rebuilt; emitter-appended) ---
"""Pipeline reference for scband-bpr-1297080124148 (READ-ONLY COPY).

The authoritative reference and input builder live on the scoring server;
editing this copy changes nothing except your own understanding.
"""

import jax, jax.numpy as jnp
import numpy as np

U = 100000
I = 100000
D = 64
B = 16384

def _normalize0(x):
    # torch F.normalize(x, p=2, dim=0), eps=1e-12
    n = jnp.linalg.norm(x, axis=0, keepdims=True)
    return x / jnp.maximum(n, 1e-12)

def setup_inputs(seed: int = 0) -> dict:
    key = jax.random.key(seed)
    k1, k2, k3, k4, k5, k6 = jax.random.split(key, 6)
    users = jax.random.randint(k1, (B,), 0, U)
    items = jax.random.randint(k2, (B,), 0, I)
    # nn.init.uniform_(w, 0, 0.01)
    user_gama = jax.random.uniform(k3, (U, D), dtype=jnp.float32) * 0.01
    item_gama = jax.random.uniform(k4, (I, D), dtype=jnp.float32) * 0.01
    user_beta = jax.random.uniform(k5, (U, 1), dtype=jnp.float32) * 0.01
    item_beta = jax.random.uniform(k6, (I, 1), dtype=jnp.float32) * 0.01
    return {"users": users, "items": items, "user_gama": user_gama,
            "item_gama": item_gama, "user_beta": user_beta, "item_beta": item_beta}

def reference(users, items, user_gama, item_gama, user_beta, item_beta):
    ug = jnp.take(user_gama, users, axis=0)
    ub = jnp.take(user_beta, users, axis=0)
    ig = jnp.take(item_gama, items, axis=0)
    ib = jnp.take(item_beta, items, axis=0)
    # with_Nor=True: normalize along dim=0 (batch dimension)
    ug = _normalize0(ug)
    ub = _normalize0(ub)
    ig = _normalize0(ig)
    ib = _normalize0(ib)
    # cos=True: F.cosine_similarity(ug, ig, dim=-1), eps=1e-8
    num = jnp.sum(ug * ig, axis=-1)
    den = jnp.maximum(jnp.linalg.norm(ug, axis=-1), 1e-8) * jnp.maximum(jnp.linalg.norm(ig, axis=-1), 1e-8)
    cos = num / den
    pred = ib.reshape(B) + ub.reshape(B) + cos
    return pred

if __name__ == "__main__":
    import jax
    _d = setup_inputs()
    print(jax.jit(kernel)(*tuple(_d.values())))

</pallas_src>

<mosaic_0001>
#map = affine_map<(d0, d1) -> (0, 0)>
#map1 = affine_map<(d0, d1) -> (0)>
module attributes {stable_mosaic.version = 14 : i64} {
  func.func @_gather_body(%arg0: i32, %arg1: i32, %arg2: memref<64x100000xf32, #tpu.memory_space<hbm>>, %arg3: memref<64x100000xf32, #tpu.memory_space<hbm>>, %arg4: memref<100000xf32, #tpu.memory_space<hbm>>, %arg5: memref<100000xf32, #tpu.memory_space<hbm>>, %arg6: memref<16384xi32, #tpu.memory_space<hbm>>, %arg7: memref<16384xi32, #tpu.memory_space<hbm>>, %arg8: memref<64x16384xf32, #tpu.memory_space<hbm>>, %arg9: memref<64x16384xf32, #tpu.memory_space<hbm>>, %arg10: memref<16384xf32, #tpu.memory_space<hbm>>, %arg11: memref<16384xf32, #tpu.memory_space<hbm>>, %arg12: memref<100000xf32, #tpu.memory_space<vmem>>, %arg13: memref<16384xi32, #tpu.memory_space<vmem>>, %arg14: memref<8192xf32, #tpu.memory_space<vmem>>, %arg15: memref<!tpu.dma_semaphore, #tpu.memory_space<semaphore_mem>>) attributes {dimension_semantics = [#tpu.dimension_semantics<core_parallel>, #tpu.dimension_semantics<subcore_parallel>], iteration_bounds = array<i64: 2, 16>, scalar_prefetch = 0 : i64, scratch_operands = 4 : i64, tpu.core_type = #tpu.core_type<sc_vector_subcore>, window_params = [{transform_indices = #map}, {transform_indices = #map}, {transform_indices = #map1}, {transform_indices = #map1}, {transform_indices = #map1}, {transform_indices = #map1}, {transform_indices = #map}, {transform_indices = #map}, {transform_indices = #map1}, {transform_indices = #map1}]} {
    %mul3A = arith.constant 2 : i32
    %mul3A_0 = arith.muli %arg1, %mul3A : i32
    %add3A = arith.addi %mul3A_0, %arg0 : i32
    %lt3A = arith.constant 16 : i32
    %lt3A_1 = arith.cmpi slt, %add3A, %lt3A : i32
    %rem3A = arith.constant 16 : i32
    %rem3A_2 = arith.remsi %add3A, %rem3A : i32
    %mul3A_3 = arith.constant 4 : i32
    %mul3A_4 = arith.muli %rem3A_2, %mul3A_3 : i32
    %convert_element_type3A = arith.extui %lt3A_1 : i1 to i32
    %cond3A = arith.constant 0 : i32
    %cond3A_5 = arith.cmpi ne, %convert_element_type3A, %cond3A : i32
    scf.if %cond3A_5 {
      "tpu.region"() ({
        %run_scoped3A = tpu.sem_alloc : memref<!tpu.dma_semaphore, #tpu.memory_space<semaphore_mem>>
        tpu.enqueue_dma source(%arg6 : memref<16384xi32, #tpu.memory_space<hbm>>) target(%arg13 : memref<16384xi32, #tpu.memory_space<vmem>>) target_semaphore(%run_scoped3A : memref<!tpu.dma_semaphore, #tpu.memory_space<semaphore_mem>>)
        tpu.wait_dma2 semaphore(%run_scoped3A : memref<!tpu.dma_semaphore, #tpu.memory_space<semaphore_mem>>) src(%arg6 : memref<16384xi32, #tpu.memory_space<hbm>>) dst(%arg13 : memref<16384xi32, #tpu.memory_space<vmem>>)
        tpu.yield
      }) : () -> ()
    } else {
    }
    %not3A = arith.constant true
    %not3A_6 = arith.xori %lt3A_1, %not3A : i1
    %convert_element_type3A_7 = arith.extui %not3A_6 : i1 to i32
    %cond3A_8 = arith.constant 0 : i32
    %cond3A_9 = arith.cmpi ne, %convert_element_type3A_7, %cond3A_8 : i32
    scf.if %cond3A_9 {
      "tpu.region"() ({
        %run_scoped3A = tpu.sem_alloc : memref<!tpu.dma_semaphore, #tpu.memory_space<semaphore_mem>>
        tpu.enqueue_dma source(%arg7 : memref<16384xi32, #tpu.memory_space<hbm>>) target(%arg13 : memref<16384xi32, #tpu.memory_space<vmem>>) target_semaphore(%run_scoped3A : memref<!tpu.dma_semaphore, #tpu.memory_space<semaphore_mem>>)
        tpu.wait_dma2 semaphore(%run_scoped3A : memref<!tpu.dma_semaphore, #tpu.memory_space<semaphore_mem>>) src(%arg7 : memref<16384xi32, #tpu.memory_space<hbm>>) dst(%arg13 : memref<16384xi32, #tpu.memory_space<vmem>>)
        tpu.yield
      }) : () -> ()
    } else {
    }
    %add3A_10 = arith.constant 0 : i32
    %add3A_11 = arith.addi %mul3A_4, %add3A_10 : i32
    %convert_element_type3A_12 = arith.extui %lt3A_1 : i1 to i32
    %cond3A_13 = arith.constant 0 : i32
    %cond3A_14 = arith.cmpi ne, %convert_element_type3A_12, %cond3A_13 : i32
    scf.if %cond3A_14 {
      "tpu.region"() ({
        %run_scoped3A = tpu.sem_alloc : memref<!tpu.dma_semaphore, #tpu.memory_space<semaphore_mem>>
        %dma_start3A = arith.constant 0 : i32
        %dma_start3A_65 = tpu.memref_slice %arg2[%add3A_11, %dma_start3A] : memref<64x100000xf32, #tpu.memory_space<hbm>> -> memref<1x100000xf32, #tpu.memory_space<hbm>>
        %dma_start3A_66 = tpu.memref_squeeze %dma_start3A_65 : memref<1x100000xf32, #tpu.memory_space<hbm>> -> memref<100000xf32, #tpu.memory_space<hbm>>
        %dma_start3A_67 = arith.constant 0 : i32
        %dma_start3A_68 = tpu.memref_slice %arg2[%add3A_11, %dma_start3A_67] : memref<64x100000xf32, #tpu.memory_space<hbm>> -> memref<1x100000xf32, #tpu.memory_space<hbm>>
        %dma_start3A_69 = tpu.memref_squeeze %dma_start3A_68 : memref<1x100000xf32, #tpu.memory_space<hbm>> -> memref<100000xf32, #tpu.memory_space<hbm>>
        tpu.enqueue_dma source(%dma_start3A_69 : memref<100000xf32, #tpu.memory_space<hbm>>) target(%arg12 : memref<100000xf32, #tpu.memory_space<vmem>>) target_semaphore(%run_scoped3A : memref<!tpu.dma_semaphore, #tpu.memory_space<semaphore_mem>>)
        %dma_wait3A = arith.constant 0 : i32
        %dma_wait3A_70 = tpu.memref_slice %arg2[%add3A_11, %dma_wait3A] : memref<64x100000xf32, #tpu.memory_space<hbm>> -> memref<1x100000xf32, #tpu.memory_space<hbm>>
        %dma_wait3A_71 = tpu.memref_squeeze %dma_wait3A_70 : memref<1x100000xf32, #tpu.memory_space<hbm>> -> memref<100000xf32, #tpu.memory_space<hbm>>
        %dma_wait3A_72 = arith.constant 0 : i32
        %dma_wait3A_73 = tpu.memref_slice %arg2[%add3A_11, %dma_wait3A_72] : memref<64x100000xf32, #tpu.memory_space<hbm>> -> memref<1x100000xf32, #tpu.memory_space<hbm>>
        %dma_wait3A_74 = tpu.memref_squeeze %dma_wait3A_73 : memref<1x100000xf32, #tpu.memory_space<hbm>> -> memref<100000xf32, #tpu.memory_space<hbm>>
        tpu.wait_dma2 semaphore(%run_scoped3A : memref<!tpu.dma_semaphore, #tpu.memory_space<semaphore_mem>>) src(%dma_wait3A_74 : memref<100000xf32, #tpu.memory_space<hbm>>) dst(%arg12 : memref<100000xf32, #tpu.memory_space<vmem>>)
        tpu.yield
      }) : () -> ()
      %parallel_loop3A = arith.constant 0 : i32
      %parallel_loop3A_60 = arith.constant 512 : i32
      %parallel_loop3A_61 = arith.constant 1 : i32
      scf.for %parallel_loop3A_65 = %parallel_loop3A to %parallel_loop3A_60 step %parallel_loop3A_61  : i32 {
        %parallel_loop3A_66 = arith.constant 16 : i32
        %parallel_loop3A_67 = arith.muli %parallel_loop3A_65, %parallel_loop3A_66 : i32
        %parallel_loop3A_68 = arith.constant 0 : i32
        %parallel_loop3A_69 = arith.addi %parallel_loop3A_68, %parallel_loop3A_67 : i32
        %parallel_loop3A_70 = arith.index_cast %parallel_loop3A_69 : i32 to index
        %parallel_loop3A_71 = tpu.vector_load %arg13[%parallel_loop3A_70] {strides = array<i32>} : memref<16384xi32, #tpu.memory_space<vmem>>, vector<16xi32>,
        %parallel_loop3A_72 = tpu.vector_load_idx %arg12[%parallel_loop3A_71] : memref<100000xf32, #tpu.memory_space<vmem>>[vector<16xi32>], vector<16xf32>,
        %parallel_loop3A_73 = arith.constant 16 : i32
        %parallel_loop3A_74 = arith.muli %parallel_loop3A_65, %parallel_loop3A_73 : i32
        %parallel_loop3A_75 = arith.index_cast %parallel_loop3A_74 : i32 to index
        %parallel_loop3A_76 = tpu.vector_load %arg14[%parallel_loop3A_75] {strides = array<i32>} : memref<8192xf32, #tpu.memory_space<vmem>>, vector<16xf32>,
        tpu.vector_store %arg14[%parallel_loop3A_75], %parallel_loop3A_72 {strides = array<i32>} : memref<8192xf32, #tpu.memory_space<vmem>>, vector<16xf32>,
      } {sc.loop_unroll_factor = 8 : i64, sc.parallel_access}
      "tpu.region"() ({
        %run_scoped3A = tpu.sem_alloc : memref<!tpu.dma_semaphore, #tpu.memory_space<semaphore_mem>>
        %dma_start3A = arith.constant 0 : i32
        %dma_start3A_65 = tpu.memref_slice %arg8[%add3A_11, %dma_start3A] : memref<64x16384xf32, #tpu.memory_space<hbm>> -> memref<1x8192xf32, #tpu.memory_space<hbm>>
        %dma_start3A_66 = tpu.memref_squeeze %dma_start3A_65 : memref<1x8192xf32, #tpu.memory_space<hbm>> -> memref<8192xf32, #tpu.memory_space<hbm>>
        %dma_start3A_67 = arith.constant 0 : i32
        %dma_start3A_68 = tpu.memref_slice %arg8[%add3A_11, %dma_start3A_67] : memref<64x16384xf32, #tpu.memory_space<hbm>> -> memref<1x8192xf32, #tpu.memory_space<hbm>>
        %dma_start3A_69 = tpu.memref_squeeze %dma_start3A_68 : memref<1x8192xf32, #tpu.memory_space<hbm>> -> memref<8192xf32, #tpu.memory_space<hbm>>
        tpu.enqueue_dma source(%arg14 : memref<8192xf32, #tpu.memory_space<vmem>>) target(%dma_start3A_69 : memref<8192xf32, #tpu.memory_space<hbm>>) target_semaphore(%run_scoped3A : memref<!tpu.dma_semaphore, #tpu.memory_space<semaphore_mem>>)
        %dma_wait3A = arith.constant 0 : i32
        %dma_wait3A_70 = tpu.memref_slice %arg8[%add3A_11, %dma_wait3A] : memref<64x16384xf32, #tpu.memory_space<hbm>> -> memref<1x8192xf32, #tpu.memory_space<hbm>>
        %dma_wait3A_71 = tpu.memref_squeeze %dma_wait3A_70 : memref<1x8192xf32, #tpu.memory_space<hbm>> -> memref<8192xf32, #tpu.memory_space<hbm>>
        %dma_wait3A_72 = arith.constant 0 : i32
        %dma_wait3A_73 = tpu.memref_slice %arg8[%add3A_11, %dma_wait3A_72] : memref<64x16384xf32, #tpu.memory_space<hbm>> -> memref<1x8192xf32, #tpu.memory_space<hbm>>
        %dma_wait3A_74 = tpu.memref_squeeze %dma_wait3A_73 : memref<1x8192xf32, #tpu.memory_space<hbm>> -> memref<8192xf32, #tpu.memory_space<hbm>>
        tpu.wait_dma2 semaphore(%run_scoped3A : memref<!tpu.dma_semaphore, #tpu.memory_space<semaphore_mem>>) src(%arg14 : memref<8192xf32, #tpu.memory_space<vmem>>) dst(%dma_wait3A_74 : memref<8192xf32, #tpu.memory_space<hbm>>)
        tpu.yield
      }) : () -> ()
      %parallel_loop3A_62 = arith.constant 0 : i32
      %parallel_loop3A_63 = arith.constant 512 : i32
      %parallel_loop3A_64 = arith.constant 1 : i32
      scf.for %parallel_loop3A_65 = %parallel_loop3A_62 to %parallel_loop3A_63 step %parallel_loop3A_64  : i32 {
        %parallel_loop3A_66 = arith.constant 16 : i32
        %parallel_loop3A_67 = arith.muli %parallel_loop3A_65, %parallel_loop3A_66 : i32
        %parallel_loop3A_68 = arith.constant 8192 : i32
        %parallel_loop3A_69 = arith.addi %parallel_loop3A_68, %parallel_loop3A_67 : i32
        %parallel_loop3A_70 = arith.index_cast %parallel_loop3A_69 : i32 to index
        %parallel_loop3A_71 = tpu.vector_load %arg13[%parallel_loop3A_70] {strides = array<i32>} : memref<16384xi32, #tpu.memory_space<vmem>>, vector<16xi32>,
        %parallel_loop3A_72 = tpu.vector_load_idx %arg12[%parallel_loop3A_71] : memref<100000xf32, #tpu.memory_space<vmem>>[vector<16xi32>], vector<16xf32>,
        %parallel_loop3A_73 = arith.constant 16 : i32
        %parallel_loop3A_74 = arith.muli %parallel_loop3A_65, %parallel_loop3A_73 : i32
        %parallel_loop3A_75 = arith.index_cast %parallel_loop3A_74 : i32 to index
        %parallel_loop3A_76 = tpu.vector_load %arg14[%parallel_loop3A_75] {strides = array<i32>} : memref<8192xf32, #tpu.memory_space<vmem>>, vector<16xf32>,
        tpu.vector_store %arg14[%parallel_loop3A_75], %parallel_loop3A_72 {strides = array<i32>} : memref<8192xf32, #tpu.memory_space<vmem>>, vector<16xf32>,
      } {sc.loop_unroll_factor = 8 : i64, sc.parallel_access}
      "tpu.region"() ({
        %run_scoped3A = tpu.sem_alloc : memref<!tpu.dma_semaphore, #tpu.memory_space<semaphore_mem>>
        %dma_start3A = arith.constant 8192 : i32
        %dma_start3A_65 = tpu.memref_slice %arg8[%add3A_11, %dma_start3A] : memref<64x16384xf32, #tpu.memory_space<hbm>> -> memref<1x8192xf32, #tpu.memory_space<hbm>>
        %dma_start3A_66 = tpu.memref_squeeze %dma_start3A_65 : memref<1x8192xf32, #tpu.memory_space<hbm>> -> memref<8192xf32, #tpu.memory_space<hbm>>
        %dma_start3A_67 = arith.constant 8192 : i32
        %dma_start3A_68 = tpu.memref_slice %arg8[%add3A_11, %dma_start3A_67] : memref<64x16384xf32, #tpu.memory_space<hbm>> -> memref<1x8192xf32, #tpu.memory_space<hbm>>
        %dma_start3A_69 = tpu.memref_squeeze %dma_start3A_68 : memref<1x8192xf32, #tpu.memory_space<hbm>> -> memref<8192xf32, #tpu.memory_space<hbm>>
        tpu.enqueue_dma source(%arg14 : memref<8192xf32, #tpu.memory_space<vmem>>) target(%dma_start3A_69 : memref<8192xf32, #tpu.memory_space<hbm>>) target_semaphore(%run_scoped3A : memref<!tpu.dma_semaphore, #tpu.memory_space<semaphore_mem>>)
        %dma_wait3A = arith.constant 8192 : i32
        %dma_wait3A_70 = tpu.memref_slice %arg8[%add3A_11, %dma_wait3A] : memref<64x16384xf32, #tpu.memory_space<hbm>> -> memref<1x8192xf32, #tpu.memory_space<hbm>>
        %dma_wait3A_71 = tpu.memref_squeeze %dma_wait3A_70 : memref<1x8192xf32, #tpu.memory_space<hbm>> -> memref<8192xf32, #tpu.memory_space<hbm>>
        %dma_wait3A_72 = arith.constant 8192 : i32
        %dma_wait3A_73 = tpu.memref_slice %arg8[%add3A_11, %dma_wait3A_72] : memref<64x16384xf32, #tpu.memory_space<hbm>> -> memref<1x8192xf32, #tpu.memory_space<hbm>>
        %dma_wait3A_74 = tpu.memref_squeeze %dma_wait3A_73 : memref<1x8192xf32, #tpu.memory_space<hbm>> -> memref<8192xf32, #tpu.memory_space<hbm>>
        tpu.wait_dma2 semaphore(%run_scoped3A : memref<!tpu.dma_semaphore, #tpu.memory_space<semaphore_mem>>) src(%arg14 : memref<8192xf32, #tpu.memory_space<vmem>>) dst(%dma_wait3A_74 : memref<8192xf32, #tpu.memory_space<hbm>>)
        tpu.yield
      }) : () -> ()
    } else {
    }
    %not3A_15 = arith.constant true
    %not3A_16 = arith.xori %lt3A_1, %not3A_15 : i1
    %convert_element_type3A_17 = arith.extui %not3A_16 : i1 to i32
    %cond3A_18 = arith.constant 0 : i32
    %cond3A_19 = arith.cmpi ne, %convert_element_type3A_17, %cond3A_18 : i32
    scf.if %cond3A_19 {
      "tpu.region"() ({
        %run_scoped3A = tpu.sem_alloc : memref<!tpu.dma_semaphore, #tpu.memory_space<semaphore_mem>>
        %dma_start3A = arith.constant 0 : i32
        %dma_start3A_65 = tpu.memref_slice %arg3[%add3A_11, %dma_start3A] : memref<64x100000xf32, #tpu.memory_space<hbm>> -> memref<1x100000xf32, #tpu.memory_space<hbm>>
        %dma_start3A_66 = tpu.memref_squeeze %dma_start3A_65 : memref<1x100000xf32, #tpu.memory_space<hbm>> -> memref<100000xf32, #tpu.memory_space<hbm>>
        %dma_start3A_67 = arith.constant 0 : i32
        %dma_start3A_68 = tpu.memref_slice %arg3[%add3A_11, %dma_start3A_67] : memref<64x100000xf32, #tpu.memory_space<hbm>> -> memref<1x100000xf32, #tpu.memory_space<hbm>>
        %dma_start3A_69 = tpu.memref_squeeze %dma_start3A_68 : memref<1x100000xf32, #tpu.memory_space<hbm>> -> memref<100000xf32, #tpu.memory_space<hbm>>
        tpu.enqueue_dma source(%dma_start3A_69 : memref<100000xf32, #tpu.memory_space<hbm>>) target(%arg12 : memref<100000xf32, #tpu.memory_space<vmem>>) target_semaphore(%run_scoped3A : memref<!tpu.dma_semaphore, #tpu.memory_space<semaphore_mem>>)
        %dma_wait3A = arith.constant 0 : i32
        %dma_wait3A_70 = tpu.memref_slice %arg3[%add3A_11, %dma_wait3A] : memref<64x100000xf32, #tpu.memory_space<hbm>> -> memref<1x100000xf32, #tpu.memory_space<hbm>>
        %dma_wait3A_71 = tpu.memref_squeeze %dma_wait3A_70 : memref<1x100000xf32, #tpu.memory_space<hbm>> -> memref<100000xf32, #tpu.memory_space<hbm>>
        %dma_wait3A_72 = arith.constant 0 : i32
        %dma_wait3A_73 = tpu.memref_slice %arg3[%add3A_11, %dma_wait3A_72] : memref<64x100000xf32, #tpu.memory_space<hbm>> -> memref<1x100000xf32, #tpu.memory_space<hbm>>
        %dma_wait3A_74 = tpu.memref_squeeze %dma_wait3A_73 : memref<1x100000xf32, #tpu.memory_space<hbm>> -> memref<100000xf32, #tpu.memory_space<hbm>>
        tpu.wait_dma2 semaphore(%run_scoped3A : memref<!tpu.dma_semaphore, #tpu.memory_space<semaphore_mem>>) src(%dma_wait3A_74 : memref<100000xf32, #tpu.memory_space<hbm>>) dst(%arg12 : memref<100000xf32, #tpu.memory_space<vmem>>)
        tpu.yield
      }) : () -> ()
      %parallel_loop3A = arith.constant 0 : i32
      %parallel_loop3A_60 = arith.constant 512 : i32
      %parallel_loop3A_61 = arith.constant 1 : i32
      scf.for %parallel_loop3A_65 = %parallel_loop3A to %parallel_loop3A_60 step %parallel_loop3A_61  : i32 {
        %parallel_loop3A_66 = arith.constant 16 : i32
        %parallel_loop3A_67 = arith.muli %parallel_loop3A_65, %parallel_loop3A_66 : i32
        %parallel_loop3A_68 = arith.constant 0 : i32
        %parallel_loop3A_69 = arith.addi %parallel_loop3A_68, %parallel_loop3A_67 : i32
        %parallel_loop3A_70 = arith.index_cast %parallel_loop3A_69 : i32 to index
        %parallel_loop3A_71 = tpu.vector_load %arg13[%parallel_loop3A_70] {strides = array<i32>} : memref<16384xi32, #tpu.memory_space<vmem>>, vector<16xi32>,
        %parallel_loop3A_72 = tpu.vector_load_idx %arg12[%parallel_loop3A_71] : memref<100000xf32, #tpu.memory_space<vmem>>[vector<16xi32>], vector<16xf32>,
        %parallel_loop3A_73 = arith.constant 16 : i32
        %parallel_loop3A_74 = arith.muli %parallel_loop3A_65, %parallel_loop3A_73 : i32
        %parallel_loop3A_75 = arith.index_cast %parallel_loop3A_74 : i32 to index
        %parallel_loop3A_76 = tpu.vector_load %arg14[%parallel_loop3A_75] {strides = array<i32>} : memref<8192xf32, #tpu.memory_space<vmem>>, vector<16xf32>,
        tpu.vector_store %arg14[%parallel_loop3A_75], %parallel_loop3A_72 {strides = array<i32>} : memref<8192xf32, #tpu.memory_space<vmem>>, vector<16xf32>,
      } {sc.loop_unroll_factor = 8 : i64, sc.parallel_access}
      "tpu.region"() ({
        %run_scoped3A = tpu.sem_alloc : memref<!tpu.dma_semaphore, #tpu.memory_space<semaphore_mem>>
        %dma_start3A = arith.constant 0 : i32
        %dma_start3A_65 = tpu.memref_slice %arg9[%add3A_11, %dma_start3A] : memref<64x16384xf32, #tpu.memory_space<hbm>> -> memref<1x8192xf32, #tpu.memory_space<hbm>>
        %dma_start3A_66 = tpu.memref_squeeze %dma_start3A_65 : memref<1x8192xf32, #tpu.memory_space<hbm>> -> memref<8192xf32, #tpu.memory_space<hbm>>
        %dma_start3A_67 = arith.constant 0 : i32
        %dma_start3A_68 = tpu.memref_slice %arg9[%add3A_11, %dma_start3A_67] : memref<64x16384xf32, #tpu.memory_space<hbm>> -> memref<1x8192xf32, #tpu.memory_space<hbm>>
        %dma_start3A_69 = tpu.memref_squeeze %dma_start3A_68 : memref<1x8192xf32, #tpu.memory_space<hbm>> -> memref<8192xf32, #tpu.memory_space<hbm>>
        tpu.enqueue_dma source(%arg14 : memref<8192xf32, #tpu.memory_space<vmem>>) target(%dma_start3A_69 : memref<8192xf32, #tpu.memory_space<hbm>>) target_semaphore(%run_scoped3A : memref<!tpu.dma_semaphore, #tpu.memory_space<semaphore_mem>>)
        %dma_wait3A = arith.constant 0 : i32
        %dma_wait3A_70 = tpu.memref_slice %arg9[%add3A_11, %dma_wait3A] : memref<64x16384xf32, #tpu.memory_space<hbm>> -> memref<1x8192xf32, #tpu.memory_space<hbm>>
        %dma_wait3A_71 = tpu.memref_squeeze %dma_wait3A_70 : memref<1x8192xf32, #tpu.memory_space<hbm>> -> memref<8192xf32, #tpu.memory_space<hbm>>
        %dma_wait3A_72 = arith.constant 0 : i32
        %dma_wait3A_73 = tpu.memref_slice %arg9[%add3A_11, %dma_wait3A_72] : memref<64x16384xf32, #tpu.memory_space<hbm>> -> memref<1x8192xf32, #tpu.memory_space<hbm>>
        %dma_wait3A_74 = tpu.memref_squeeze %dma_wait3A_73 : memref<1x8192xf32, #tpu.memory_space<hbm>> -> memref<8192xf32, #tpu.memory_space<hbm>>
        tpu.wait_dma2 semaphore(%run_scoped3A : memref<!tpu.dma_semaphore, #tpu.memory_space<semaphore_mem>>) src(%arg14 : memref<8192xf32, #tpu.memory_space<vmem>>) dst(%dma_wait3A_74 : memref<8192xf32, #tpu.memory_space<hbm>>)
        tpu.yield
      }) : () -> ()
      %parallel_loop3A_62 = arith.constant 0 : i32
      %parallel_loop3A_63 = arith.constant 512 : i32
      %parallel_loop3A_64 = arith.constant 1 : i32
      scf.for %parallel_loop3A_65 = %parallel_loop3A_62 to %parallel_loop3A_63 step %parallel_loop3A_64  : i32 {
        %parallel_loop3A_66 = arith.constant 16 : i32
        %parallel_loop3A_67 = arith.muli %parallel_loop3A_65, %parallel_loop3A_66 : i32
        %parallel_loop3A_68 = arith.constant 8192 : i32
        %parallel_loop3A_69 = arith.addi %parallel_loop3A_68, %parallel_loop3A_67 : i32
        %parallel_loop3A_70 = arith.index_cast %parallel_loop3A_69 : i32 to index
        %parallel_loop3A_71 = tpu.vector_load %arg13[%parallel_loop3A_70] {strides = array<i32>} : memref<16384xi32, #tpu.memory_space<vmem>>, vector<16xi32>,
        %parallel_loop3A_72 = tpu.vector_load_idx %arg12[%parallel_loop3A_71] : memref<100000xf32, #tpu.memory_space<vmem>>[vector<16xi32>], vector<16xf32>,
        %parallel_loop3A_73 = arith.constant 16 : i32
        %parallel_loop3A_74 = arith.muli %parallel_loop3A_65, %parallel_loop3A_73 : i32
        %parallel_loop3A_75 = arith.index_cast %parallel_loop3A_74 : i32 to index
        %parallel_loop3A_76 = tpu.vector_load %arg14[%parallel_loop3A_75] {strides = array<i32>} : memref<8192xf32, #tpu.memory_space<vmem>>, vector<16xf32>,
        tpu.vector_store %arg14[%parallel_loop3A_75], %parallel_loop3A_72 {strides = array<i32>} : memref<8192xf32, #tpu.memory_space<vmem>>, vector<16xf32>,
      } {sc.loop_unroll_factor = 8 : i64, sc.parallel_access}
      "tpu.region"() ({
        %run_scoped3A = tpu.sem_alloc : memref<!tpu.dma_semaphore, #tpu.memory_space<semaphore_mem>>
        %dma_start3A = arith.constant 8192 : i32
        %dma_start3A_65 = tpu.memref_slice %arg9[%add3A_11, %dma_start3A] : memref<64x16384xf32, #tpu.memory_space<hbm>> -> memref<1x8192xf32, #tpu.memory_space<hbm>>
        %dma_start3A_66 = tpu.memref_squeeze %dma_start3A_65 : memref<1x8192xf32, #tpu.memory_space<hbm>> -> memref<8192xf32, #tpu.memory_space<hbm>>
        %dma_start3A_67 = arith.constant 8192 : i32
        %dma_start3A_68 = tpu.memref_slice %arg9[%add3A_11, %dma_start3A_67] : memref<64x16384xf32, #tpu.memory_space<hbm>> -> memref<1x8192xf32, #tpu.memory_space<hbm>>
        %dma_start3A_69 = tpu.memref_squeeze %dma_start3A_68 : memref<1x8192xf32, #tpu.memory_space<hbm>> -> memref<8192xf32, #tpu.memory_space<hbm>>
        tpu.enqueue_dma source(%arg14 : memref<8192xf32, #tpu.memory_space<vmem>>) target(%dma_start3A_69 : memref<8192xf32, #tpu.memory_space<hbm>>) target_semaphore(%run_scoped3A : memref<!tpu.dma_semaphore, #tpu.memory_space<semaphore_mem>>)
        %dma_wait3A = arith.constant 8192 : i32
        %dma_wait3A_70 = tpu.memref_slice %arg9[%add3A_11, %dma_wait3A] : memref<64x16384xf32, #tpu.memory_space<hbm>> -> memref<1x8192xf32, #tpu.memory_space<hbm>>
        %dma_wait3A_71 = tpu.memref_squeeze %dma_wait3A_70 : memref<1x8192xf32, #tpu.memory_space<hbm>> -> memref<8192xf32, #tpu.memory_space<hbm>>
        %dma_wait3A_72 = arith.constant 8192 : i32
        %dma_wait3A_73 = tpu.memref_slice %arg9[%add3A_11, %dma_wait3A_72] : memref<64x16384xf32, #tpu.memory_space<hbm>> -> memref<1x8192xf32, #tpu.memory_space<hbm>>
        %dma_wait3A_74 = tpu.memref_squeeze %dma_wait3A_73 : memref<1x8192xf32, #tpu.memory_space<hbm>> -> memref<8192xf32, #tpu.memory_space<hbm>>
        tpu.wait_dma2 semaphore(%run_scoped3A : memref<!tpu.dma_semaphore, #tpu.memory_space<semaphore_mem>>) src(%arg14 : memref<8192xf32, #tpu.memory_space<vmem>>) dst(%dma_wait3A_74 : memref<8192xf32, #tpu.memory_space<hbm>>)
        tpu.yield
      }) : () -> ()
    } else {
    }
    %add3A_20 = arith.constant 1 : i32
    %add3A_21 = arith.addi %mul3A_4, %add3A_20 : i32
    %convert_element_type3A_22 = arith.extui %lt3A_1 : i1 to i32
    %cond3A_23 = arith.constant 0 : i32
    %cond3A_24 = arith.cmpi ne, %convert_element_type3A_22, %cond3A_23 : i32
    scf.if %cond3A_24 {
      "tpu.region"() ({
        %run_scoped3A = tpu.sem_alloc : memref<!tpu.dma_semaphore, #tpu.memory_space<semaphore_mem>>
        %dma_start3A = arith.constant 0 : i32
        %dma_start3A_65 = tpu.memref_slice %arg2[%add3A_21, %dma_start3A] : memref<64x100000xf32, #tpu.memory_space<hbm>> -> memref<1x100000xf32, #tpu.memory_space<hbm>>
        %dma_start3A_66 = tpu.memref_squeeze %dma_start3A_65 : memref<1x100000xf32, #tpu.memory_space<hbm>> -> memref<100000xf32, #tpu.memory_space<hbm>>
        %dma_start3A_67 = arith.constant 0 : i32
        %dma_start3A_68 = tpu.memref_slice %arg2[%add3A_21, %dma_start3A_67] : memref<64x100000xf32, #tpu.memory_space<hbm>> -> memref<1x100000xf32, #tpu.memory_space<hbm>>
        %dma_start3A_69 = tpu.memref_squeeze %dma_start3A_68 : memref<1x100000xf32, #tpu.memory_space<hbm>> -> memref<100000xf32, #tpu.memory_space<hbm>>
        tpu.enqueue_dma source(%dma_start3A_69 : memref<100000xf32, #tpu.memory_space<hbm>>) target(%arg12 : memref<100000xf32, #tpu.memory_space<vmem>>) target_semaphore(%run_scoped3A : memref<!tpu.dma_semaphore, #tpu.memory_space<semaphore_mem>>)
        %dma_wait3A = arith.constant 0 : i32
        %dma_wait3A_70 = tpu.memref_slice %arg2[%add3A_21, %dma_wait3A] : memref<64x100000xf32, #tpu.memory_space<hbm>> -> memref<1x100000xf32, #tpu.memory_space<hbm>>
        %dma_wait3A_71 = tpu.memref_squeeze %dma_wait3A_70 : memref<1x100000xf32, #tpu.memory_space<hbm>> -> memref<100000xf32, #tpu.memory_space<hbm>>
        %dma_wait3A_72 = arith.constant 0 : i32
        %dma_wait3A_73 = tpu.memref_slice %arg2[%add3A_21, %dma_wait3A_72] : memref<64x100000xf32, #tpu.memory_space<hbm>> -> memref<1x100000xf32, #tpu.memory_space<hbm>>
        %dma_wait3A_74 = tpu.memref_squeeze %dma_wait3A_73 : memref<1x100000xf32, #tpu.memory_space<hbm>> -> memref<100000xf32, #tpu.memory_space<hbm>>
        tpu.wait_dma2 semaphore(%run_scoped3A : memref<!tpu.dma_semaphore, #tpu.memory_space<semaphore_mem>>) src(%dma_wait3A_74 : memref<100000xf32, #tpu.memory_space<hbm>>) dst(%arg12 : memref<100000xf32, #tpu.memory_space<vmem>>)
        tpu.yield
      }) : () -> ()
      %parallel_loop3A = arith.constant 0 : i32
      %parallel_loop3A_60 = arith.constant 512 : i32
      %parallel_loop3A_61 = arith.constant 1 : i32
      scf.for %parallel_loop3A_65 = %parallel_loop3A to %parallel_loop3A_60 step %parallel_loop3A_61  : i32 {
        %parallel_loop3A_66 = arith.constant 16 : i32
        %parallel_loop3A_67 = arith.muli %parallel_loop3A_65, %parallel_loop3A_66 : i32
        %parallel_loop3A_68 = arith.constant 0 : i32
        %parallel_loop3A_69 = arith.addi %parallel_loop3A_68, %parallel_loop3A_67 : i32
        %parallel_loop3A_70 = arith.index_cast %parallel_loop3A_69 : i32 to index
        %parallel_loop3A_71 = tpu.vector_load %arg13[%parallel_loop3A_70] {strides = array<i32>} : memref<16384xi32, #tpu.memory_space<vmem>>, vector<16xi32>,
        %parallel_loop3A_72 = tpu.vector_load_idx %arg12[%parallel_loop3A_71] : memref<100000xf32, #tpu.memory_space<vmem>>[vector<16xi32>], vector<16xf32>,
        %parallel_loop3A_73 = arith.constant 16 : i32
        %parallel_loop3A_74 = arith.muli %parallel_loop3A_65, %parallel_loop3A_73 : i32
        %parallel_loop3A_75 = arith.index_cast %parallel_loop3A_74 : i32 to index
        %parallel_loop3A_76 = tpu.vector_load %arg14[%parallel_loop3A_75] {strides = array<i32>} : memref<8192xf32, #tpu.memory_space<vmem>>, vector<16xf32>,
        tpu.vector_store %arg14[%parallel_loop3A_75], %parallel_loop3A_72 {strides = array<i32>} : memref<8192xf32, #tpu.memory_space<vmem>>, vector<16xf32>,
      } {sc.loop_unroll_factor = 8 : i64, sc.parallel_access}
      "tpu.region"() ({
        %run_scoped3A = tpu.sem_alloc : memref<!tpu.dma_semaphore, #tpu.memory_space<semaphore_mem>>
        %dma_start3A = arith.constant 0 : i32
        %dma_start3A_65 = tpu.memref_slice %arg8[%add3A_21, %dma_start3A] : memref<64x16384xf32, #tpu.memory_space<hbm>> -> memref<1x8192xf32, #tpu.memory_space<hbm>>
        %dma_start3A_66 = tpu.memref_squeeze %dma_start3A_65 : memref<1x8192xf32, #tpu.memory_space<hbm>> -> memref<8192xf32, #tpu.memory_space<hbm>>
        %dma_start3A_67 = arith.constant 0 : i32
        %dma_start3A_68 = tpu.memref_slice %arg8[%add3A_21, %dma_start3A_67] : memref<64x16384xf32, #tpu.memory_space<hbm>> -> memref<1x8192xf32, #tpu.memory_space<hbm>>
        %dma_start3A_69 = tpu.memref_squeeze %dma_start3A_68 : memref<1x8192xf32, #tpu.memory_space<hbm>> -> memref<8192xf32, #tpu.memory_space<hbm>>
        tpu.enqueue_dma source(%arg14 : memref<8192xf32, #tpu.memory_space<vmem>>) target(%dma_start3A_69 : memref<8192xf32, #tpu.memory_space<hbm>>) target_semaphore(%run_scoped3A : memref<!tpu.dma_semaphore, #tpu.memory_space<semaphore_mem>>)
        %dma_wait3A = arith.constant 0 : i32
        %dma_wait3A_70 = tpu.memref_slice %arg8[%add3A_21, %dma_wait3A] : memref<64x16384xf32, #tpu.memory_space<hbm>> -> memref<1x8192xf32, #tpu.memory_space<hbm>>
        %dma_wait3A_71 = tpu.memref_squeeze %dma_wait3A_70 : memref<1x8192xf32, #tpu.memory_space<hbm>> -> memref<8192xf32, #tpu.memory_space<hbm>>
        %dma_wait3A_72 = arith.constant 0 : i32
        %dma_wait3A_73 = tpu.memref_slice %arg8[%add3A_21, %dma_wait3A_72] : memref<64x16384xf32, #tpu.memory_space<hbm>> -> memref<1x8192xf32, #tpu.memory_space<hbm>>
        %dma_wait3A_74 = tpu.memref_squeeze %dma_wait3A_73 : memref<1x8192xf32, #tpu.memory_space<hbm>> -> memref<8192xf32, #tpu.memory_space<hbm>>
        tpu.wait_dma2 semaphore(%run_scoped3A : memref<!tpu.dma_semaphore, #tpu.memory_space<semaphore_mem>>) src(%arg14 : memref<8192xf32, #tpu.memory_space<vmem>>) dst(%dma_wait3A_74 : memref<8192xf32, #tpu.memory_space<hbm>>)
        tpu.yield
      }) : () -> ()
      %parallel_loop3A_62 = arith.constant 0 : i32
      %parallel_loop3A_63 = arith.constant 512 : i32
      %parallel_loop3A_64 = arith.constant 1 : i32
      scf.for %parallel_loop3A_65 = %parallel_loop3A_62 to %parallel_loop3A_63 step %parallel_loop3A_64  : i32 {
        %parallel_loop3A_66 = arith.constant 16 : i32
        %parallel_loop3A_67 = arith.muli %parallel_loop3A_65, %parallel_loop3A_66 : i32
        %parallel_loop3A_68 = arith.constant 8192 : i32
        %parallel_loop3A_69 = arith.addi %parallel_loop3A_68, %parallel_loop3A_67 : i32
        %parallel_loop3A_70 = arith.index_cast %parallel_loop3A_69 : i32 to index
        %parallel_loop3A_71 = tpu.vector_load %arg13[%parallel_loop3A_70] {strides = array<i32>} : memref<16384xi32, #tpu.memory_space<vmem>>, vector<16xi32>,
        %parallel_loop3A_72 = tpu.vector_load_idx %arg12[%parallel_loop3A_71] : memref<100000xf32, #tpu.memory_space<vmem>>[vector<16xi32>], vector<16xf32>,
        %parallel_loop3A_73 = arith.constant 16 : i32
        %parallel_loop3A_74 = arith.muli %parallel_loop3A_65, %parallel_loop3A_73 : i32
        %parallel_loop3A_75 = arith.index_cast %parallel_loop3A_74 : i32 to index
        %parallel_loop3A_76 = tpu.vector_load %arg14[%parallel_loop3A_75] {strides = array<i32>} : memref<8192xf32, #tpu.memory_space<vmem>>, vector<16xf32>,
        tpu.vector_store %arg14[%parallel_loop3A_75], %parallel_loop3A_72 {strides = array<i32>} : memref<8192xf32, #tpu.memory_space<vmem>>, vector<16xf32>,
      } {sc.loop_unroll_factor = 8 : i64, sc.parallel_access}
      "tpu.region"() ({
        %run_scoped3A = tpu.sem_alloc : memref<!tpu.dma_semaphore, #tpu.memory_space<semaphore_mem>>
        %dma_start3A = arith.constant 8192 : i32
        %dma_start3A_65 = tpu.memref_slice %arg8[%add3A_21, %dma_start3A] : memref<64x16384xf32, #tpu.memory_space<hbm>> -> memref<1x8192xf32, #tpu.memory_space<hbm>>
        %dma_start3A_66 = tpu.memref_squeeze %dma_start3A_65 : memref<1x8192xf32, #tpu.memory_space<hbm>> -> memref<8192xf32, #tpu.memory_space<hbm>>
        %dma_start3A_67 = arith.constant 8192 : i32
        %dma_start3A_68 = tpu.memref_slice %arg8[%add3A_21, %dma_start3A_67] : memref<64x16384xf32, #tpu.memory_space<hbm>> -> memref<1x8192xf32, #tpu.memory_space<hbm>>
        %dma_start3A_69 = tpu.memref_squeeze %dma_start3A_68 : memref<1x8192xf32, #tpu.memory_space<hbm>> -> memref<8192xf32, #tpu.memory_space<hbm>>
        tpu.enqueue_dma source(%arg14 : memref<8192xf32, #tpu.memory_space<vmem>>) target(%dma_start3A_69 : memref<8192xf32, #tpu.memory_space<hbm>>) target_semaphore(%run_scoped3A : memref<!tpu.dma_semaphore, #tpu.memory_space<semaphore_mem>>)
        %dma_wait3A = arith.constant 8192 : i32
        %dma_wait3A_70 = tpu.memref_slice %arg8[%add3A_21, %dma_wait3A] : memref<64x16384xf32, #tpu.memory_space<hbm>> -> memref<1x8192xf32, #tpu.memory_space<hbm>>
        %dma_wait3A_71 = tpu.memref_squeeze %dma_wait3A_70 : memref<1x8192xf32, #tpu.memory_space<hbm>> -> memref<8192xf32, #tpu.memory_space<hbm>>
        %dma_wait3A_72 = arith.constant 8192 : i32
        %dma_wait3A_73 = tpu.memref_slice %arg8[%add3A_21, %dma_wait3A_72] : memref<64x16384xf32, #tpu.memory_space<hbm>> -> memref<1x8192xf32, #tpu.memory_space<hbm>>
        %dma_wait3A_74 = tpu.memref_squeeze %dma_wait3A_73 : memref<1x8192xf32, #tpu.memory_space<hbm>> -> memref<8192xf32, #tpu.memory_space<hbm>>
        tpu.wait_dma2 semaphore(%run_scoped3A : memref<!tpu.dma_semaphore, #tpu.memory_space<semaphore_mem>>) src(%arg14 : memref<8192xf32, #tpu.memory_space<vmem>>) dst(%dma_wait3A_74 : memref<8192xf32, #tpu.memory_space<hbm>>)
        tpu.yield
      }) : () -> ()
    } else {
    }
    %not3A_25 = arith.constant true
    %not3A_26 = arith.xori %lt3A_1, %not3A_25 : i1
    %convert_element_type3A_27 = arith.extui %not3A_26 : i1 to i32
    %cond3A_28 = arith.constant 0 : i32
    %cond3A_29 = arith.cmpi ne, %convert_element_type3A_27, %cond3A_28 : i32
    scf.if %cond3A_29 {
      "tpu.region"() ({
        %run_scoped3A = tpu.sem_alloc : memref<!tpu.dma_semaphore, #tpu.memory_space<semaphore_mem>>
        %dma_start3A = arith.constant 0 : i32
        %dma_start3A_65 = tpu.memref_slice %arg3[%add3A_21, %dma_start3A] : memref<64x100000xf32, #tpu.memory_space<hbm>> -> memref<1x100000xf32, #tpu.memory_space<hbm>>
        %dma_start3A_66 = tpu.memref_squeeze %dma_start3A_65 : memref<1x100000xf32, #tpu.memory_space<hbm>> -> memref<100000xf32, #tpu.memory_space<hbm>>
        %dma_start3A_67 = arith.constant 0 : i32
        %dma_start3A_68 = tpu.memref_slice %arg3[%add3A_21, %dma_start3A_67] : memref<64x100000xf32, #tpu.memory_space<hbm>> -> memref<1x100000xf32, #tpu.memory_space<hbm>>
        %dma_start3A_69 = tpu.memref_squeeze %dma_start3A_68 : memref<1x100000xf32, #tpu.memory_space<hbm>> -> memref<100000xf32, #tpu.memory_space<hbm>>
        tpu.enqueue_dma source(%dma_start3A_69 : memref<100000xf32, #tpu.memory_space<hbm>>) target(%arg12 : memref<100000xf32, #tpu.memory_space<vmem>>) target_semaphore(%run_scoped3A : memref<!tpu.dma_semaphore, #tpu.memory_space<semaphore_mem>>)
        %dma_wait3A = arith.constant 0 : i32
        %dma_wait3A_70 = tpu.memref_slice %arg3[%add3A_21, %dma_wait3A] : memref<64x100000xf32, #tpu.memory_space<hbm>> -> memref<1x100000xf32, #tpu.memory_space<hbm>>
        %dma_wait3A_71 = tpu.memref_squeeze %dma_wait3A_70 : memref<1x100000xf32, #tpu.memory_space<hbm>> -> memref<100000xf32, #tpu.memory_space<hbm>>
        %dma_wait3A_72 = arith.constant 0 : i32
        %dma_wait3A_73 = tpu.memref_slice %arg3[%add3A_21, %dma_wait3A_72] : memref<64x100000xf32, #tpu.memory_space<hbm>> -> memref<1x100000xf32, #tpu.memory_space<hbm>>
        %dma_wait3A_74 = tpu.memref_squeeze %dma_wait3A_73 : memref<1x100000xf32, #tpu.memory_space<hbm>> -> memref<100000xf32, #tpu.memory_space<hbm>>
        tpu.wait_dma2 semaphore(%run_scoped3A : memref<!tpu.dma_semaphore, #tpu.memory_space<semaphore_mem>>) src(%dma_wait3A_74 : memref<100000xf32, #tpu.memory_space<hbm>>) dst(%arg12 : memref<100000xf32, #tpu.memory_space<vmem>>)
        tpu.yield
      }) : () -> ()
      %parallel_loop3A = arith.constant 0 : i32
      %parallel_loop3A_60 = arith.constant 512 : i32
      %parallel_loop3A_61 = arith.constant 1 : i32
      scf.for %parallel_loop3A_65 = %parallel_loop3A to %parallel_loop3A_60 step %parallel_loop3A_61  : i32 {
        %parallel_loop3A_66 = arith.constant 16 : i32
        %parallel_loop3A_67 = arith.muli %parallel_loop3A_65, %parallel_loop3A_66 : i32
        %parallel_loop3A_68 = arith.constant 0 : i32
        %parallel_loop3A_69 = arith.addi %parallel_loop3A_68, %parallel_loop3A_67 : i32
        %parallel_loop3A_70 = arith.index_cast %parallel_loop3A_69 : i32 to index
        %parallel_loop3A_71 = tpu.vector_load %arg13[%parallel_loop3A_70] {strides = array<i32>} : memref<16384xi32, #tpu.memory_space<vmem>>, vector<16xi32>,
        %parallel_loop3A_72 = tpu.vector_load_idx %arg12[%parallel_loop3A_71] : memref<100000xf32, #tpu.memory_space<vmem>>[vector<16xi32>], vector<16xf32>,
        %parallel_loop3A_73 = arith.constant 16 : i32
        %parallel_loop3A_74 = arith.muli %parallel_loop3A_65, %parallel_loop3A_73 : i32
        %parallel_loop3A_75 = arith.index_cast %parallel_loop3A_74 : i32 to index
        %parallel_loop3A_76 = tpu.vector_load %arg14[%parallel_loop3A_75] {strides = array<i32>} : memref<8192xf32, #tpu.memory_space<vmem>>, vector<16xf32>,
        tpu.vector_store %arg14[%parallel_loop3A_75], %parallel_loop3A_72 {strides = array<i32>} : memref<8192xf32, #tpu.memory_space<vmem>>, vector<16xf32>,
      } {sc.loop_unroll_factor = 8 : i64, sc.parallel_access}
      "tpu.region"() ({
        %run_scoped3A = tpu.sem_alloc : memref<!tpu.dma_semaphore, #tpu.memory_space<semaphore_mem>>
        %dma_start3A = arith.constant 0 : i32
        %dma_start3A_65 = tpu.memref_slice %arg9[%add3A_21, %dma_start3A] : memref<64x16384xf32, #tpu.memory_space<hbm>> -> memref<1x8192xf32, #tpu.memory_space<hbm>>
        %dma_start3A_66 = tpu.memref_squeeze %dma_start3A_65 : memref<1x8192xf32, #tpu.memory_space<hbm>> -> memref<8192xf32, #tpu.memory_space<hbm>>
        %dma_start3A_67 = arith.constant 0 : i32
        %dma_start3A_68 = tpu.memref_slice %arg9[%add3A_21, %dma_start3A_67] : memref<64x16384xf32, #tpu.memory_space<hbm>> -> memref<1x8192xf32, #tpu.memory_space<hbm>>
        %dma_start3A_69 = tpu.memref_squeeze %dma_start3A_68 : memref<1x8192xf32, #tpu.memory_space<hbm>> -> memref<8192xf32, #tpu.memory_space<hbm>>
        tpu.enqueue_dma source(%arg14 : memref<8192xf32, #tpu.memory_space<vmem>>) target(%dma_start3A_69 : memref<8192xf32, #tpu.memory_space<hbm>>) target_semaphore(%run_scoped3A : memref<!tpu.dma_semaphore, #tpu.memory_space<semaphore_mem>>)
        %dma_wait3A = arith.constant 0 : i32
        %dma_wait3A_70 = tpu.memref_slice %arg9[%add3A_21, %dma_wait3A] : memref<64x16384xf32, #tpu.memory_space<hbm>> -> memref<1x8192xf32, #tpu.memory_space<hbm>>
        %dma_wait3A_71 = tpu.memref_squeeze %dma_wait3A_70 : memref<1x8192xf32, #tpu.memory_space<hbm>> -> memref<8192xf32, #tpu.memory_space<hbm>>
        %dma_wait3A_72 = arith.constant 0 : i32
        %dma_wait3A_73 = tpu.memref_slice %arg9[%add3A_21, %dma_wait3A_72] : memref<64x16384xf32, #tpu.memory_space<hbm>> -> memref<1x8192xf32, #tpu.memory_space<hbm>>
        %dma_wait3A_74 = tpu.memref_squeeze %dma_wait3A_73 : memref<1x8192xf32, #tpu.memory_space<hbm>> -> memref<8192xf32, #tpu.memory_space<hbm>>
        tpu.wait_dma2 semaphore(%run_scoped3A : memref<!tpu.dma_semaphore, #tpu.memory_space<semaphore_mem>>) src(%arg14 : memref<8192xf32, #tpu.memory_space<vmem>>) dst(%dma_wait3A_74 : memref<8192xf32, #tpu.memory_space<hbm>>)
        tpu.yield
      }) : () -> ()
      %parallel_loop3A_62 = arith.constant 0 : i32
      %parallel_loop3A_63 = arith.constant 512 : i32
      %parallel_loop3A_64 = arith.constant 1 : i32
      scf.for %parallel_loop3A_65 = %parallel_loop3A_62 to %parallel_loop3A_63 step %parallel_loop3A_64  : i32 {
        %parallel_loop3A_66 = arith.constant 16 : i32
        %parallel_loop3A_67 = arith.muli %parallel_loop3A_65, %parallel_loop3A_66 : i32
        %parallel_loop3A_68 = arith.constant 8192 : i32
        %parallel_loop3A_69 = arith.addi %parallel_loop3A_68, %parallel_loop3A_67 : i32
        %parallel_loop3A_70 = arith.index_cast %parallel_loop3A_69 : i32 to index
        %parallel_loop3A_71 = tpu.vector_load %arg13[%parallel_loop3A_70] {strides = array<i32>} : memref<16384xi32, #tpu.memory_space<vmem>>, vector<16xi32>,
        %parallel_loop3A_72 = tpu.vector_load_idx %arg12[%parallel_loop3A_71] : memref<100000xf32, #tpu.memory_space<vmem>>[vector<16xi32>], vector<16xf32>,
        %parallel_loop3A_73 = arith.constant 16 : i32
        %parallel_loop3A_74 = arith.muli %parallel_loop3A_65, %parallel_loop3A_73 : i32
        %parallel_loop3A_75 = arith.index_cast %parallel_loop3A_74 : i32 to index
        %parallel_loop3A_76 = tpu.vector_load %arg14[%parallel_loop3A_75] {strides = array<i32>} : memref<8192xf32, #tpu.memory_space<vmem>>, vector<16xf32>,
        tpu.vector_store %arg14[%parallel_loop3A_75], %parallel_loop3A_72 {strides = array<i32>} : memref<8192xf32, #tpu.memory_space<vmem>>, vector<16xf32>,
      } {sc.loop_unroll_factor = 8 : i64, sc.parallel_access}
      "tpu.region"() ({
        %run_scoped3A = tpu.sem_alloc : memref<!tpu.dma_semaphore, #tpu.memory_space<semaphore_mem>>
        %dma_start3A = arith.constant 8192 : i32
        %dma_start3A_65 = tpu.memref_slice %arg9[%add3A_21, %dma_start3A] : memref<64x16384xf32, #tpu.memory_space<hbm>> -> memref<1x8192xf32, #tpu.memory_space<hbm>>
        %dma_start3A_66 = tpu.memref_squeeze %dma_start3A_65 : memref<1x8192xf32, #tpu.memory_space<hbm>> -> memref<8192xf32, #tpu.memory_space<hbm>>
        %dma_start3A_67 = arith.constant 8192 : i32
        %dma_start3A_68 = tpu.memref_slice %arg9[%add3A_21, %dma_start3A_67] : memref<64x16384xf32, #tpu.memory_space<hbm>> -> memref<1x8192xf32, #tpu.memory_space<hbm>>
        %dma_start3A_69 = tpu.memref_squeeze %dma_start3A_68 : memref<1x8192xf32, #tpu.memory_space<hbm>> -> memref<8192xf32, #tpu.memory_space<hbm>>
        tpu.enqueue_dma source(%arg14 : memref<8192xf32, #tpu.memory_space<vmem>>) target(%dma_start3A_69 : memref<8192xf32, #tpu.memory_space<hbm>>) target_semaphore(%run_scoped3A : memref<!tpu.dma_semaphore, #tpu.memory_space<semaphore_mem>>)
        %dma_wait3A = arith.constant 8192 : i32
        %dma_wait3A_70 = tpu.memref_slice %arg9[%add3A_21, %dma_wait3A] : memref<64x16384xf32, #tpu.memory_space<hbm>> -> memref<1x8192xf32, #tpu.memory_space<hbm>>
        %dma_wait3A_71 = tpu.memref_squeeze %dma_wait3A_70 : memref<1x8192xf32, #tpu.memory_space<hbm>> -> memref<8192xf32, #tpu.memory_space<hbm>>
        %dma_wait3A_72 = arith.constant 8192 : i32
        %dma_wait3A_73 = tpu.memref_slice %arg9[%add3A_21, %dma_wait3A_72] : memref<64x16384xf32, #tpu.memory_space<hbm>> -> memref<1x8192xf32, #tpu.memory_space<hbm>>
        %dma_wait3A_74 = tpu.memref_squeeze %dma_wait3A_73 : memref<1x8192xf32, #tpu.memory_space<hbm>> -> memref<8192xf32, #tpu.memory_space<hbm>>
        tpu.wait_dma2 semaphore(%run_scoped3A : memref<!tpu.dma_semaphore, #tpu.memory_space<semaphore_mem>>) src(%arg14 : memref<8192xf32, #tpu.memory_space<vmem>>) dst(%dma_wait3A_74 : memref<8192xf32, #tpu.memory_space<hbm>>)
        tpu.yield
      }) : () -> ()
    } else {
    }
    %add3A_30 = arith.constant 2 : i32
    %add3A_31 = arith.addi %mul3A_4, %add3A_30 : i32
    %convert_element_type3A_32 = arith.extui %lt3A_1 : i1 to i32
    %cond3A_33 = arith.constant 0 : i32
    %cond3A_34 = arith.cmpi ne, %convert_element_type3A_32, %cond3A_33 : i32
    scf.if %cond3A_34 {
      "tpu.region"() ({
        %run_scoped3A = tpu.sem_alloc : memref<!tpu.dma_semaphore, #tpu.memory_space<semaphore_mem>>
        %dma_start3A = arith.constant 0 : i32
        %dma_start3A_65 = tpu.memref_slice %arg2[%add3A_31, %dma_start3A] : memref<64x100000xf32, #tpu.memory_space<hbm>> -> memref<1x100000xf32, #tpu.memory_space<hbm>>
        %dma_start3A_66 = tpu.memref_squeeze %dma_start3A_65 : memref<1x100000xf32, #tpu.memory_space<hbm>> -> memref<100000xf32, #tpu.memory_space<hbm>>
        %dma_start3A_67 = arith.constant 0 : i32
        %dma_start3A_68 = tpu.memref_slice %arg2[%add3A_31, %dma_start3A_67] : memref<64x100000xf32, #tpu.memory_space<hbm>> -> memref<1x100000xf32, #tpu.memory_space<hbm>>
        %dma_start3A_69 = tpu.memref_squeeze %dma_start3A_68 : memref<1x100000xf32, #tpu.memory_space<hbm>> -> memref<100000xf32, #tpu.memory_space<hbm>>
        tpu.enqueue_dma source(%dma_start3A_69 : memref<100000xf32, #tpu.memory_space<hbm>>) target(%arg12 : memref<100000xf32, #tpu.memory_space<vmem>>) target_semaphore(%run_scoped3A : memref<!tpu.dma_semaphore, #tpu.memory_space<semaphore_mem>>)
        %dma_wait3A = arith.constant 0 : i32
        %dma_wait3A_70 = tpu.memref_slice %arg2[%add3A_31, %dma_wait3A] : memref<64x100000xf32, #tpu.memory_space<hbm>> -> memref<1x100000xf32, #tpu.memory_space<hbm>>
        %dma_wait3A_71 = tpu.memref_squeeze %dma_wait3A_70 : memref<1x100000xf32, #tpu.memory_space<hbm>> -> memref<100000xf32, #tpu.memory_space<hbm>>
        %dma_wait3A_72 = arith.constant 0 : i32
        %dma_wait3A_73 = tpu.memref_slice %arg2[%add3A_31, %dma_wait3A_72] : memref<64x100000xf32, #tpu.memory_space<hbm>> -> memref<1x100000xf32, #tpu.memory_space<hbm>>
        %dma_wait3A_74 = tpu.memref_squeeze %dma_wait3A_73 : memref<1x100000xf32, #tpu.memory_space<hbm>> -> memref<100000xf32, #tpu.memory_space<hbm>>
        tpu.wait_dma2 semaphore(%run_scoped3A : memref<!tpu.dma_semaphore, #tpu.memory_space<semaphore_mem>>) src(%dma_wait3A_74 : memref<100000xf32, #tpu.memory_space<hbm>>) dst(%arg12 : memref<100000xf32, #tpu.memory_space<vmem>>)
        tpu.yield
      }) : () -> ()
      %parallel_loop3A = arith.constant 0 : i32
      %parallel_loop3A_60 = arith.constant 512 : i32
      %parallel_loop3A_61 = arith.constant 1 : i32
      scf.for %parallel_loop3A_65 = %parallel_loop3A to %parallel_loop3A_60 step %parallel_loop3A_61  : i32 {
        %parallel_loop3A_66 = arith.constant 16 : i32
        %parallel_loop3A_67 = arith.muli %parallel_loop3A_65, %parallel_loop3A_66 : i32
        %parallel_loop3A_68 = arith.constant 0 : i32
        %parallel_loop3A_69 = arith.addi %parallel_loop3A_68, %parallel_loop3A_67 : i32
        %parallel_loop3A_70 = arith.index_cast %parallel_loop3A_69 : i32 to index
        %parallel_loop3A_71 = tpu.vector_load %arg13[%parallel_loop3A_70] {strides = array<i32>} : memref<16384xi32, #tpu.memory_space<vmem>>, vector<16xi32>,
        %parallel_loop3A_72 = tpu.vector_load_idx %arg12[%parallel_loop3A_71] : memref<100000xf32, #tpu.memory_space<vmem>>[vector<16xi32>], vector<16xf32>,
        %parallel_loop3A_73 = arith.constant 16 : i32
        %parallel_loop3A_74 = arith.muli %parallel_loop3A_65, %parallel_loop3A_73 : i32
        %parallel_loop3A_75 = arith.index_cast %parallel_loop3A_74 : i32 to index
        %parallel_loop3A_76 = tpu.vector_load %arg14[%parallel_loop3A_75] {strides = array<i32>} : memref<8192xf32, #tpu.memory_space<vmem>>, vector<16xf32>,
        tpu.vector_store %arg14[%parallel_loop3A_75], %parallel_loop3A_72 {strides = array<i32>} : memref<8192xf32, #tpu.memory_space<vmem>>, vector<16xf32>,
      } {sc.loop_unroll_factor = 8 : i64, sc.parallel_access}
      "tpu.region"() ({
        %run_scoped3A = tpu.sem_alloc : memref<!tpu.dma_semaphore, #tpu.memory_space<semaphore_mem>>
        %dma_start3A = arith.constant 0 : i32
        %dma_start3A_65 = tpu.memref_slice %arg8[%add3A_31, %dma_start3A] : memref<64x16384xf32, #tpu.memory_space<hbm>> -> memref<1x8192xf32, #tpu.memory_space<hbm>>
        %dma_start3A_66 = tpu.memref_squeeze %dma_start3A_65 : memref<1x8192xf32, #tpu.memory_space<hbm>> -> memref<8192xf32, #tpu.memory_space<hbm>>
        %dma_start3A_67 = arith.constant 0 : i32
        %dma_start3A_68 = tpu.memref_slice %arg8[%add3A_31, %dma_start3A_67] : memref<64x16384xf32, #tpu.memory_space<hbm>> -> memref<1x8192xf32, #tpu.memory_space<hbm>>
        %dma_start3A_69 = tpu.memref_squeeze %dma_start3A_68 : memref<1x8192xf32, #tpu.memory_space<hbm>> -> memref<8192xf32, #tpu.memory_space<hbm>>
        tpu.enqueue_dma source(%arg14 : memref<8192xf32, #tpu.memory_space<vmem>>) target(%dma_start3A_69 : memref<8192xf32, #tpu.memory_space<hbm>>) target_semaphore(%run_scoped3A : memref<!tpu.dma_semaphore, #tpu.memory_space<semaphore_mem>>)
        %dma_wait3A = arith.constant 0 : i32
        %dma_wait3A_70 = tpu.memref_slice %arg8[%add3A_31, %dma_wait3A] : memref<64x16384xf32, #tpu.memory_space<hbm>> -> memref<1x8192xf32, #tpu.memory_space<hbm>>
        %dma_wait3A_71 = tpu.memref_squeeze %dma_wait3A_70 : memref<1x8192xf32, #tpu.memory_space<hbm>> -> memref<8192xf32, #tpu.memory_space<hbm>>
        %dma_wait3A_72 = arith.constant 0 : i32
        %dma_wait3A_73 = tpu.memref_slice %arg8[%add3A_31, %dma_wait3A_72] : memref<64x16384xf32, #tpu.memory_space<hbm>> -> memref<1x8192xf32, #tpu.memory_space<hbm>>
        %dma_wait3A_74 = tpu.memref_squeeze %dma_wait3A_73 : memref<1x8192xf32, #tpu.memory_space<hbm>> -> memref<8192xf32, #tpu.memory_space<hbm>>
        tpu.wait_dma2 semaphore(%run_scoped3A : memref<!tpu.dma_semaphore, #tpu.memory_space<semaphore_mem>>) src(%arg14 : memref<8192xf32, #tpu.memory_space<vmem>>) dst(%dma_wait3A_74 : memref<8192xf32, #tpu.memory_space<hbm>>)
        tpu.yield
      }) : () -> ()
      %parallel_loop3A_62 = arith.constant 0 : i32
      %parallel_loop3A_63 = arith.constant 512 : i32
      %parallel_loop3A_64 = arith.constant 1 : i32
      scf.for %parallel_loop3A_65 = %parallel_loop3A_62 to %parallel_loop3A_63 step %parallel_loop3A_64  : i32 {
        %parallel_loop3A_66 = arith.constant 16 : i32
        %parallel_loop3A_67 = arith.muli %parallel_loop3A_65, %parallel_loop3A_66 : i32
        %parallel_loop3A_68 = arith.constant 8192 : i32
        %parallel_loop3A_69 = arith.addi %parallel_loop3A_68, %parallel_loop3A_67 : i32
        %parallel_loop3A_70 = arith.index_cast %parallel_loop3A_69 : i32 to index
        %parallel_loop3A_71 = tpu.vector_load %arg13[%parallel_loop3A_70] {strides = array<i32>} : memref<16384xi32, #tpu.memory_space<vmem>>, vector<16xi32>,
        %parallel_loop3A_72 = tpu.vector_load_idx %arg12[%parallel_loop3A_71] : memref<100000xf32, #tpu.memory_space<vmem>>[vector<16xi32>], vector<16xf32>,
        %parallel_loop3A_73 = arith.constant 16 : i32
        %parallel_loop3A_74 = arith.muli %parallel_loop3A_65, %parallel_loop3A_73 : i32
        %parallel_loop3A_75 = arith.index_cast %parallel_loop3A_74 : i32 to index
        %parallel_loop3A_76 = tpu.vector_load %arg14[%parallel_loop3A_75] {strides = array<i32>} : memref<8192xf32, #tpu.memory_space<vmem>>, vector<16xf32>,
        tpu.vector_store %arg14[%parallel_loop3A_75], %parallel_loop3A_72 {strides = array<i32>} : memref<8192xf32, #tpu.memory_space<vmem>>, vector<16xf32>,
      } {sc.loop_unroll_factor = 8 : i64, sc.parallel_access}
      "tpu.region"() ({
        %run_scoped3A = tpu.sem_alloc : memref<!tpu.dma_semaphore, #tpu.memory_space<semaphore_mem>>
        %dma_start3A = arith.constant 8192 : i32
        %dma_start3A_65 = tpu.memref_slice %arg8[%add3A_31, %dma_start3A] : memref<64x16384xf32, #tpu.memory_space<hbm>> -> memref<1x8192xf32, #tpu.memory_space<hbm>>
        %dma_start3A_66 = tpu.memref_squeeze %dma_start3A_65 : memref<1x8192xf32, #tpu.memory_space<hbm>> -> memref<8192xf32, #tpu.memory_space<hbm>>
        %dma_start3A_67 = arith.constant 8192 : i32
        %dma_start3A_68 = tpu.memref_slice %arg8[%add3A_31, %dma_start3A_67] : memref<64x16384xf32, #tpu.memory_space<hbm>> -> memref<1x8192xf32, #tpu.memory_space<hbm>>
        %dma_start3A_69 = tpu.memref_squeeze %dma_start3A_68 : memref<1x8192xf32, #tpu.memory_space<hbm>> -> memref<8192xf32, #tpu.memory_space<hbm>>
        tpu.enqueue_dma source(%arg14 : memref<8192xf32, #tpu.memory_space<vmem>>) target(%dma_start3A_69 : memref<8192xf32, #tpu.memory_space<hbm>>) target_semaphore(%run_scoped3A : memref<!tpu.dma_semaphore, #tpu.memory_space<semaphore_mem>>)
        %dma_wait3A = arith.constant 8192 : i32
        %dma_wait3A_70 = tpu.memref_slice %arg8[%add3A_31, %dma_wait3A] : memref<64x16384xf32, #tpu.memory_space<hbm>> -> memref<1x8192xf32, #tpu.memory_space<hbm>>
        %dma_wait3A_71 = tpu.memref_squeeze %dma_wait3A_70 : memref<1x8192xf32, #tpu.memory_space<hbm>> -> memref<8192xf32, #tpu.memory_space<hbm>>
        %dma_wait3A_72 = arith.constant 8192 : i32
        %dma_wait3A_73 = tpu.memref_slice %arg8[%add3A_31, %dma_wait3A_72] : memref<64x16384xf32, #tpu.memory_space<hbm>> -> memref<1x8192xf32, #tpu.memory_space<hbm>>
        %dma_wait3A_74 = tpu.memref_squeeze %dma_wait3A_73 : memref<1x8192xf32, #tpu.memory_space<hbm>> -> memref<8192xf32, #tpu.memory_space<hbm>>
        tpu.wait_dma2 semaphore(%run_scoped3A : memref<!tpu.dma_semaphore, #tpu.memory_space<semaphore_mem>>) src(%arg14 : memref<8192xf32, #tpu.memory_space<vmem>>) dst(%dma_wait3A_74 : memref<8192xf32, #tpu.memory_space<hbm>>)
        tpu.yield
      }) : () -> ()
    } else {
    }
    %not3A_35 = arith.constant true
    %not3A_36 = arith.xori %lt3A_1, %not3A_35 : i1
    %convert_element_type3A_37 = arith.extui %not3A_36 : i1 to i32
    %cond3A_38 = arith.constant 0 : i32
    %cond3A_39 = arith.cmpi ne, %convert_element_type3A_37, %cond3A_38 : i32
    scf.if %cond3A_39 {
      "tpu.region"() ({
        %run_scoped3A = tpu.sem_alloc : memref<!tpu.dma_semaphore, #tpu.memory_space<semaphore_mem>>
        %dma_start3A = arith.constant 0 : i32
        %dma_start3A_65 = tpu.memref_slice %arg3[%add3A_31, %dma_start3A] : memref<64x100000xf32, #tpu.memory_space<hbm>> -> memref<1x100000xf32, #tpu.memory_space<hbm>>
        %dma_start3A_66 = tpu.memref_squeeze %dma_start3A_65 : memref<1x100000xf32, #tpu.memory_space<hbm>> -> memref<100000xf32, #tpu.memory_space<hbm>>
        %dma_start3A_67 = arith.constant 0 : i32
        %dma_start3A_68 = tpu.memref_slice %arg3[%add3A_31, %dma_start3A_67] : memref<64x100000xf32, #tpu.memory_space<hbm>> -> memref<1x100000xf32, #tpu.memory_space<hbm>>
        %dma_start3A_69 = tpu.memref_squeeze %dma_start3A_68 : memref<1x100000xf32, #tpu.memory_space<hbm>> -> memref<100000xf32, #tpu.memory_space<hbm>>
        tpu.enqueue_dma source(%dma_start3A_69 : memref<100000xf32, #tpu.memory_space<hbm>>) target(%arg12 : memref<100000xf32, #tpu.memory_space<vmem>>) target_semaphore(%run_scoped3A : memref<!tpu.dma_semaphore, #tpu.memory_space<semaphore_mem>>)
        %dma_wait3A = arith.constant 0 : i32
        %dma_wait3A_70 = tpu.memref_slice %arg3[%add3A_31, %dma_wait3A] : memref<64x100000xf32, #tpu.memory_space<hbm>> -> memref<1x100000xf32, #tpu.memory_space<hbm>>
        %dma_wait3A_71 = tpu.memref_squeeze %dma_wait3A_70 : memref<1x100000xf32, #tpu.memory_space<hbm>> -> memref<100000xf32, #tpu.memory_space<hbm>>
        %dma_wait3A_72 = arith.constant 0 : i32
        %dma_wait3A_73 = tpu.memref_slice %arg3[%add3A_31, %dma_wait3A_72] : memref<64x100000xf32, #tpu.memory_space<hbm>> -> memref<1x100000xf32, #tpu.memory_space<hbm>>
        %dma_wait3A_74 = tpu.memref_squeeze %dma_wait3A_73 : memref<1x100000xf32, #tpu.memory_space<hbm>> -> memref<100000xf32, #tpu.memory_space<hbm>>
        tpu.wait_dma2 semaphore(%run_scoped3A : memref<!tpu.dma_semaphore, #tpu.memory_space<semaphore_mem>>) src(%dma_wait3A_74 : memref<100000xf32, #tpu.memory_space<hbm>>) dst(%arg12 : memref<100000xf32, #tpu.memory_space<vmem>>)
        tpu.yield
      }) : () -> ()
      %parallel_loop3A = arith.constant 0 : i32
      %parallel_loop3A_60 = arith.constant 512 : i32
      %parallel_loop3A_61 = arith.constant 1 : i32
      scf.for %parallel_loop3A_65 = %parallel_loop3A to %parallel_loop3A_60 step %parallel_loop3A_61  : i32 {
        %parallel_loop3A_66 = arith.constant 16 : i32
        %parallel_loop3A_67 = arith.muli %parallel_loop3A_65, %parallel_loop3A_66 : i32
        %parallel_loop3A_68 = arith.constant 0 : i32
        %parallel_loop3A_69 = arith.addi %parallel_loop3A_68, %parallel_loop3A_67 : i32
        %parallel_loop3A_70 = arith.index_cast %parallel_loop3A_69 : i32 to index
        %parallel_loop3A_71 = tpu.vector_load %arg13[%parallel_loop3A_70] {strides = array<i32>} : memref<16384xi32, #tpu.memory_space<vmem>>, vector<16xi32>,
        %parallel_loop3A_72 = tpu.vector_load_idx %arg12[%parallel_loop3A_71] : memref<100000xf32, #tpu.memory_space<vmem>>[vector<16xi32>], vector<16xf32>,
        %parallel_loop3A_73 = arith.constant 16 : i32
        %parallel_loop3A_74 = arith.muli %parallel_loop3A_65, %parallel_loop3A_73 : i32
        %parallel_loop3A_75 = arith.index_cast %parallel_loop3A_74 : i32 to index
        %parallel_loop3A_76 = tpu.vector_load %arg14[%parallel_loop3A_75] {strides = array<i32>} : memref<8192xf32, #tpu.memory_space<vmem>>, vector<16xf32>,
        tpu.vector_store %arg14[%parallel_loop3A_75], %parallel_loop3A_72 {strides = array<i32>} : memref<8192xf32, #tpu.memory_space<vmem>>, vector<16xf32>,
      } {sc.loop_unroll_factor = 8 : i64, sc.parallel_access}
      "tpu.region"() ({
        %run_scoped3A = tpu.sem_alloc : memref<!tpu.dma_semaphore, #tpu.memory_space<semaphore_mem>>
        %dma_start3A = arith.constant 0 : i32
        %dma_start3A_65 = tpu.memref_slice %arg9[%add3A_31, %dma_start3A] : memref<64x16384xf32, #tpu.memory_space<hbm>> -> memref<1x8192xf32, #tpu.memory_space<hbm>>
        %dma_start3A_66 = tpu.memref_squeeze %dma_start3A_65 : memref<1x8192xf32, #tpu.memory_space<hbm>> -> memref<8192xf32, #tpu.memory_space<hbm>>
        %dma_start3A_67 = arith.constant 0 : i32
        %dma_start3A_68 = tpu.memref_slice %arg9[%add3A_31, %dma_start3A_67] : memref<64x16384xf32, #tpu.memory_space<hbm>> -> memref<1x8192xf32, #tpu.memory_space<hbm>>
        %dma_start3A_69 = tpu.memref_squeeze %dma_start3A_68 : memref<1x8192xf32, #tpu.memory_space<hbm>> -> memref<8192xf32, #tpu.memory_space<hbm>>
        tpu.enqueue_dma source(%arg14 : memref<8192xf32, #tpu.memory_space<vmem>>) target(%dma_start3A_69 : memref<8192xf32, #tpu.memory_space<hbm>>) target_semaphore(%run_scoped3A : memref<!tpu.dma_semaphore, #tpu.memory_space<semaphore_mem>>)
        %dma_wait3A = arith.constant 0 : i32
        %dma_wait3A_70 = tpu.memref_slice %arg9[%add3A_31, %dma_wait3A] : memref<64x16384xf32, #tpu.memory_space<hbm>> -> memref<1x8192xf32, #tpu.memory_space<hbm>>
        %dma_wait3A_71 = tpu.memref_squeeze %dma_wait3A_70 : memref<1x8192xf32, #tpu.memory_space<hbm>> -> memref<8192xf32, #tpu.memory_space<hbm>>
        %dma_wait3A_72 = arith.constant 0 : i32
        %dma_wait3A_73 = tpu.memref_slice %arg9[%add3A_31, %dma_wait3A_72] : memref<64x16384xf32, #tpu.memory_space<hbm>> -> memref<1x8192xf32, #tpu.memory_space<hbm>>
        %dma_wait3A_74 = tpu.memref_squeeze %dma_wait3A_73 : memref<1x8192xf32, #tpu.memory_space<hbm>> -> memref<8192xf32, #tpu.memory_space<hbm>>
        tpu.wait_dma2 semaphore(%run_scoped3A : memref<!tpu.dma_semaphore, #tpu.memory_space<semaphore_mem>>) src(%arg14 : memref<8192xf32, #tpu.memory_space<vmem>>) dst(%dma_wait3A_74 : memref<8192xf32, #tpu.memory_space<hbm>>)
        tpu.yield
      }) : () -> ()
      %parallel_loop3A_62 = arith.constant 0 : i32
      %parallel_loop3A_63 = arith.constant 512 : i32
      %parallel_loop3A_64 = arith.constant 1 : i32
      scf.for %parallel_loop3A_65 = %parallel_loop3A_62 to %parallel_loop3A_63 step %parallel_loop3A_64  : i32 {
        %parallel_loop3A_66 = arith.constant 16 : i32
        %parallel_loop3A_67 = arith.muli %parallel_loop3A_65, %parallel_loop3A_66 : i32
        %parallel_loop3A_68 = arith.constant 8192 : i32
        %parallel_loop3A_69 = arith.addi %parallel_loop3A_68, %parallel_loop3A_67 : i32
        %parallel_loop3A_70 = arith.index_cast %parallel_loop3A_69 : i32 to index
        %parallel_loop3A_71 = tpu.vector_load %arg13[%parallel_loop3A_70] {strides = array<i32>} : memref<16384xi32, #tpu.memory_space<vmem>>, vector<16xi32>,
        %parallel_loop3A_72 = tpu.vector_load_idx %arg12[%parallel_loop3A_71] : memref<100000xf32, #tpu.memory_space<vmem>>[vector<16xi32>], vector<16xf32>,
        %parallel_loop3A_73 = arith.constant 16 : i32
        %parallel_loop3A_74 = arith.muli %parallel_loop3A_65, %parallel_loop3A_73 : i32
        %parallel_loop3A_75 = arith.index_cast %parallel_loop3A_74 : i32 to index
        %parallel_loop3A_76 = tpu.vector_load %arg14[%parallel_loop3A_75] {strides = array<i32>} : memref<8192xf32, #tpu.memory_space<vmem>>, vector<16xf32>,
        tpu.vector_store %arg14[%parallel_loop3A_75], %parallel_loop3A_72 {strides = array<i32>} : memref<8192xf32, #tpu.memory_space<vmem>>, vector<16xf32>,
      } {sc.loop_unroll_factor = 8 : i64, sc.parallel_access}
      "tpu.region"() ({
        %run_scoped3A = tpu.sem_alloc : memref<!tpu.dma_semaphore, #tpu.memory_space<semaphore_mem>>
        %dma_start3A = arith.constant 8192 : i32
        %dma_start3A_65 = tpu.memref_slice %arg9[%add3A_31, %dma_start3A] : memref<64x16384xf32, #tpu.memory_space<hbm>> -> memref<1x8192xf32, #tpu.memory_space<hbm>>
        %dma_start3A_66 = tpu.memref_squeeze %dma_start3A_65 : memref<1x8192xf32, #tpu.memory_space<hbm>> -> memref<8192xf32, #tpu.memory_space<hbm>>
        %dma_start3A_67 = arith.constant 8192 : i32
        %dma_start3A_68 = tpu.memref_slice %arg9[%add3A_31, %dma_start3A_67] : memref<64x16384xf32, #tpu.memory_space<hbm>> -> memref<1x8192xf32, #tpu.memory_space<hbm>>
        %dma_start3A_69 = tpu.memref_squeeze %dma_start3A_68 : memref<1x8192xf32, #tpu.memory_space<hbm>> -> memref<8192xf32, #tpu.memory_space<hbm>>
        tpu.enqueue_dma source(%arg14 : memref<8192xf32, #tpu.memory_space<vmem>>) target(%dma_start3A_69 : memref<8192xf32, #tpu.memory_space<hbm>>) target_semaphore(%run_scoped3A : memref<!tpu.dma_semaphore, #tpu.memory_space<semaphore_mem>>)
        %dma_wait3A = arith.constant 8192 : i32
        %dma_wait3A_70 = tpu.memref_slice %arg9[%add3A_31, %dma_wait3A] : memref<64x16384xf32, #tpu.memory_space<hbm>> -> memref<1x8192xf32, #tpu.memory_space<hbm>>
        %dma_wait3A_71 = tpu.memref_squeeze %dma_wait3A_70 : memref<1x8192xf32, #tpu.memory_space<hbm>> -> memref<8192xf32, #tpu.memory_space<hbm>>
        %dma_wait3A_72 = arith.constant 8192 : i32
        %dma_wait3A_73 = tpu.memref_slice %arg9[%add3A_31, %dma_wait3A_72] : memref<64x16384xf32, #tpu.memory_space<hbm>> -> memref<1x8192xf32, #tpu.memory_space<hbm>>
        %dma_wait3A_74 = tpu.memref_squeeze %dma_wait3A_73 : memref<1x8192xf32, #tpu.memory_space<hbm>> -> memref<8192xf32, #tpu.memory_space<hbm>>
        tpu.wait_dma2 semaphore(%run_scoped3A : memref<!tpu.dma_semaphore, #tpu.memory_space<semaphore_mem>>) src(%arg14 : memref<8192xf32, #tpu.memory_space<vmem>>) dst(%dma_wait3A_74 : memref<8192xf32, #tpu.memory_space<hbm>>)
        tpu.yield
      }) : () -> ()
    } else {
    }
    %add3A_40 = arith.constant 3 : i32
    %add3A_41 = arith.addi %mul3A_4, %add3A_40 : i32
    %convert_element_type3A_42 = arith.extui %lt3A_1 : i1 to i32
    %cond3A_43 = arith.constant 0 : i32
    %cond3A_44 = arith.cmpi ne, %convert_element_type3A_42, %cond3A_43 : i32
    scf.if %cond3A_44 {
      "tpu.region"() ({
        %run_scoped3A = tpu.sem_alloc : memref<!tpu.dma_semaphore, #tpu.memory_space<semaphore_mem>>
        %dma_start3A = arith.constant 0 : i32
        %dma_start3A_65 = tpu.memref_slice %arg2[%add3A_41, %dma_start3A] : memref<64x100000xf32, #tpu.memory_space<hbm>> -> memref<1x100000xf32, #tpu.memory_space<hbm>>
        %dma_start3A_66 = tpu.memref_squeeze %dma_start3A_65 : memref<1x100000xf32, #tpu.memory_space<hbm>> -> memref<100000xf32, #tpu.memory_space<hbm>>
        %dma_start3A_67 = arith.constant 0 : i32
        %dma_start3A_68 = tpu.memref_slice %arg2[%add3A_41, %dma_start3A_67] : memref<64x100000xf32, #tpu.memory_space<hbm>> -> memref<1x100000xf32, #tpu.memory_space<hbm>>
        %dma_start3A_69 = tpu.memref_squeeze %dma_start3A_68 : memref<1x100000xf32, #tpu.memory_space<hbm>> -> memref<100000xf32, #tpu.memory_space<hbm>>
        tpu.enqueue_dma source(%dma_start3A_69 : memref<100000xf32, #tpu.memory_space<hbm>>) target(%arg12 : memref<100000xf32, #tpu.memory_space<vmem>>) target_semaphore(%run_scoped3A : memref<!tpu.dma_semaphore, #tpu.memory_space<semaphore_mem>>)
        %dma_wait3A = arith.constant 0 : i32
        %dma_wait3A_70 = tpu.memref_slice %arg2[%add3A_41, %dma_wait3A] : memref<64x100000xf32, #tpu.memory_space<hbm>> -> memref<1x100000xf32, #tpu.memory_space<hbm>>
        %dma_wait3A_71 = tpu.memref_squeeze %dma_wait3A_70 : memref<1x100000xf32, #tpu.memory_space<hbm>> -> memref<100000xf32, #tpu.memory_space<hbm>>
        %dma_wait3A_72 = arith.constant 0 : i32
        %dma_wait3A_73 = tpu.memref_slice %arg2[%add3A_41, %dma_wait3A_72] : memref<64x100000xf32, #tpu.memory_space<hbm>> -> memref<1x100000xf32, #tpu.memory_space<hbm>>
        %dma_wait3A_74 = tpu.memref_squeeze %dma_wait3A_73 : memref<1x100000xf32, #tpu.memory_space<hbm>> -> memref<100000xf32, #tpu.memory_space<hbm>>
        tpu.wait_dma2 semaphore(%run_scoped3A : memref<!tpu.dma_semaphore, #tpu.memory_space<semaphore_mem>>) src(%dma_wait3A_74 : memref<100000xf32, #tpu.memory_space<hbm>>) dst(%arg12 : memref<100000xf32, #tpu.memory_space<vmem>>)
        tpu.yield
      }) : () -> ()
      %parallel_loop3A = arith.constant 0 : i32
      %parallel_loop3A_60 = arith.constant 512 : i32
      %parallel_loop3A_61 = arith.constant 1 : i32
      scf.for %parallel_loop3A_65 = %parallel_loop3A to %parallel_loop3A_60 step %parallel_loop3A_61  : i32 {
        %parallel_loop3A_66 = arith.constant 16 : i32
        %parallel_loop3A_67 = arith.muli %parallel_loop3A_65, %parallel_loop3A_66 : i32
        %parallel_loop3A_68 = arith.constant 0 : i32
        %parallel_loop3A_69 = arith.addi %parallel_loop3A_68, %parallel_loop3A_67 : i32
        %parallel_loop3A_70 = arith.index_cast %parallel_loop3A_69 : i32 to index
        %parallel_loop3A_71 = tpu.vector_load %arg13[%parallel_loop3A_70] {strides = array<i32>} : memref<16384xi32, #tpu.memory_space<vmem>>, vector<16xi32>,
        %parallel_loop3A_72 = tpu.vector_load_idx %arg12[%parallel_loop3A_71] : memref<100000xf32, #tpu.memory_space<vmem>>[vector<16xi32>], vector<16xf32>,
        %parallel_loop3A_73 = arith.constant 16 : i32
        %parallel_loop3A_74 = arith.muli %parallel_loop3A_65, %parallel_loop3A_73 : i32
        %parallel_loop3A_75 = arith.index_cast %parallel_loop3A_74 : i32 to index
        %parallel_loop3A_76 = tpu.vector_load %arg14[%parallel_loop3A_75] {strides = array<i32>} : memref<8192xf32, #tpu.memory_space<vmem>>, vector<16xf32>,
        tpu.vector_store %arg14[%parallel_loop3A_75], %parallel_loop3A_72 {strides = array<i32>} : memref<8192xf32, #tpu.memory_space<vmem>>, vector<16xf32>,
      } {sc.loop_unroll_factor = 8 : i64, sc.parallel_access}
      "tpu.region"() ({
        %run_scoped3A = tpu.sem_alloc : memref<!tpu.dma_semaphore, #tpu.memory_space<semaphore_mem>>
        %dma_start3A = arith.constant 0 : i32
        %dma_start3A_65 = tpu.memref_slice %arg8[%add3A_41, %dma_start3A] : memref<64x16384xf32, #tpu.memory_space<hbm>> -> memref<1x8192xf32, #tpu.memory_space<hbm>>
        %dma_start3A_66 = tpu.memref_squeeze %dma_start3A_65 : memref<1x8192xf32, #tpu.memory_space<hbm>> -> memref<8192xf32, #tpu.memory_space<hbm>>
        %dma_start3A_67 = arith.constant 0 : i32
        %dma_start3A_68 = tpu.memref_slice %arg8[%add3A_41, %dma_start3A_67] : memref<64x16384xf32, #tpu.memory_space<hbm>> -> memref<1x8192xf32, #tpu.memory_space<hbm>>
        %dma_start3A_69 = tpu.memref_squeeze %dma_start3A_68 : memref<1x8192xf32, #tpu.memory_space<hbm>> -> memref<8192xf32, #tpu.memory_space<hbm>>
        tpu.enqueue_dma source(%arg14 : memref<8192xf32, #tpu.memory_space<vmem>>) target(%dma_start3A_69 : memref<8192xf32, #tpu.memory_space<hbm>>) target_semaphore(%run_scoped3A : memref<!tpu.dma_semaphore, #tpu.memory_space<semaphore_mem>>)
        %dma_wait3A = arith.constant 0 : i32
        %dma_wait3A_70 = tpu.memref_slice %arg8[%add3A_41, %dma_wait3A] : memref<64x16384xf32, #tpu.memory_space<hbm>> -> memref<1x8192xf32, #tpu.memory_space<hbm>>
        %dma_wait3A_71 = tpu.memref_squeeze %dma_wait3A_70 : memref<1x8192xf32, #tpu.memory_space<hbm>> -> memref<8192xf32, #tpu.memory_space<hbm>>
        %dma_wait3A_72 = arith.constant 0 : i32
        %dma_wait3A_73 = tpu.memref_slice %arg8[%add3A_41, %dma_wait3A_72] : memref<64x16384xf32, #tpu.memory_space<hbm>> -> memref<1x8192xf32, #tpu.memory_space<hbm>>
        %dma_wait3A_74 = tpu.memref_squeeze %dma_wait3A_73 : memref<1x8192xf32, #tpu.memory_space<hbm>> -> memref<8192xf32, #tpu.memory_space<hbm>>
        tpu.wait_dma2 semaphore(%run_scoped3A : memref<!tpu.dma_semaphore, #tpu.memory_space<semaphore_mem>>) src(%arg14 : memref<8192xf32, #tpu.memory_space<vmem>>) dst(%dma_wait3A_74 : memref<8192xf32, #tpu.memory_space<hbm>>)
        tpu.yield
      }) : () -> ()
      %parallel_loop3A_62 = arith.constant 0 : i32
      %parallel_loop3A_63 = arith.constant 512 : i32
      %parallel_loop3A_64 = arith.constant 1 : i32
      scf.for %parallel_loop3A_65 = %parallel_loop3A_62 to %parallel_loop3A_63 step %parallel_loop3A_64  : i32 {
        %parallel_loop3A_66 = arith.constant 16 : i32
        %parallel_loop3A_67 = arith.muli %parallel_loop3A_65, %parallel_loop3A_66 : i32
        %parallel_loop3A_68 = arith.constant 8192 : i32
        %parallel_loop3A_69 = arith.addi %parallel_loop3A_68, %parallel_loop3A_67 : i32
        %parallel_loop3A_70 = arith.index_cast %parallel_loop3A_69 : i32 to index
        %parallel_loop3A_71 = tpu.vector_load %arg13[%parallel_loop3A_70] {strides = array<i32>} : memref<16384xi32, #tpu.memory_space<vmem>>, vector<16xi32>,
        %parallel_loop3A_72 = tpu.vector_load_idx %arg12[%parallel_loop3A_71] : memref<100000xf32, #tpu.memory_space<vmem>>[vector<16xi32>], vector<16xf32>,
        %parallel_loop3A_73 = arith.constant 16 : i32
        %parallel_loop3A_74 = arith.muli %parallel_loop3A_65, %parallel_loop3A_73 : i32
        %parallel_loop3A_75 = arith.index_cast %parallel_loop3A_74 : i32 to index
        %parallel_loop3A_76 = tpu.vector_load %arg14[%parallel_loop3A_75] {strides = array<i32>} : memref<8192xf32, #tpu.memory_space<vmem>>, vector<16xf32>,
        tpu.vector_store %arg14[%parallel_loop3A_75], %parallel_loop3A_72 {strides = array<i32>} : memref<8192xf32, #tpu.memory_space<vmem>>, vector<16xf32>,
      } {sc.loop_unroll_factor = 8 : i64, sc.parallel_access}
      "tpu.region"() ({
        %run_scoped3A = tpu.sem_alloc : memref<!tpu.dma_semaphore, #tpu.memory_space<semaphore_mem>>
        %dma_start3A = arith.constant 8192 : i32
        %dma_start3A_65 = tpu.memref_slice %arg8[%add3A_41, %dma_start3A] : memref<64x16384xf32, #tpu.memory_space<hbm>> -> memref<1x8192xf32, #tpu.memory_space<hbm>>
        %dma_start3A_66 = tpu.memref_squeeze %dma_start3A_65 : memref<1x8192xf32, #tpu.memory_space<hbm>> -> memref<8192xf32, #tpu.memory_space<hbm>>
        %dma_start3A_67 = arith.constant 8192 : i32
        %dma_start3A_68 = tpu.memref_slice %arg8[%add3A_41, %dma_start3A_67] : memref<64x16384xf32, #tpu.memory_space<hbm>> -> memref<1x8192xf32, #tpu.memory_space<hbm>>
        %dma_start3A_69 = tpu.memref_squeeze %dma_start3A_68 : memref<1x8192xf32, #tpu.memory_space<hbm>> -> memref<8192xf32, #tpu.memory_space<hbm>>
        tpu.enqueue_dma source(%arg14 : memref<8192xf32, #tpu.memory_space<vmem>>) target(%dma_start3A_69 : memref<8192xf32, #tpu.memory_space<hbm>>) target_semaphore(%run_scoped3A : memref<!tpu.dma_semaphore, #tpu.memory_space<semaphore_mem>>)
        %dma_wait3A = arith.constant 8192 : i32
        %dma_wait3A_70 = tpu.memref_slice %arg8[%add3A_41, %dma_wait3A] : memref<64x16384xf32, #tpu.memory_space<hbm>> -> memref<1x8192xf32, #tpu.memory_space<hbm>>
        %dma_wait3A_71 = tpu.memref_squeeze %dma_wait3A_70 : memref<1x8192xf32, #tpu.memory_space<hbm>> -> memref<8192xf32, #tpu.memory_space<hbm>>
        %dma_wait3A_72 = arith.constant 8192 : i32
        %dma_wait3A_73 = tpu.memref_slice %arg8[%add3A_41, %dma_wait3A_72] : memref<64x16384xf32, #tpu.memory_space<hbm>> -> memref<1x8192xf32, #tpu.memory_space<hbm>>
        %dma_wait3A_74 = tpu.memref_squeeze %dma_wait3A_73 : memref<1x8192xf32, #tpu.memory_space<hbm>> -> memref<8192xf32, #tpu.memory_space<hbm>>
        tpu.wait_dma2 semaphore(%run_scoped3A : memref<!tpu.dma_semaphore, #tpu.memory_space<semaphore_mem>>) src(%arg14 : memref<8192xf32, #tpu.memory_space<vmem>>) dst(%dma_wait3A_74 : memref<8192xf32, #tpu.memory_space<hbm>>)
        tpu.yield
      }) : () -> ()
    } else {
    }
    %not3A_45 = arith.constant true
    %not3A_46 = arith.xori %lt3A_1, %not3A_45 : i1
    %convert_element_type3A_47 = arith.extui %not3A_46 : i1 to i32
    %cond3A_48 = arith.constant 0 : i32
    %cond3A_49 = arith.cmpi ne, %convert_element_type3A_47, %cond3A_48 : i32
    scf.if %cond3A_49 {
      "tpu.region"() ({
        %run_scoped3A = tpu.sem_alloc : memref<!tpu.dma_semaphore, #tpu.memory_space<semaphore_mem>>
        %dma_start3A = arith.constant 0 : i32
        %dma_start3A_65 = tpu.memref_slice %arg3[%add3A_41, %dma_start3A] : memref<64x100000xf32, #tpu.memory_space<hbm>> -> memref<1x100000xf32, #tpu.memory_space<hbm>>
        %dma_start3A_66 = tpu.memref_squeeze %dma_start3A_65 : memref<1x100000xf32, #tpu.memory_space<hbm>> -> memref<100000xf32, #tpu.memory_space<hbm>>
        %dma_start3A_67 = arith.constant 0 : i32
        %dma_start3A_68 = tpu.memref_slice %arg3[%add3A_41, %dma_start3A_67] : memref<64x100000xf32, #tpu.memory_space<hbm>> -> memref<1x100000xf32, #tpu.memory_space<hbm>>
        %dma_start3A_69 = tpu.memref_squeeze %dma_start3A_68 : memref<1x100000xf32, #tpu.memory_space<hbm>> -> memref<100000xf32, #tpu.memory_space<hbm>>
        tpu.enqueue_dma source(%dma_start3A_69 : memref<100000xf32, #tpu.memory_space<hbm>>) target(%arg12 : memref<100000xf32, #tpu.memory_space<vmem>>) target_semaphore(%run_scoped3A : memref<!tpu.dma_semaphore, #tpu.memory_space<semaphore_mem>>)
        %dma_wait3A = arith.constant 0 : i32
        %dma_wait3A_70 = tpu.memref_slice %arg3[%add3A_41, %dma_wait3A] : memref<64x100000xf32, #tpu.memory_space<hbm>> -> memref<1x100000xf32, #tpu.memory_space<hbm>>
        %dma_wait3A_71 = tpu.memref_squeeze %dma_wait3A_70 : memref<1x100000xf32, #tpu.memory_space<hbm>> -> memref<100000xf32, #tpu.memory_space<hbm>>
        %dma_wait3A_72 = arith.constant 0 : i32
        %dma_wait3A_73 = tpu.memref_slice %arg3[%add3A_41, %dma_wait3A_72] : memref<64x100000xf32, #tpu.memory_space<hbm>> -> memref<1x100000xf32, #tpu.memory_space<hbm>>
        %dma_wait3A_74 = tpu.memref_squeeze %dma_wait3A_73 : memref<1x100000xf32, #tpu.memory_space<hbm>> -> memref<100000xf32, #tpu.memory_space<hbm>>
        tpu.wait_dma2 semaphore(%run_scoped3A : memref<!tpu.dma_semaphore, #tpu.memory_space<semaphore_mem>>) src(%dma_wait3A_74 : memref<100000xf32, #tpu.memory_space<hbm>>) dst(%arg12 : memref<100000xf32, #tpu.memory_space<vmem>>)
        tpu.yield
      }) : () -> ()
      %parallel_loop3A = arith.constant 0 : i32
      %parallel_loop3A_60 = arith.constant 512 : i32
      %parallel_loop3A_61 = arith.constant 1 : i32
      scf.for %parallel_loop3A_65 = %parallel_loop3A to %parallel_loop3A_60 step %parallel_loop3A_61  : i32 {
        %parallel_loop3A_66 = arith.constant 16 : i32
        %parallel_loop3A_67 = arith.muli %parallel_loop3A_65, %parallel_loop3A_66 : i32
        %parallel_loop3A_68 = arith.constant 0 : i32
        %parallel_loop3A_69 = arith.addi %parallel_loop3A_68, %parallel_loop3A_67 : i32
        %parallel_loop3A_70 = arith.index_cast %parallel_loop3A_69 : i32 to index
        %parallel_loop3A_71 = tpu.vector_load %arg13[%parallel_loop3A_70] {strides = array<i32>} : memref<16384xi32, #tpu.memory_space<vmem>>, vector<16xi32>,
        %parallel_loop3A_72 = tpu.vector_load_idx %arg12[%parallel_loop3A_71] : memref<100000xf32, #tpu.memory_space<vmem>>[vector<16xi32>], vector<16xf32>,
        %parallel_loop3A_73 = arith.constant 16 : i32
        %parallel_loop3A_74 = arith.muli %parallel_loop3A_65, %parallel_loop3A_73 : i32
        %parallel_loop3A_75 = arith.index_cast %parallel_loop3A_74 : i32 to index
        %parallel_loop3A_76 = tpu.vector_load %arg14[%parallel_loop3A_75] {strides = array<i32>} : memref<8192xf32, #tpu.memory_space<vmem>>, vector<16xf32>,
        tpu.vector_store %arg14[%parallel_loop3A_75], %parallel_loop3A_72 {strides = array<i32>} : memref<8192xf32, #tpu.memory_space<vmem>>, vector<16xf32>,
      } {sc.loop_unroll_factor = 8 : i64, sc.parallel_access}
      "tpu.region"() ({
        %run_scoped3A = tpu.sem_alloc : memref<!tpu.dma_semaphore, #tpu.memory_space<semaphore_mem>>
        %dma_start3A = arith.constant 0 : i32
        %dma_start3A_65 = tpu.memref_slice %arg9[%add3A_41, %dma_start3A] : memref<64x16384xf32, #tpu.memory_space<hbm>> -> memref<1x8192xf32, #tpu.memory_space<hbm>>
        %dma_start3A_66 = tpu.memref_squeeze %dma_start3A_65 : memref<1x8192xf32, #tpu.memory_space<hbm>> -> memref<8192xf32, #tpu.memory_space<hbm>>
        %dma_start3A_67 = arith.constant 0 : i32
        %dma_start3A_68 = tpu.memref_slice %arg9[%add3A_41, %dma_start3A_67] : memref<64x16384xf32, #tpu.memory_space<hbm>> -> memref<1x8192xf32, #tpu.memory_space<hbm>>
        %dma_start3A_69 = tpu.memref_squeeze %dma_start3A_68 : memref<1x8192xf32, #tpu.memory_space<hbm>> -> memref<8192xf32, #tpu.memory_space<hbm>>
        tpu.enqueue_dma source(%arg14 : memref<8192xf32, #tpu.memory_space<vmem>>) target(%dma_start3A_69 : memref<8192xf32, #tpu.memory_space<hbm>>) target_semaphore(%run_scoped3A : memref<!tpu.dma_semaphore, #tpu.memory_space<semaphore_mem>>)
        %dma_wait3A = arith.constant 0 : i32
        %dma_wait3A_70 = tpu.memref_slice %arg9[%add3A_41, %dma_wait3A] : memref<64x16384xf32, #tpu.memory_space<hbm>> -> memref<1x8192xf32, #tpu.memory_space<hbm>>
        %dma_wait3A_71 = tpu.memref_squeeze %dma_wait3A_70 : memref<1x8192xf32, #tpu.memory_space<hbm>> -> memref<8192xf32, #tpu.memory_space<hbm>>
        %dma_wait3A_72 = arith.constant 0 : i32
        %dma_wait3A_73 = tpu.memref_slice %arg9[%add3A_41, %dma_wait3A_72] : memref<64x16384xf32, #tpu.memory_space<hbm>> -> memref<1x8192xf32, #tpu.memory_space<hbm>>
        %dma_wait3A_74 = tpu.memref_squeeze %dma_wait3A_73 : memref<1x8192xf32, #tpu.memory_space<hbm>> -> memref<8192xf32, #tpu.memory_space<hbm>>
        tpu.wait_dma2 semaphore(%run_scoped3A : memref<!tpu.dma_semaphore, #tpu.memory_space<semaphore_mem>>) src(%arg14 : memref<8192xf32, #tpu.memory_space<vmem>>) dst(%dma_wait3A_74 : memref<8192xf32, #tpu.memory_space<hbm>>)
        tpu.yield
      }) : () -> ()
      %parallel_loop3A_62 = arith.constant 0 : i32
      %parallel_loop3A_63 = arith.constant 512 : i32
      %parallel_loop3A_64 = arith.constant 1 : i32
      scf.for %parallel_loop3A_65 = %parallel_loop3A_62 to %parallel_loop3A_63 step %parallel_loop3A_64  : i32 {
        %parallel_loop3A_66 = arith.constant 16 : i32
        %parallel_loop3A_67 = arith.muli %parallel_loop3A_65, %parallel_loop3A_66 : i32
        %parallel_loop3A_68 = arith.constant 8192 : i32
        %parallel_loop3A_69 = arith.addi %parallel_loop3A_68, %parallel_loop3A_67 : i32
        %parallel_loop3A_70 = arith.index_cast %parallel_loop3A_69 : i32 to index
        %parallel_loop3A_71 = tpu.vector_load %arg13[%parallel_loop3A_70] {strides = array<i32>} : memref<16384xi32, #tpu.memory_space<vmem>>, vector<16xi32>,
        %parallel_loop3A_72 = tpu.vector_load_idx %arg12[%parallel_loop3A_71] : memref<100000xf32, #tpu.memory_space<vmem>>[vector<16xi32>], vector<16xf32>,
        %parallel_loop3A_73 = arith.constant 16 : i32
        %parallel_loop3A_74 = arith.muli %parallel_loop3A_65, %parallel_loop3A_73 : i32
        %parallel_loop3A_75 = arith.index_cast %parallel_loop3A_74 : i32 to index
        %parallel_loop3A_76 = tpu.vector_load %arg14[%parallel_loop3A_75] {strides = array<i32>} : memref<8192xf32, #tpu.memory_space<vmem>>, vector<16xf32>,
        tpu.vector_store %arg14[%parallel_loop3A_75], %parallel_loop3A_72 {strides = array<i32>} : memref<8192xf32, #tpu.memory_space<vmem>>, vector<16xf32>,
      } {sc.loop_unroll_factor = 8 : i64, sc.parallel_access}
      "tpu.region"() ({
        %run_scoped3A = tpu.sem_alloc : memref<!tpu.dma_semaphore, #tpu.memory_space<semaphore_mem>>
        %dma_start3A = arith.constant 8192 : i32
        %dma_start3A_65 = tpu.memref_slice %arg9[%add3A_41, %dma_start3A] : memref<64x16384xf32, #tpu.memory_space<hbm>> -> memref<1x8192xf32, #tpu.memory_space<hbm>>
        %dma_start3A_66 = tpu.memref_squeeze %dma_start3A_65 : memref<1x8192xf32, #tpu.memory_space<hbm>> -> memref<8192xf32, #tpu.memory_space<hbm>>
        %dma_start3A_67 = arith.constant 8192 : i32
        %dma_start3A_68 = tpu.memref_slice %arg9[%add3A_41, %dma_start3A_67] : memref<64x16384xf32, #tpu.memory_space<hbm>> -> memref<1x8192xf32, #tpu.memory_space<hbm>>
        %dma_start3A_69 = tpu.memref_squeeze %dma_start3A_68 : memref<1x8192xf32, #tpu.memory_space<hbm>> -> memref<8192xf32, #tpu.memory_space<hbm>>
        tpu.enqueue_dma source(%arg14 : memref<8192xf32, #tpu.memory_space<vmem>>) target(%dma_start3A_69 : memref<8192xf32, #tpu.memory_space<hbm>>) target_semaphore(%run_scoped3A : memref<!tpu.dma_semaphore, #tpu.memory_space<semaphore_mem>>)
        %dma_wait3A = arith.constant 8192 : i32
        %dma_wait3A_70 = tpu.memref_slice %arg9[%add3A_41, %dma_wait3A] : memref<64x16384xf32, #tpu.memory_space<hbm>> -> memref<1x8192xf32, #tpu.memory_space<hbm>>
        %dma_wait3A_71 = tpu.memref_squeeze %dma_wait3A_70 : memref<1x8192xf32, #tpu.memory_space<hbm>> -> memref<8192xf32, #tpu.memory_space<hbm>>
        %dma_wait3A_72 = arith.constant 8192 : i32
        %dma_wait3A_73 = tpu.memref_slice %arg9[%add3A_41, %dma_wait3A_72] : memref<64x16384xf32, #tpu.memory_space<hbm>> -> memref<1x8192xf32, #tpu.memory_space<hbm>>
        %dma_wait3A_74 = tpu.memref_squeeze %dma_wait3A_73 : memref<1x8192xf32, #tpu.memory_space<hbm>> -> memref<8192xf32, #tpu.memory_space<hbm>>
        tpu.wait_dma2 semaphore(%run_scoped3A : memref<!tpu.dma_semaphore, #tpu.memory_space<semaphore_mem>>) src(%arg14 : memref<8192xf32, #tpu.memory_space<vmem>>) dst(%dma_wait3A_74 : memref<8192xf32, #tpu.memory_space<hbm>>)
        tpu.yield
      }) : () -> ()
    } else {
    }
    %mul3A_50 = arith.constant 1024 : i32
    %mul3A_51 = arith.muli %rem3A_2, %mul3A_50 : i32
    %convert_element_type3A_52 = arith.extui %lt3A_1 : i1 to i32
    %cond3A_53 = arith.constant 0 : i32
    %cond3A_54 = arith.cmpi ne, %convert_element_type3A_52, %cond3A_53 : i32
    scf.if %cond3A_54 {
      %add3A_60 = arith.constant 0 : i32
      %add3A_61 = arith.addi %mul3A_51, %add3A_60 : i32
      %dma_start3A = arith.constant 0 : i32
      %dma_start3A_62 = tpu.memref_slice %arg14[%dma_start3A] : memref<8192xf32, #tpu.memory_space<vmem>> -> memref<128xf32, #tpu.memory_space<vmem>>
      %dma_start3A_63 = tpu.memref_slice %arg13[%add3A_61] : memref<16384xi32, #tpu.memory_space<vmem>> -> memref<128xi32, #tpu.memory_space<vmem>>
      %dma_start3A_64 = arith.constant 0 : i32
      %dma_start3A_65 = tpu.memref_slice %arg4[%dma_start3A_64] : memref<100000xf32, #tpu.memory_space<hbm>> -> memref<100000xf32, #tpu.memory_space<hbm>>
      tpu.enqueue_indirect_dma source(%dma_start3A_65 : memref<100000xf32, #tpu.memory_space<hbm>>) target(%dma_start3A_62 : memref<128xf32, #tpu.memory_space<vmem>>) offsets(%dma_start3A_63 : memref<128xi32, #tpu.memory_space<vmem>>) semaphore(%arg15 : memref<!tpu.dma_semaphore, #tpu.memory_space<semaphore_mem>>)
      %add3A_66 = arith.constant 128 : i32
      %add3A_67 = arith.addi %mul3A_51, %add3A_66 : i32
      %dma_start3A_68 = arith.constant 128 : i32
      %dma_start3A_69 = tpu.memref_slice %arg14[%dma_start3A_68] : memref<8192xf32, #tpu.memory_space<vmem>> -> memref<128xf32, #tpu.memory_space<vmem>>
      %dma_start3A_70 = tpu.memref_slice %arg13[%add3A_67] : memref<16384xi32, #tpu.memory_space<vmem>> -> memref<128xi32, #tpu.memory_space<vmem>>
      %dma_start3A_71 = arith.constant 0 : i32
      %dma_start3A_72 = tpu.memref_slice %arg4[%dma_start3A_71] : memref<100000xf32, #tpu.memory_space<hbm>> -> memref<100000xf32, #tpu.memory_space<hbm>>
      tpu.enqueue_indirect_dma source(%dma_start3A_72 : memref<100000xf32, #tpu.memory_space<hbm>>) target(%dma_start3A_69 : memref<128xf32, #tpu.memory_space<vmem>>) offsets(%dma_start3A_70 : memref<128xi32, #tpu.memory_space<vmem>>) semaphore(%arg15 : memref<!tpu.dma_semaphore, #tpu.memory_space<semaphore_mem>>)
      %add3A_73 = arith.constant 256 : i32
      %add3A_74 = arith.addi %mul3A_51, %add3A_73 : i32
      %dma_start3A_75 = arith.constant 256 : i32
      %dma_start3A_76 = tpu.memref_slice %arg14[%dma_start3A_75] : memref<8192xf32, #tpu.memory_space<vmem>> -> memref<128xf32, #tpu.memory_space<vmem>>
      %dma_start3A_77 = tpu.memref_slice %arg13[%add3A_74] : memref<16384xi32, #tpu.memory_space<vmem>> -> memref<128xi32, #tpu.memory_space<vmem>>
      %dma_start3A_78 = arith.constant 0 : i32
      %dma_start3A_79 = tpu.memref_slice %arg4[%dma_start3A_78] : memref<100000xf32, #tpu.memory_space<hbm>> -> memref<100000xf32, #tpu.memory_space<hbm>>
      tpu.enqueue_indirect_dma source(%dma_start3A_79 : memref<100000xf32, #tpu.memory_space<hbm>>) target(%dma_start3A_76 : memref<128xf32, #tpu.memory_space<vmem>>) offsets(%dma_start3A_77 : memref<128xi32, #tpu.memory_space<vmem>>) semaphore(%arg15 : memref<!tpu.dma_semaphore, #tpu.memory_space<semaphore_mem>>)
      %add3A_80 = arith.constant 384 : i32
      %add3A_81 = arith.addi %mul3A_51, %add3A_80 : i32
      %dma_start3A_82 = arith.constant 384 : i32
      %dma_start3A_83 = tpu.memref_slice %arg14[%dma_start3A_82] : memref<8192xf32, #tpu.memory_space<vmem>> -> memref<128xf32, #tpu.memory_space<vmem>>
      %dma_start3A_84 = tpu.memref_slice %arg13[%add3A_81] : memref<16384xi32, #tpu.memory_space<vmem>> -> memref<128xi32, #tpu.memory_space<vmem>>
      %dma_start3A_85 = arith.constant 0 : i32
      %dma_start3A_86 = tpu.memref_slice %arg4[%dma_start3A_85] : memref<100000xf32, #tpu.memory_space<hbm>> -> memref<100000xf32, #tpu.memory_space<hbm>>
      tpu.enqueue_indirect_dma source(%dma_start3A_86 : memref<100000xf32, #tpu.memory_space<hbm>>) target(%dma_start3A_83 : memref<128xf32, #tpu.memory_space<vmem>>) offsets(%dma_start3A_84 : memref<128xi32, #tpu.memory_space<vmem>>) semaphore(%arg15 : memref<!tpu.dma_semaphore, #tpu.memory_space<semaphore_mem>>)
      %add3A_87 = arith.constant 512 : i32
      %add3A_88 = arith.addi %mul3A_51, %add3A_87 : i32
      %dma_start3A_89 = arith.constant 512 : i32
      %dma_start3A_90 = tpu.memref_slice %arg14[%dma_start3A_89] : memref<8192xf32, #tpu.memory_space<vmem>> -> memref<128xf32, #tpu.memory_space<vmem>>
      %dma_start3A_91 = tpu.memref_slice %arg13[%add3A_88] : memref<16384xi32, #tpu.memory_space<vmem>> -> memref<128xi32, #tpu.memory_space<vmem>>
      %dma_start3A_92 = arith.constant 0 : i32
      %dma_start3A_93 = tpu.memref_slice %arg4[%dma_start3A_92] : memref<100000xf32, #tpu.memory_space<hbm>> -> memref<100000xf32, #tpu.memory_space<hbm>>
      tpu.enqueue_indirect_dma source(%dma_start3A_93 : memref<100000xf32, #tpu.memory_space<hbm>>) target(%dma_start3A_90 : memref<128xf32, #tpu.memory_space<vmem>>) offsets(%dma_start3A_91 : memref<128xi32, #tpu.memory_space<vmem>>) semaphore(%arg15 : memref<!tpu.dma_semaphore, #tpu.memory_space<semaphore_mem>>)
      %add3A_94 = arith.constant 640 : i32
      %add3A_95 = arith.addi %mul3A_51, %add3A_94 : i32
      %dma_start3A_96 = arith.constant 640 : i32
      %dma_start3A_97 = tpu.memref_slice %arg14[%dma_start3A_96] : memref<8192xf32, #tpu.memory_space<vmem>> -> memref<128xf32, #tpu.memory_space<vmem>>
      %dma_start3A_98 = tpu.memref_slice %arg13[%add3A_95] : memref<16384xi32, #tpu.memory_space<vmem>> -> memref<128xi32, #tpu.memory_space<vmem>>
      %dma_start3A_99 = arith.constant 0 : i32
      %dma_start3A_100 = tpu.memref_slice %arg4[%dma_start3A_99] : memref<100000xf32, #tpu.memory_space<hbm>> -> memref<100000xf32, #tpu.memory_space<hbm>>
      tpu.enqueue_indirect_dma source(%dma_start3A_100 : memref<100000xf32, #tpu.memory_space<hbm>>) target(%dma_start3A_97 : memref<128xf32, #tpu.memory_space<vmem>>) offsets(%dma_start3A_98 : memref<128xi32, #tpu.memory_space<vmem>>) semaphore(%arg15 : memref<!tpu.dma_semaphore, #tpu.memory_space<semaphore_mem>>)
      %add3A_101 = arith.constant 768 : i32
      %add3A_102 = arith.addi %mul3A_51, %add3A_101 : i32
      %dma_start3A_103 = arith.constant 768 : i32
      %dma_start3A_104 = tpu.memref_slice %arg14[%dma_start3A_103] : memref<8192xf32, #tpu.memory_space<vmem>> -> memref<128xf32, #tpu.memory_space<vmem>>
      %dma_start3A_105 = tpu.memref_slice %arg13[%add3A_102] : memref<16384xi32, #tpu.memory_space<vmem>> -> memref<128xi32, #tpu.memory_space<vmem>>
      %dma_start3A_106 = arith.constant 0 : i32
      %dma_start3A_107 = tpu.memref_slice %arg4[%dma_start3A_106] : memref<100000xf32, #tpu.memory_space<hbm>> -> memref<100000xf32, #tpu.memory_space<hbm>>
      tpu.enqueue_indirect_dma source(%dma_start3A_107 : memref<100000xf32, #tpu.memory_space<hbm>>) target(%dma_start3A_104 : memref<128xf32, #tpu.memory_space<vmem>>) offsets(%dma_start3A_105 : memref<128xi32, #tpu.memory_space<vmem>>) semaphore(%arg15 : memref<!tpu.dma_semaphore, #tpu.memory_space<semaphore_mem>>)
      %add3A_108 = arith.constant 896 : i32
      %add3A_109 = arith.addi %mul3A_51, %add3A_108 : i32
      %dma_start3A_110 = arith.constant 896 : i32
      %dma_start3A_111 = tpu.memref_slice %arg14[%dma_start3A_110] : memref<8192xf32, #tpu.memory_space<vmem>> -> memref<128xf32, #tpu.memory_space<vmem>>
      %dma_start3A_112 = tpu.memref_slice %arg13[%add3A_109] : memref<16384xi32, #tpu.memory_space<vmem>> -> memref<128xi32, #tpu.memory_space<vmem>>
      %dma_start3A_113 = arith.constant 0 : i32
      %dma_start3A_114 = tpu.memref_slice %arg4[%dma_start3A_113] : memref<100000xf32, #tpu.memory_space<hbm>> -> memref<100000xf32, #tpu.memory_space<hbm>>
      tpu.enqueue_indirect_dma source(%dma_start3A_114 : memref<100000xf32, #tpu.memory_space<hbm>>) target(%dma_start3A_111 : memref<128xf32, #tpu.memory_space<vmem>>) offsets(%dma_start3A_112 : memref<128xi32, #tpu.memory_space<vmem>>) semaphore(%arg15 : memref<!tpu.dma_semaphore, #tpu.memory_space<semaphore_mem>>)
      %dma_wait3A = arith.constant 0 : i32
      %dma_wait3A_115 = tpu.memref_slice %arg14[%dma_wait3A] : memref<8192xf32, #tpu.memory_space<vmem>> -> memref<128xf32, #tpu.memory_space<vmem>>
      %dma_wait3A_116 = tpu.memref_slice %arg13[%add3A_61] : memref<16384xi32, #tpu.memory_space<vmem>> -> memref<128xi32, #tpu.memory_space<vmem>>
      %dma_wait3A_117 = arith.constant 0 : i32
      %dma_wait3A_118 = tpu.memref_slice %arg4[%dma_wait3A_117] : memref<100000xf32, #tpu.memory_space<hbm>> -> memref<100000xf32, #tpu.memory_space<hbm>>
      tpu.wait_indirect_dma semaphore(%arg15 : memref<!tpu.dma_semaphore, #tpu.memory_space<semaphore_mem>>) src(%dma_wait3A_118 : memref<100000xf32, #tpu.memory_space<hbm>>) dst(%dma_wait3A_115 : memref<128xf32, #tpu.memory_space<vmem>>)
      %dma_wait3A_119 = arith.constant 128 : i32
      %dma_wait3A_120 = tpu.memref_slice %arg14[%dma_wait3A_119] : memref<8192xf32, #tpu.memory_space<vmem>> -> memref<128xf32, #tpu.memory_space<vmem>>
      %dma_wait3A_121 = tpu.memref_slice %arg13[%add3A_67] : memref<16384xi32, #tpu.memory_space<vmem>> -> memref<128xi32, #tpu.memory_space<vmem>>
      %dma_wait3A_122 = arith.constant 0 : i32
      %dma_wait3A_123 = tpu.memref_slice %arg4[%dma_wait3A_122] : memref<100000xf32, #tpu.memory_space<hbm>> -> memref<100000xf32, #tpu.memory_space<hbm>>
      tpu.wait_indirect_dma semaphore(%arg15 : memref<!tpu.dma_semaphore, #tpu.memory_space<semaphore_mem>>) src(%dma_wait3A_123 : memref<100000xf32, #tpu.memory_space<hbm>>) dst(%dma_wait3A_120 : memref<128xf32, #tpu.memory_space<vmem>>)
      %dma_wait3A_124 = arith.constant 256 : i32
      %dma_wait3A_125 = tpu.memref_slice %arg14[%dma_wait3A_124] : memref<8192xf32, #tpu.memory_space<vmem>> -> memref<128xf32, #tpu.memory_space<vmem>>
      %dma_wait3A_126 = tpu.memref_slice %arg13[%add3A_74] : memref<16384xi32, #tpu.memory_space<vmem>> -> memref<128xi32, #tpu.memory_space<vmem>>
      %dma_wait3A_127 = arith.constant 0 : i32
      %dma_wait3A_128 = tpu.memref_slice %arg4[%dma_wait3A_127] : memref<100000xf32, #tpu.memory_space<hbm>> -> memref<100000xf32, #tpu.memory_space<hbm>>
      tpu.wait_indirect_dma semaphore(%arg15 : memref<!tpu.dma_semaphore, #tpu.memory_space<semaphore_mem>>) src(%dma_wait3A_128 : memref<100000xf32, #tpu.memory_space<hbm>>) dst(%dma_wait3A_125 : memref<128xf32, #tpu.memory_space<vmem>>)
      %dma_wait3A_129 = arith.constant 384 : i32
      %dma_wait3A_130 = tpu.memref_slice %arg14[%dma_wait3A_129] : memref<8192xf32, #tpu.memory_space<vmem>> -> memref<128xf32, #tpu.memory_space<vmem>>
      %dma_wait3A_131 = tpu.memref_slice %arg13[%add3A_81] : memref<16384xi32, #tpu.memory_space<vmem>> -> memref<128xi32, #tpu.memory_space<vmem>>
      %dma_wait3A_132 = arith.constant 0 : i32
      %dma_wait3A_133 = tpu.memref_slice %arg4[%dma_wait3A_132] : memref<100000xf32, #tpu.memory_space<hbm>> -> memref<100000xf32, #tpu.memory_space<hbm>>
      tpu.wait_indirect_dma semaphore(%arg15 : memref<!tpu.dma_semaphore, #tpu.memory_space<semaphore_mem>>) src(%dma_wait3A_133 : memref<100000xf32, #tpu.memory_space<hbm>>) dst(%dma_wait3A_130 : memref<128xf32, #tpu.memory_space<vmem>>)
      %dma_wait3A_134 = arith.constant 512 : i32
      %dma_wait3A_135 = tpu.memref_slice %arg14[%dma_wait3A_134] : memref<8192xf32, #tpu.memory_space<vmem>> -> memref<128xf32, #tpu.memory_space<vmem>>
      %dma_wait3A_136 = tpu.memref_slice %arg13[%add3A_88] : memref<16384xi32, #tpu.memory_space<vmem>> -> memref<128xi32, #tpu.memory_space<vmem>>
      %dma_wait3A_137 = arith.constant 0 : i32
      %dma_wait3A_138 = tpu.memref_slice %arg4[%dma_wait3A_137] : memref<100000xf32, #tpu.memory_space<hbm>> -> memref<100000xf32, #tpu.memory_space<hbm>>
      tpu.wait_indirect_dma semaphore(%arg15 : memref<!tpu.dma_semaphore, #tpu.memory_space<semaphore_mem>>) src(%dma_wait3A_138 : memref<100000xf32, #tpu.memory_space<hbm>>) dst(%dma_wait3A_135 : memref<128xf32, #tpu.memory_space<vmem>>)
      %dma_wait3A_139 = arith.constant 640 : i32
      %dma_wait3A_140 = tpu.memref_slice %arg14[%dma_wait3A_139] : memref<8192xf32, #tpu.memory_space<vmem>> -> memref<128xf32, #tpu.memory_space<vmem>>
      %dma_wait3A_141 = tpu.memref_slice %arg13[%add3A_95] : memref<16384xi32, #tpu.memory_space<vmem>> -> memref<128xi32, #tpu.memory_space<vmem>>
      %dma_wait3A_142 = arith.constant 0 : i32
      %dma_wait3A_143 = tpu.memref_slice %arg4[%dma_wait3A_142] : memref<100000xf32, #tpu.memory_space<hbm>> -> memref<100000xf32, #tpu.memory_space<hbm>>
      tpu.wait_indirect_dma semaphore(%arg15 : memref<!tpu.dma_semaphore, #tpu.memory_space<semaphore_mem>>) src(%dma_wait3A_143 : memref<100000xf32, #tpu.memory_space<hbm>>) dst(%dma_wait3A_140 : memref<128xf32, #tpu.memory_space<vmem>>)
      %dma_wait3A_144 = arith.constant 768 : i32
      %dma_wait3A_145 = tpu.memref_slice %arg14[%dma_wait3A_144] : memref<8192xf32, #tpu.memory_space<vmem>> -> memref<128xf32, #tpu.memory_space<vmem>>
      %dma_wait3A_146 = tpu.memref_slice %arg13[%add3A_102] : memref<16384xi32, #tpu.memory_space<vmem>> -> memref<128xi32, #tpu.memory_space<vmem>>
      %dma_wait3A_147 = arith.constant 0 : i32
      %dma_wait3A_148 = tpu.memref_slice %arg4[%dma_wait3A_147] : memref<100000xf32, #tpu.memory_space<hbm>> -> memref<100000xf32, #tpu.memory_space<hbm>>
      tpu.wait_indirect_dma semaphore(%arg15 : memref<!tpu.dma_semaphore, #tpu.memory_space<semaphore_mem>>) src(%dma_wait3A_148 : memref<100000xf32, #tpu.memory_space<hbm>>) dst(%dma_wait3A_145 : memref<128xf32, #tpu.memory_space<vmem>>)
      %dma_wait3A_149 = arith.constant 896 : i32
      %dma_wait3A_150 = tpu.memref_slice %arg14[%dma_wait3A_149] : memref<8192xf32, #tpu.memory_space<vmem>> -> memref<128xf32, #tpu.memory_space<vmem>>
      %dma_wait3A_151 = tpu.memref_slice %arg13[%add3A_109] : memref<16384xi32, #tpu.memory_space<vmem>> -> memref<128xi32, #tpu.memory_space<vmem>>
      %dma_wait3A_152 = arith.constant 0 : i32
      %dma_wait3A_153 = tpu.memref_slice %arg4[%dma_wait3A_152] : memref<100000xf32, #tpu.memory_space<hbm>> -> memref<100000xf32, #tpu.memory_space<hbm>>
      tpu.wait_indirect_dma semaphore(%arg15 : memref<!tpu.dma_semaphore, #tpu.memory_space<semaphore_mem>>) src(%dma_wait3A_153 : memref<100000xf32, #tpu.memory_space<hbm>>) dst(%dma_wait3A_150 : memref<128xf32, #tpu.memory_space<vmem>>)
      "tpu.region"() ({
        %run_scoped3A = tpu.sem_alloc : memref<!tpu.dma_semaphore, #tpu.memory_space<semaphore_mem>>
        %dma_start3A_154 = arith.constant 0 : i32
        %dma_start3A_155 = tpu.memref_slice %arg14[%dma_start3A_154] : memref<8192xf32, #tpu.memory_space<vmem>> -> memref<1024xf32, #tpu.memory_space<vmem>>
        %dma_start3A_156 = tpu.memref_slice %arg10[%mul3A_51] : memref<16384xf32, #tpu.memory_space<hbm>> -> memref<1024xf32, #tpu.memory_space<hbm>>
        %dma_start3A_157 = tpu.memref_slice %arg10[%mul3A_51] : memref<16384xf32, #tpu.memory_space<hbm>> -> memref<1024xf32, #tpu.memory_space<hbm>>
        %dma_start3A_158 = arith.constant 0 : i32
        %dma_start3A_159 = tpu.memref_slice %arg14[%dma_start3A_158] : memref<8192xf32, #tpu.memory_space<vmem>> -> memref<1024xf32, #tpu.memory_space<vmem>>
        tpu.enqueue_dma source(%dma_start3A_159 : memref<1024xf32, #tpu.memory_space<vmem>>) target(%dma_start3A_157 : memref<1024xf32, #tpu.memory_space<hbm>>) target_semaphore(%run_scoped3A : memref<!tpu.dma_semaphore, #tpu.memory_space<semaphore_mem>>)
        %dma_wait3A_160 = arith.constant 0 : i32
        %dma_wait3A_161 = tpu.memref_slice %arg14[%dma_wait3A_160] : memref<8192xf32, #tpu.memory_space<vmem>> -> memref<1024xf32, #tpu.memory_space<vmem>>
        %dma_wait3A_162 = tpu.memref_slice %arg10[%mul3A_51] : memref<16384xf32, #tpu.memory_space<hbm>> -> memref<1024xf32, #tpu.memory_space<hbm>>
        %dma_wait3A_163 = tpu.memref_slice %arg10[%mul3A_51] : memref<16384xf32, #tpu.memory_space<hbm>> -> memref<1024xf32, #tpu.memory_space<hbm>>
        %dma_wait3A_164 = arith.constant 0 : i32
        %dma_wait3A_165 = tpu.memref_slice %arg14[%dma_wait3A_164] : memref<8192xf32, #tpu.memory_space<vmem>> -> memref<1024xf32, #tpu.memory_space<vmem>>
        tpu.wait_dma2 semaphore(%run_scoped3A : memref<!tpu.dma_semaphore, #tpu.memory_space<semaphore_mem>>) src(%dma_wait3A_165 : memref<1024xf32, #tpu.memory_space<vmem>>) dst(%dma_wait3A_163 : memref<1024xf32, #tpu.memory_space<hbm>>)
        tpu.yield
      }) : () -> ()
    } else {
    }
    %not3A_55 = arith.constant true
    %not3A_56 = arith.xori %lt3A_1, %not3A_55 : i1
    %convert_element_type3A_57 = arith.extui %not3A_56 : i1 to i32
    %cond3A_58 = arith.constant 0 : i32
    %cond3A_59 = arith.cmpi ne, %convert_element_type3A_57, %cond3A_58 : i32
    scf.if %cond3A_59 {
      %add3A_60 = arith.constant 0 : i32
      %add3A_61 = arith.addi %mul3A_51, %add3A_60 : i32
      %dma_start3A = arith.constant 0 : i32
      %dma_start3A_62 = tpu.memref_slice %arg14[%dma_start3A] : memref<8192xf32, #tpu.memory_space<vmem>> -> memref<128xf32, #tpu.memory_space<vmem>>
      %dma_start3A_63 = tpu.memref_slice %arg13[%add3A_61] : memref<16384xi32, #tpu.memory_space<vmem>> -> memref<128xi32, #tpu.memory_space<vmem>>
      %dma_start3A_64 = arith.constant 0 : i32
      %dma_start3A_65 = tpu.memref_slice %arg5[%dma_start3A_64] : memref<100000xf32, #tpu.memory_space<hbm>> -> memref<100000xf32, #tpu.memory_space<hbm>>
      tpu.enqueue_indirect_dma source(%dma_start3A_65 : memref<100000xf32, #tpu.memory_space<hbm>>) target(%dma_start3A_62 : memref<128xf32, #tpu.memory_space<vmem>>) offsets(%dma_start3A_63 : memref<128xi32, #tpu.memory_space<vmem>>) semaphore(%arg15 : memref<!tpu.dma_semaphore, #tpu.memory_space<semaphore_mem>>)
      %add3A_66 = arith.constant 128 : i32
      %add3A_67 = arith.addi %mul3A_51, %add3A_66 : i32
      %dma_start3A_68 = arith.constant 128 : i32
      %dma_start3A_69 = tpu.memref_slice %arg14[%dma_start3A_68] : memref<8192xf32, #tpu.memory_space<vmem>> -> memref<128xf32, #tpu.memory_space<vmem>>
      %dma_start3A_70 = tpu.memref_slice %arg13[%add3A_67] : memref<16384xi32, #tpu.memory_space<vmem>> -> memref<128xi32, #tpu.memory_space<vmem>>
      %dma_start3A_71 = arith.constant 0 : i32
      %dma_start3A_72 = tpu.memref_slice %arg5[%dma_start3A_71] : memref<100000xf32, #tpu.memory_space<hbm>> -> memref<100000xf32, #tpu.memory_space<hbm>>
      tpu.enqueue_indirect_dma source(%dma_start3A_72 : memref<100000xf32, #tpu.memory_space<hbm>>) target(%dma_start3A_69 : memref<128xf32, #tpu.memory_space<vmem>>) offsets(%dma_start3A_70 : memref<128xi32, #tpu.memory_space<vmem>>) semaphore(%arg15 : memref<!tpu.dma_semaphore, #tpu.memory_space<semaphore_mem>>)
      %add3A_73 = arith.constant 256 : i32
      %add3A_74 = arith.addi %mul3A_51, %add3A_73 : i32
      %dma_start3A_75 = arith.constant 256 : i32
      %dma_start3A_76 = tpu.memref_slice %arg14[%dma_start3A_75] : memref<8192xf32, #tpu.memory_space<vmem>> -> memref<128xf32, #tpu.memory_space<vmem>>
      %dma_start3A_77 = tpu.memref_slice %arg13[%add3A_74] : memref<16384xi32, #tpu.memory_space<vmem>> -> memref<128xi32, #tpu.memory_space<vmem>>
      %dma_start3A_78 = arith.constant 0 : i32
      %dma_start3A_79 = tpu.memref_slice %arg5[%dma_start3A_78] : memref<100000xf32, #tpu.memory_space<hbm>> -> memref<100000xf32, #tpu.memory_space<hbm>>
      tpu.enqueue_indirect_dma source(%dma_start3A_79 : memref<100000xf32, #tpu.memory_space<hbm>>) target(%dma_start3A_76 : memref<128xf32, #tpu.memory_space<vmem>>) offsets(%dma_start3A_77 : memref<128xi32, #tpu.memory_space<vmem>>) semaphore(%arg15 : memref<!tpu.dma_semaphore, #tpu.memory_space<semaphore_mem>>)
      %add3A_80 = arith.constant 384 : i32
      %add3A_81 = arith.addi %mul3A_51, %add3A_80 : i32
      %dma_start3A_82 = arith.constant 384 : i32
      %dma_start3A_83 = tpu.memref_slice %arg14[%dma_start3A_82] : memref<8192xf32, #tpu.memory_space<vmem>> -> memref<128xf32, #tpu.memory_space<vmem>>
      %dma_start3A_84 = tpu.memref_slice %arg13[%add3A_81] : memref<16384xi32, #tpu.memory_space<vmem>> -> memref<128xi32, #tpu.memory_space<vmem>>
      %dma_start3A_85 = arith.constant 0 : i32
      %dma_start3A_86 = tpu.memref_slice %arg5[%dma_start3A_85] : memref<100000xf32, #tpu.memory_space<hbm>> -> memref<100000xf32, #tpu.memory_space<hbm>>
      tpu.enqueue_indirect_dma source(%dma_start3A_86 : memref<100000xf32, #tpu.memory_space<hbm>>) target(%dma_start3A_83 : memref<128xf32, #tpu.memory_space<vmem>>) offsets(%dma_start3A_84 : memref<128xi32, #tpu.memory_space<vmem>>) semaphore(%arg15 : memref<!tpu.dma_semaphore, #tpu.memory_space<semaphore_mem>>)
      %add3A_87 = arith.constant 512 : i32
      %add3A_88 = arith.addi %mul3A_51, %add3A_87 : i32
      %dma_start3A_89 = arith.constant 512 : i32
      %dma_start3A_90 = tpu.memref_slice %arg14[%dma_start3A_89] : memref<8192xf32, #tpu.memory_space<vmem>> -> memref<128xf32, #tpu.memory_space<vmem>>
      %dma_start3A_91 = tpu.memref_slice %arg13[%add3A_88] : memref<16384xi32, #tpu.memory_space<vmem>> -> memref<128xi32, #tpu.memory_space<vmem>>
      %dma_start3A_92 = arith.constant 0 : i32
      %dma_start3A_93 = tpu.memref_slice %arg5[%dma_start3A_92] : memref<100000xf32, #tpu.memory_space<hbm>> -> memref<100000xf32, #tpu.memory_space<hbm>>
      tpu.enqueue_indirect_dma source(%dma_start3A_93 : memref<100000xf32, #tpu.memory_space<hbm>>) target(%dma_start3A_90 : memref<128xf32, #tpu.memory_space<vmem>>) offsets(%dma_start3A_91 : memref<128xi32, #tpu.memory_space<vmem>>) semaphore(%arg15 : memref<!tpu.dma_semaphore, #tpu.memory_space<semaphore_mem>>)
      %add3A_94 = arith.constant 640 : i32
      %add3A_95 = arith.addi %mul3A_51, %add3A_94 : i32
      %dma_start3A_96 = arith.constant 640 : i32
      %dma_start3A_97 = tpu.memref_slice %arg14[%dma_start3A_96] : memref<8192xf32, #tpu.memory_space<vmem>> -> memref<128xf32, #tpu.memory_space<vmem>>
      %dma_start3A_98 = tpu.memref_slice %arg13[%add3A_95] : memref<16384xi32, #tpu.memory_space<vmem>> -> memref<128xi32, #tpu.memory_space<vmem>>
      %dma_start3A_99 = arith.constant 0 : i32
      %dma_start3A_100 = tpu.memref_slice %arg5[%dma_start3A_99] : memref<100000xf32, #tpu.memory_space<hbm>> -> memref<100000xf32, #tpu.memory_space<hbm>>
      tpu.enqueue_indirect_dma source(%dma_start3A_100 : memref<100000xf32, #tpu.memory_space<hbm>>) target(%dma_start3A_97 : memref<128xf32, #tpu.memory_space<vmem>>) offsets(%dma_start3A_98 : memref<128xi32, #tpu.memory_space<vmem>>) semaphore(%arg15 : memref<!tpu.dma_semaphore, #tpu.memory_space<semaphore_mem>>)
      %add3A_101 = arith.constant 768 : i32
      %add3A_102 = arith.addi %mul3A_51, %add3A_101 : i32
      %dma_start3A_103 = arith.constant 768 : i32
      %dma_start3A_104 = tpu.memref_slice %arg14[%dma_start3A_103] : memref<8192xf32, #tpu.memory_space<vmem>> -> memref<128xf32, #tpu.memory_space<vmem>>
      %dma_start3A_105 = tpu.memref_slice %arg13[%add3A_102] : memref<16384xi32, #tpu.memory_space<vmem>> -> memref<128xi32, #tpu.memory_space<vmem>>
      %dma_start3A_106 = arith.constant 0 : i32
      %dma_start3A_107 = tpu.memref_slice %arg5[%dma_start3A_106] : memref<100000xf32, #tpu.memory_space<hbm>> -> memref<100000xf32, #tpu.memory_space<hbm>>
      tpu.enqueue_indirect_dma source(%dma_start3A_107 : memref<100000xf32, #tpu.memory_space<hbm>>) target(%dma_start3A_104 : memref<128xf32, #tpu.memory_space<vmem>>) offsets(%dma_start3A_105 : memref<128xi32, #tpu.memory_space<vmem>>) semaphore(%arg15 : memref<!tpu.dma_semaphore, #tpu.memory_space<semaphore_mem>>)
      %add3A_108 = arith.constant 896 : i32
      %add3A_109 = arith.addi %mul3A_51, %add3A_108 : i32
      %dma_start3A_110 = arith.constant 896 : i32
      %dma_start3A_111 = tpu.memref_slice %arg14[%dma_start3A_110] : memref<8192xf32, #tpu.memory_space<vmem>> -> memref<128xf32, #tpu.memory_space<vmem>>
      %dma_start3A_112 = tpu.memref_slice %arg13[%add3A_109] : memref<16384xi32, #tpu.memory_space<vmem>> -> memref<128xi32, #tpu.memory_space<vmem>>
      %dma_start3A_113 = arith.constant 0 : i32
      %dma_start3A_114 = tpu.memref_slice %arg5[%dma_start3A_113] : memref<100000xf32, #tpu.memory_space<hbm>> -> memref<100000xf32, #tpu.memory_space<hbm>>
      tpu.enqueue_indirect_dma source(%dma_start3A_114 : memref<100000xf32, #tpu.memory_space<hbm>>) target(%dma_start3A_111 : memref<128xf32, #tpu.memory_space<vmem>>) offsets(%dma_start3A_112 : memref<128xi32, #tpu.memory_space<vmem>>) semaphore(%arg15 : memref<!tpu.dma_semaphore, #tpu.memory_space<semaphore_mem>>)
      %dma_wait3A = arith.constant 0 : i32
      %dma_wait3A_115 = tpu.memref_slice %arg14[%dma_wait3A] : memref<8192xf32, #tpu.memory_space<vmem>> -> memref<128xf32, #tpu.memory_space<vmem>>
      %dma_wait3A_116 = tpu.memref_slice %arg13[%add3A_61] : memref<16384xi32, #tpu.memory_space<vmem>> -> memref<128xi32, #tpu.memory_space<vmem>>
      %dma_wait3A_117 = arith.constant 0 : i32
      %dma_wait3A_118 = tpu.memref_slice %arg5[%dma_wait3A_117] : memref<100000xf32, #tpu.memory_space<hbm>> -> memref<100000xf32, #tpu.memory_space<hbm>>
      tpu.wait_indirect_dma semaphore(%arg15 : memref<!tpu.dma_semaphore, #tpu.memory_space<semaphore_mem>>) src(%dma_wait3A_118 : memref<100000xf32, #tpu.memory_space<hbm>>) dst(%dma_wait3A_115 : memref<128xf32, #tpu.memory_space<vmem>>)
      %dma_wait3A_119 = arith.constant 128 : i32
      %dma_wait3A_120 = tpu.memref_slice %arg14[%dma_wait3A_119] : memref<8192xf32, #tpu.memory_space<vmem>> -> memref<128xf32, #tpu.memory_space<vmem>>
      %dma_wait3A_121 = tpu.memref_slice %arg13[%add3A_67] : memref<16384xi32, #tpu.memory_space<vmem>> -> memref<128xi32, #tpu.memory_space<vmem>>
      %dma_wait3A_122 = arith.constant 0 : i32
      %dma_wait3A_123 = tpu.memref_slice %arg5[%dma_wait3A_122] : memref<100000xf32, #tpu.memory_space<hbm>> -> memref<100000xf32, #tpu.memory_space<hbm>>
      tpu.wait_indirect_dma semaphore(%arg15 : memref<!tpu.dma_semaphore, #tpu.memory_space<semaphore_mem>>) src(%dma_wait3A_123 : memref<100000xf32, #tpu.memory_space<hbm>>) dst(%dma_wait3A_120 : memref<128xf32, #tpu.memory_space<vmem>>)
      %dma_wait3A_124 = arith.constant 256 : i32
      %dma_wait3A_125 = tpu.memref_slice %arg14[%dma_wait3A_124] : memref<8192xf32, #tpu.memory_space<vmem>> -> memref<128xf32, #tpu.memory_space<vmem>>
      %dma_wait3A_126 = tpu.memref_slice %arg13[%add3A_74] : memref<16384xi32, #tpu.memory_space<vmem>> -> memref<128xi32, #tpu.memory_space<vmem>>
      %dma_wait3A_127 = arith.constant 0 : i32
      %dma_wait3A_128 = tpu.memref_slice %arg5[%dma_wait3A_127] : memref<100000xf32, #tpu.memory_space<hbm>> -> memref<100000xf32, #tpu.memory_space<hbm>>
      tpu.wait_indirect_dma semaphore(%arg15 : memref<!tpu.dma_semaphore, #tpu.memory_space<semaphore_mem>>) src(%dma_wait3A_128 : memref<100000xf32, #tpu.memory_space<hbm>>) dst(%dma_wait3A_125 : memref<128xf32, #tpu.memory_space<vmem>>)
      %dma_wait3A_129 = arith.constant 384 : i32
      %dma_wait3A_130 = tpu.memref_slice %arg14[%dma_wait3A_129] : memref<8192xf32, #tpu.memory_space<vmem>> -> memref<128xf32, #tpu.memory_space<vmem>>
      %dma_wait3A_131 = tpu.memref_slice %arg13[%add3A_81] : memref<16384xi32, #tpu.memory_space<vmem>> -> memref<128xi32, #tpu.memory_space<vmem>>
      %dma_wait3A_132 = arith.constant 0 : i32
      %dma_wait3A_133 = tpu.memref_slice %arg5[%dma_wait3A_132] : memref<100000xf32, #tpu.memory_space<hbm>> -> memref<100000xf32, #tpu.memory_space<hbm>>
      tpu.wait_indirect_dma semaphore(%arg15 : memref<!tpu.dma_semaphore, #tpu.memory_space<semaphore_mem>>) src(%dma_wait3A_133 : memref<100000xf32, #tpu.memory_space<hbm>>) dst(%dma_wait3A_130 : memref<128xf32, #tpu.memory_space<vmem>>)
      %dma_wait3A_134 = arith.constant 512 : i32
      %dma_wait3A_135 = tpu.memref_slice %arg14[%dma_wait3A_134] : memref<8192xf32, #tpu.memory_space<vmem>> -> memref<128xf32, #tpu.memory_space<vmem>>
      %dma_wait3A_136 = tpu.memref_slice %arg13[%add3A_88] : memref<16384xi32, #tpu.memory_space<vmem>> -> memref<128xi32, #tpu.memory_space<vmem>>
      %dma_wait3A_137 = arith.constant 0 : i32
      %dma_wait3A_138 = tpu.memref_slice %arg5[%dma_wait3A_137] : memref<100000xf32, #tpu.memory_space<hbm>> -> memref<100000xf32, #tpu.memory_space<hbm>>
      tpu.wait_indirect_dma semaphore(%arg15 : memref<!tpu.dma_semaphore, #tpu.memory_space<semaphore_mem>>) src(%dma_wait3A_138 : memref<100000xf32, #tpu.memory_space<hbm>>) dst(%dma_wait3A_135 : memref<128xf32, #tpu.memory_space<vmem>>)
      %dma_wait3A_139 = arith.constant 640 : i32
      %dma_wait3A_140 = tpu.memref_slice %arg14[%dma_wait3A_139] : memref<8192xf32, #tpu.memory_space<vmem>> -> memref<128xf32, #tpu.memory_space<vmem>>
      %dma_wait3A_141 = tpu.memref_slice %arg13[%add3A_95] : memref<16384xi32, #tpu.memory_space<vmem>> -> memref<128xi32, #tpu.memory_space<vmem>>
      %dma_wait3A_142 = arith.constant 0 : i32
      %dma_wait3A_143 = tpu.memref_slice %arg5[%dma_wait3A_142] : memref<100000xf32, #tpu.memory_space<hbm>> -> memref<100000xf32, #tpu.memory_space<hbm>>
      tpu.wait_indirect_dma semaphore(%arg15 : memref<!tpu.dma_semaphore, #tpu.memory_space<semaphore_mem>>) src(%dma_wait3A_143 : memref<100000xf32, #tpu.memory_space<hbm>>) dst(%dma_wait3A_140 : memref<128xf32, #tpu.memory_space<vmem>>)
      %dma_wait3A_144 = arith.constant 768 : i32
      %dma_wait3A_145 = tpu.memref_slice %arg14[%dma_wait3A_144] : memref<8192xf32, #tpu.memory_space<vmem>> -> memref<128xf32, #tpu.memory_space<vmem>>
      %dma_wait3A_146 = tpu.memref_slice %arg13[%add3A_102] : memref<16384xi32, #tpu.memory_space<vmem>> -> memref<128xi32, #tpu.memory_space<vmem>>
      %dma_wait3A_147 = arith.constant 0 : i32
      %dma_wait3A_148 = tpu.memref_slice %arg5[%dma_wait3A_147] : memref<100000xf32, #tpu.memory_space<hbm>> -> memref<100000xf32, #tpu.memory_space<hbm>>
      tpu.wait_indirect_dma semaphore(%arg15 : memref<!tpu.dma_semaphore, #tpu.memory_space<semaphore_mem>>) src(%dma_wait3A_148 : memref<100000xf32, #tpu.memory_space<hbm>>) dst(%dma_wait3A_145 : memref<128xf32, #tpu.memory_space<vmem>>)
      %dma_wait3A_149 = arith.constant 896 : i32
      %dma_wait3A_150 = tpu.memref_slice %arg14[%dma_wait3A_149] : memref<8192xf32, #tpu.memory_space<vmem>> -> memref<128xf32, #tpu.memory_space<vmem>>
      %dma_wait3A_151 = tpu.memref_slice %arg13[%add3A_109] : memref<16384xi32, #tpu.memory_space<vmem>> -> memref<128xi32, #tpu.memory_space<vmem>>
      %dma_wait3A_152 = arith.constant 0 : i32
      %dma_wait3A_153 = tpu.memref_slice %arg5[%dma_wait3A_152] : memref<100000xf32, #tpu.memory_space<hbm>> -> memref<100000xf32, #tpu.memory_space<hbm>>
      tpu.wait_indirect_dma semaphore(%arg15 : memref<!tpu.dma_semaphore, #tpu.memory_space<semaphore_mem>>) src(%dma_wait3A_153 : memref<100000xf32, #tpu.memory_space<hbm>>) dst(%dma_wait3A_150 : memref<128xf32, #tpu.memory_space<vmem>>)
      "tpu.region"() ({
        %run_scoped3A = tpu.sem_alloc : memref<!tpu.dma_semaphore, #tpu.memory_space<semaphore_mem>>
        %dma_start3A_154 = arith.constant 0 : i32
        %dma_start3A_155 = tpu.memref_slice %arg14[%dma_start3A_154] : memref<8192xf32, #tpu.memory_space<vmem>> -> memref<1024xf32, #tpu.memory_space<vmem>>
        %dma_start3A_156 = tpu.memref_slice %arg11[%mul3A_51] : memref<16384xf32, #tpu.memory_space<hbm>> -> memref<1024xf32, #tpu.memory_space<hbm>>
        %dma_start3A_157 = tpu.memref_slice %arg11[%mul3A_51] : memref<16384xf32, #tpu.memory_space<hbm>> -> memref<1024xf32, #tpu.memory_space<hbm>>
        %dma_start3A_158 = arith.constant 0 : i32
        %dma_start3A_159 = tpu.memref_slice %arg14[%dma_start3A_158] : memref<8192xf32, #tpu.memory_space<vmem>> -> memref<1024xf32, #tpu.memory_space<vmem>>
        tpu.enqueue_dma source(%dma_start3A_159 : memref<1024xf32, #tpu.memory_space<vmem>>) target(%dma_start3A_157 : memref<1024xf32, #tpu.memory_space<hbm>>) target_semaphore(%run_scoped3A : memref<!tpu.dma_semaphore, #tpu.memory_space<semaphore_mem>>)
        %dma_wait3A_160 = arith.constant 0 : i32
        %dma_wait3A_161 = tpu.memref_slice %arg14[%dma_wait3A_160] : memref<8192xf32, #tpu.memory_space<vmem>> -> memref<1024xf32, #tpu.memory_space<vmem>>
        %dma_wait3A_162 = tpu.memref_slice %arg11[%mul3A_51] : memref<16384xf32, #tpu.memory_space<hbm>> -> memref<1024xf32, #tpu.memory_space<hbm>>
        %dma_wait3A_163 = tpu.memref_slice %arg11[%mul3A_51] : memref<16384xf32, #tpu.memory_space<hbm>> -> memref<1024xf32, #tpu.memory_space<hbm>>
        %dma_wait3A_164 = arith.constant 0 : i32
        %dma_wait3A_165 = tpu.memref_slice %arg14[%dma_wait3A_164] : memref<8192xf32, #tpu.memory_space<vmem>> -> memref<1024xf32, #tpu.memory_space<vmem>>
        tpu.wait_dma2 semaphore(%run_scoped3A : memref<!tpu.dma_semaphore, #tpu.memory_space<semaphore_mem>>) src(%dma_wait3A_165 : memref<1024xf32, #tpu.memory_space<vmem>>) dst(%dma_wait3A_163 : memref<1024xf32, #tpu.memory_space<hbm>>)
        tpu.yield
      }) : () -> ()
    } else {
    }
    return
  }
}

module attributes {stable_mosaic.version = 14 : i64} {
  func.func @_math_body(%arg0: memref<64x16384xf32, #tpu.memory_space<vmem>>, %arg1: memref<64x16384xf32, #tpu.memory_space<vmem>>, %arg2: memref<16384xf32, #tpu.memory_space<vmem>>, %arg3: memref<16384xf32, #tpu.memory_space<vmem>>, %arg4: memref<16384xf32, #tpu.memory_space<vmem>>) attributes {dimension_semantics = [], scalar_prefetch = 0 : i64, scratch_operands = 0 : i64, tpu.core_type = #tpu.core_type<tc>} {
    %get3A = arith.constant 0 : index
    %get3A_0 = arith.constant 0 : index
    %get3A_1 = vector.load %arg0[%get3A, %get3A_0] : memref<64x16384xf32, #tpu.memory_space<vmem>>, vector<64x16384xf32>
    %get3A_2 = arith.constant 0 : index
    %get3A_3 = arith.constant 0 : index
    %get3A_4 = vector.load %arg1[%get3A_2, %get3A_3] : memref<64x16384xf32, #tpu.memory_space<vmem>>, vector<64x16384xf32>
    %mul3A = arith.mulf %get3A_1, %get3A_1 : vector<64x16384xf32>
    %reduce_sum3A = arith.constant dense<0.000000e+00> : vector<64xf32>
    %reduce_sum3A_5 = vector.multi_reduction <add>, %mul3A, %reduce_sum3A [1] : vector<64x16384xf32> to vector<64xf32>
    %broadcast_in_dim3A = vector.shape_cast %reduce_sum3A_5 : vector<64xf32> to vector<64x1xf32>
    %sqrt3A = math.sqrt %broadcast_in_dim3A : vector<64x1xf32>
    %max3A = arith.constant 9.99999996E-13 : f32
    %max3A_6 = vector.broadcast %max3A : f32 to vector<64x1xf32>
    %max3A_7 = arith.maximumf %sqrt3A, %max3A_6 : vector<64x1xf32>
    %mul3A_8 = arith.mulf %get3A_4, %get3A_4 : vector<64x16384xf32>
    %reduce_sum3A_9 = arith.constant dense<0.000000e+00> : vector<64xf32>
    %reduce_sum3A_10 = vector.multi_reduction <add>, %mul3A_8, %reduce_sum3A_9 [1] : vector<64x16384xf32> to vector<64xf32>
    %broadcast_in_dim3A_11 = vector.shape_cast %reduce_sum3A_10 : vector<64xf32> to vector<64x1xf32>
    %sqrt3A_12 = math.sqrt %broadcast_in_dim3A_11 : vector<64x1xf32>
    %max3A_13 = arith.constant 9.99999996E-13 : f32
    %max3A_14 = vector.broadcast %max3A_13 : f32 to vector<64x1xf32>
    %max3A_15 = arith.maximumf %sqrt3A_12, %max3A_14 : vector<64x1xf32>
    %mul3A_16 = arith.mulf %max3A_7, %max3A_15 : vector<64x1xf32>
    %div3A = arith.constant 1.000000e+00 : f32
    %div3A_17 = vector.broadcast %div3A : f32 to vector<64x1xf32>
    %div3A_18 = arith.divf %div3A_17, %mul3A_16 : vector<64x1xf32>
    %mul3A_19 = arith.mulf %max3A_7, %max3A_7 : vector<64x1xf32>
    %div3A_20 = arith.constant 1.000000e+00 : f32
    %div3A_21 = vector.broadcast %div3A_20 : f32 to vector<64x1xf32>
    %div3A_22 = arith.divf %div3A_21, %mul3A_19 : vector<64x1xf32>
    %mul3A_23 = arith.mulf %max3A_15, %max3A_15 : vector<64x1xf32>
    %div3A_24 = arith.constant 1.000000e+00 : f32
    %div3A_25 = vector.broadcast %div3A_24 : f32 to vector<64x1xf32>
    %div3A_26 = arith.divf %div3A_25, %mul3A_23 : vector<64x1xf32>
    %mul3A_27 = arith.mulf %get3A_1, %get3A_4 : vector<64x16384xf32>
    %mul3A_28 = vector.broadcast %div3A_18 : vector<64x1xf32> to vector<64x16384xf32>
    %mul3A_29 = arith.mulf %mul3A_27, %mul3A_28 : vector<64x16384xf32>
    %reduce_sum3A_30 = arith.constant dense<0.000000e+00> : vector<16384xf32>
    %reduce_sum3A_31 = vector.multi_reduction <add>, %mul3A_29, %reduce_sum3A_30 [0] : vector<64x16384xf32> to vector<16384xf32>
    %mul3A_32 = arith.mulf %get3A_1, %get3A_1 : vector<64x16384xf32>
    %mul3A_33 = vector.broadcast %div3A_22 : vector<64x1xf32> to vector<64x16384xf32>
    %mul3A_34 = arith.mulf %mul3A_32, %mul3A_33 : vector<64x16384xf32>
    %reduce_sum3A_35 = arith.constant dense<0.000000e+00> : vector<16384xf32>
    %reduce_sum3A_36 = vector.multi_reduction <add>, %mul3A_34, %reduce_sum3A_35 [0] : vector<64x16384xf32> to vector<16384xf32>
    %sqrt3A_37 = math.sqrt %reduce_sum3A_36 : vector<16384xf32>
    %mul3A_38 = arith.mulf %get3A_4, %get3A_4 : vector<64x16384xf32>
    %mul3A_39 = vector.broadcast %div3A_26 : vector<64x1xf32> to vector<64x16384xf32>
    %mul3A_40 = arith.mulf %mul3A_38, %mul3A_39 : vector<64x16384xf32>
    %reduce_sum3A_41 = arith.constant dense<0.000000e+00> : vector<16384xf32>
    %reduce_sum3A_42 = vector.multi_reduction <add>, %mul3A_40, %reduce_sum3A_41 [0] : vector<64x16384xf32> to vector<16384xf32>
    %sqrt3A_43 = math.sqrt %reduce_sum3A_42 : vector<16384xf32>
    %max3A_44 = arith.constant 9.99999993E-9 : f32
    %max3A_45 = vector.broadcast %max3A_44 : f32 to vector<16384xf32>
    %max3A_46 = arith.maximumf %sqrt3A_37, %max3A_45 : vector<16384xf32>
    %max3A_47 = arith.constant 9.99999993E-9 : f32
    %max3A_48 = vector.broadcast %max3A_47 : f32 to vector<16384xf32>
    %max3A_49 = arith.maximumf %sqrt3A_43, %max3A_48 : vector<16384xf32>
    %mul3A_50 = arith.mulf %max3A_46, %max3A_49 : vector<16384xf32>
    %get3A_51 = arith.constant 0 : index
    %get3A_52 = vector.load %arg2[%get3A_51] : memref<16384xf32, #tpu.memory_space<vmem>>, vector<16384xf32>
    %get3A_53 = arith.constant 0 : index
    %get3A_54 = vector.load %arg3[%get3A_53] : memref<16384xf32, #tpu.memory_space<vmem>>, vector<16384xf32>
    %mul3A_55 = arith.mulf %get3A_52, %get3A_52 : vector<16384xf32>
    %reduce_sum3A_56 = vector.shape_cast %mul3A_55 : vector<16384xf32> to vector<1x16384xf32>
    %reduce_sum3A_57 = arith.constant dense<0.000000e+00> : vector<1xf32>
    %reduce_sum3A_58 = vector.multi_reduction <add>, %reduce_sum3A_56, %reduce_sum3A_57 [1] : vector<1x16384xf32> to vector<1xf32>
    %reduce_sum3A_59 = vector.shape_cast %reduce_sum3A_58 : vector<1xf32> to vector<1x1xf32>
    %reduce_sum3A_60 = vector.extract %reduce_sum3A_59[0, 0] : f32 from vector<1x1xf32>
    %sqrt3A_61 = math.sqrt %reduce_sum3A_60 : f32
    %max3A_62 = arith.constant 9.99999996E-13 : f32
    %max3A_63 = arith.maximumf %sqrt3A_61, %max3A_62 : f32
    %mul3A_64 = arith.mulf %get3A_54, %get3A_54 : vector<16384xf32>
    %reduce_sum3A_65 = vector.shape_cast %mul3A_64 : vector<16384xf32> to vector<1x16384xf32>
    %reduce_sum3A_66 = arith.constant dense<0.000000e+00> : vector<1xf32>
    %reduce_sum3A_67 = vector.multi_reduction <add>, %reduce_sum3A_65, %reduce_sum3A_66 [1] : vector<1x16384xf32> to vector<1xf32>
    %reduce_sum3A_68 = vector.shape_cast %reduce_sum3A_67 : vector<1xf32> to vector<1x1xf32>
    %reduce_sum3A_69 = vector.extract %reduce_sum3A_68[0, 0] : f32 from vector<1x1xf32>
    %sqrt3A_70 = math.sqrt %reduce_sum3A_69 : f32
    %max3A_71 = arith.constant 9.99999996E-13 : f32
    %max3A_72 = arith.maximumf %sqrt3A_70, %max3A_71 : f32
    %div3A_73 = vector.broadcast %max3A_72 : f32 to vector<16384xf32>
    %div3A_74 = arith.divf %get3A_54, %div3A_73 : vector<16384xf32>
    %div3A_75 = vector.broadcast %max3A_63 : f32 to vector<16384xf32>
    %div3A_76 = arith.divf %get3A_52, %div3A_75 : vector<16384xf32>
    %add3A = arith.addf %div3A_74, %div3A_76 : vector<16384xf32>
    %div3A_77 = arith.divf %reduce_sum3A_31, %mul3A_50 : vector<16384xf32>
    %add3A_78 = arith.addf %add3A, %div3A_77 : vector<16384xf32>
    %swap3A = arith.constant 0 : index
    %swap3A_79 = vector.load %arg4[%swap3A] : memref<16384xf32, #tpu.memory_space<vmem>>, vector<16384xf32>
    tpu.vector_store %arg4[%swap3A], %add3A_78 {strides = array<i32>} : memref<16384xf32, #tpu.memory_space<vmem>>, vector<16384xf32>,
    return
  }
}

</mosaic_0001>

<sc_bundles>
// kernel: kernel.4.cloned.1.call-start
scs
__scs_entry_jumppad:
0x0: {  	(pc) =	sbr.rel $0x88, $3  }
0x1: {  	(tag) =	ssettag $0x0;
	lr =	simm.s32 $0x1  }
0x2: {  	[smem:$0x3F9B] =	sst lr;
	_ =	strace $0xD0000000  }
0x3: {  	_ = 	snop  }
0x4: {  	_ = 	snop  }
0x5: {  	_ = 	snop  }
0x6: {  	_ = 	snop  }
0x7: {  	_ = 	snop  }
__scs_overlays_trampoline_lowered:
0x8: {  	[smem:$0x3FAA] =	sst s0  }
0x9: {  	[smem:$0x3FAB] =	sst s1  }
0xa: {  	[smem:$0x3FAC] =	sst s2  }
0xb: {  	[smem:$0x3FAD] =	sst s3  }
0xc: {  	[smem:$0x3FAE] =	sst s4  }
0xd: {  	[smem:$0x3FAF] =	sst s5  }
0xe: {  	[smem:$0x3FB0] =	sst s6  }
0xf: {  	[smem:$0x3FB1] =	sst s7  }
0x10: {  	[smem:$0x3FB2] =	sst s8  }
0x11: {  	[smem:$0x3FB3] =	sst s9;
	s0 =	simm.s32 @!p0 $0x0  }
0x12: {  	s1 =	sld [smem:$0x3F99];
	s0 =	simm.s32 @p0 $0x1  }
0x13: {  	[smem:$0x3FB4] =	sst s0;
	s0 =	simm.s32 @!p1 $0x0  }
0x14: {  	s2 =	sld [smem:$0x3F98];
	s0 =	simm.s32 @p1 $0x1  }
0x15: {  	[smem:$0x3FB5] =	sst s0;
	s0 =	simm.s32 @!p2 $0x0  }
0x16: {  	s3 =	sld [smem:$0x3FDB];
	s0 =	simm.s32 @p2 $0x1  }
0x17: {  	s4 =	simm.s32 $0x1BF5;
	[smem:$0x3FB7] =	sst s0  }
0x18: {  	s0 =	sld [smem:$0x3F9A];
	_ =	swait.ge [sflag:s4], $0x0  }
0x19: {  	s7 =	sld [smem:$0x3F9B]  }
0x1a: {  	s8 =	sadd.s32 $0xFFFFE003, lr  }
0x1b: {  	s9 =	sadd.s32 $0xFFFFFEF7, lr;
	s5 =	simm.s32 $0xFFFFFFFF;
	p2 =	slt.u32 s8, $0xFFFFF086  }
0x1c: {  	p1 =	slt.u32 s9, $0xF7A;
	s5 =	simm.s32 @!p2 $0x0  }
0x1d: {  	s5 =	simm.s32 @p1 $0x1;
	p0 =	seq.s32 s7, s2  }
0x1e: {  	s7 =	smul.u32 @!p0 $0xF7A, s2;
	p2 =	seq.s32 @!p0 s5, $0x0  }
0x1f: {  	s9 =	smul.u32 $0xF7A, s1;
	s8 =	simm.s32 @!p0 $0x1BF5;
	p2 =	por !p2, p0  }
0x20: {  	[sflag:s8] =	ssyncset.s32 @!p0 $0xFFFFF086;
	s6 =	sadd.s32 @!p0 s3, s7;
	s7 =	simm.s32 @!p0 $0x108  }
0x21: {  	s3 =	sadd.s32 s3, s9;
	s6 =	sadd.s32 @!p0 $0x88, s6;
	s7 =	simm.s32 @p2 $0x1082  }
0x22: {  	[simem:s7], [sflag:s8] =	dma.local @!p0 [hbm:s6], $0xF7A  }
0x23: {  	s9 =	sor.u32 $0xD0000000, s2;
	s6 =	simm.s32 $0x108;
	_ =	swait.ge @!p0 [sflag:s8], $0x0  }
0x24: {  	s3 =	sadd.s32 $0x88, s3;
	s6 =	simm.s32 @!p1 $0x1082;
	[sflag:s4] =	ssyncset.s32 $0xFFFFF086  }
0x25: {  	[simem:s6], [sflag:s4] =	dma.local [hbm:s3], $0xF7A  }
0x26: {  	[smem:$0x3F9B] =	sst s1;
	(tag) =	ssettag s2;
	_ =	strace s9  }
0x27: {  	s1 =	sld [smem:$0x3FAB]  }
0x28: {  	s2 =	sld [smem:$0x3FAC]  }
0x29: {  	s4 =	sld [smem:$0x3FAE]  }
0x2a: {  	p0 =	seq.s32 s5, $0x0;
	s5 =	sld [smem:$0x3FAF]  }
0x2b: {  	s6 =	sld [smem:$0x3FB0]  }
0x2c: {  	s7 =	sld [smem:$0x3FB1]  }
0x2d: {  	s3 =	simm.s32 $0x108;
	s8 =	sld [smem:$0x3FB2]  }
0x2e: {  	s3 =	simm.s32 @!p0 $0x1082;
	s9 =	sld [smem:$0x3FB3]  }
0x2f: {  	lr =	sadd.s32 s0, s3;
	s0 =	sld [smem:$0x3FAA]  }
0x30: {  	s3 =	sld [smem:$0x3FAD]  }
0x31: {  	[smem:$0x3FB6] =	sst s10  }
0x32: {  	s10 =	sld [smem:$0x3FB4];
	_ =	sdelay $0x3  }
0x33: {  	p0 =	seq.s32 s10, $0x1;
	s10 =	sld [smem:$0x3FB6];
	_ =	sdelay $0x3  }
0x34: {  	[smem:$0x3FB6] =	sst s10  }
0x35: {  	s10 =	sld [smem:$0x3FB5];
	_ =	sdelay $0x3  }
0x36: {  	p1 =	seq.s32 s10, $0x1;
	s10 =	sld [smem:$0x3FB6];
	_ =	sdelay $0x3  }
0x37: {  	[smem:$0x3FB6] =	sst s10  }
0x38: {  	s10 =	sld [smem:$0x3FB7]  }
0x39: {  	_ = 	snop;
	(pc) =	sbr.ind lr, $3  }
0x3a: {  	_ = 	snop  }
0x3b: {  	_ = 	snop  }
0x3c: {  	p2 =	seq.s32 s10, $0x1;
	s10 =	sld [smem:$0x3FB6]  }
0x3d: {  	_ =	shalt  }
0x3e: {  	_ =	shalt  }
0x3f: {  	_ =	shalt  }
0x40: {  	_ =	shalt  }
0x41: {  	_ =	shalt  }
0x42: {  	_ =	shalt  }
0x43: {  	_ =	shalt  }
0x44: {  	_ =	shalt  }
0x45: {  	_ =	shalt  }
0x46: {  	_ =	shalt  }
0x47: {  	_ =	shalt  }
0x48: {  	_ =	shalt  }
0x49: {  	_ =	shalt  }
0x4a: {  	_ =	shalt  }
0x4b: {  	_ =	shalt  }
0x4c: {  	_ =	shalt  }
0x4d: {  	_ =	shalt  }
0x4e: {  	_ =	shalt  }
0x4f: {  	_ =	shalt  }
0x50: {  	_ =	shalt  }
0x51: {  	_ =	shalt  }
0x52: {  	_ =	shalt  }
0x53: {  	_ =	shalt  }
0x54: {  	_ =	shalt  }
0x55: {  	_ =	shalt  }
0x56: {  	_ =	shalt  }
0x57: {  	_ =	shalt  }
0x58: {  	_ =	shalt  }
0x59: {  	_ =	shalt  }
0x5a: {  	_ =	shalt  }
0x5b: {  	_ =	shalt  }
0x5c: {  	_ =	shalt  }
0x5d: {  	_ =	shalt  }
0x5e: {  	_ =	shalt  }
0x5f: {  	_ =	shalt  }
0x60: {  	_ =	shalt  }
0x61: {  	_ =	shalt  }
0x62: {  	_ =	shalt  }
0x63: {  	_ =	shalt  }
0x64: {  	_ =	shalt  }
0x65: {  	_ =	shalt  }
0x66: {  	_ =	shalt  }
0x67: {  	_ =	shalt  }
0x68: {  	_ =	shalt  }
0x69: {  	_ =	shalt  }
0x6a: {  	_ =	shalt  }
0x6b: {  	_ =	shalt  }
0x6c: {  	_ =	shalt  }
0x6d: {  	_ =	shalt  }
0x6e: {  	_ =	shalt  }
0x6f: {  	_ =	shalt  }
0x70: {  	_ =	shalt  }
0x71: {  	_ =	shalt  }
0x72: {  	_ =	shalt  }
0x73: {  	_ =	shalt  }
0x74: {  	_ =	shalt  }
0x75: {  	_ =	shalt  }
0x76: {  	_ =	shalt  }
0x77: {  	_ =	shalt  }
0x78: {  	_ =	shalt  }
0x79: {  	_ =	shalt  }
0x7a: {  	_ =	shalt  }
0x7b: {  	_ =	shalt  }
0x7c: {  	_ =	shalt  }
0x7d: {  	_ =	shalt  }
0x7e: {  	_ =	shalt  }
0x7f: {  	_ =	shalt  }
0x80: {  	_ =	shalt  }
0x81: {  	_ =	shalt  }
0x82: {  	_ =	shalt  }
0x83: {  	_ =	shalt  }
0x84: {  	_ =	shalt  }
0x85: {  	_ =	shalt  }
0x86: {  	_ =	shalt  }
0x87: {  	_ =	shalt  }
.Lfunc_end0:
.L_simem_size_0:
called_computation_lowered:
.L_overlay_start_0:
0x88: {  	s2 =	sld [smem:$0x3FD9]  }
0x89: {  	s3 =	sld [smem:$0x3FFE];
	_ =	sdelay $0x1  }
0x8a: {  	s1 =	srdreg.scid  }
0x8b: {  	s0 =	sand.u32 $0x1, s1  }
0x8c: {  	s17 =	sshll.u32 s0, $0xA;
	s2 =	sadd.s32 s3, s2  }
0x8d: {  	s2 =	sadd.s32 s2, s17  }
0x8e: {  	[smem:$0x3FC2] =	sst s2  }
0x8f: {  	_ = 	snop  }
0x90: {  	s2 =	sld [smem:$0x3FC9]  }
0x91: {  	s18 =	sld [smem:$0x3FC8]  }
0x92: {  	s4 =	sld [smem:$0x3FC7]  }
0x93: {  	s5 =	sld [smem:$0x3FC6]  }
0x94: {  	s6 =	sld [smem:$0x3FD0];
	(tm) =	ssettm $0x1  }
0x95: {  	s7 =	sld [smem:$0x3FFB];
	_ =	sdelay $0x3  }
0x96: {  	_ =	strace s7  }
0x97: {  	s7 =	sld [smem:$0x3FFC];
	_ =	sdelay $0x3  }
0x98: {  	_ =	strace s7  }
0x99: {  	s7 =	sld [smem:$0x3FFD];
	_ =	sdelay $0x3  }
0x9a: {  	_ =	strace s7  }
0x9b: {  	_ =	strace $0x8FFFFFFF  }
0x9c: {  	s19 =	sld [smem:$0x3FDB];
	_ =	sdelay $0x1  }
0x9d: {  	s8 =	simm.s32 $_scs_section_size  }
0x9e: {  	s9 =	simm.s32 $_size__tile_overlayer_lowered;
	s10 =	simm.s32 $_tile_overlayer_lowered  }
0x9f: {  	s22 =	simm.s32 $0x1BFF;
	s21 =	sshll.u32 s10, $0x1;
	s7 =	sadd.s32 s8, s19  }
0xa0: {  	s11 =	simm.s32 $0x0;
	s20 =	sshll.u32 s9, $0x1;
	s9 =	sadd.s32 s21, s7  }
0xa1: {  	[timem:s11], [sflag:s22] =	dma.local [hbm:s9], s20  }
0xa2: {  	_ =	swait.ge [sflag:s22], s20  }
0xa3: {  	s8 =	ssub.s32 $0x0, s20;
	[sflag:s22] =	ssyncset.done $0x0  }
0xa4: {  	[sflag:s22] =	ssyncadd.s32 s8;
	_ =	sdelay $0x1  }
0xa5: {  	s23 =	simm.s32 $0x1B8B  }
0xa6: {  	_ =	swait.ge [sflag:s23], $0x1  }
0xa7: {  	[sflag:s23] =	ssyncset.done $0x0  }
0xa8: {  	s25 =	simm.s32 $0x1B8E;
	s24 =	sld [smem:$0x3FFE];
	[sflag:s23] =	ssyncadd.s32 $0xFFFFFFFF  }
0xa9: {  	s26 =	simm.s32 $execute0_lowered;
	[smem:$0x3FD2] =	sst s25  }
0xaa: {  	s9 =	sshll.u32 s26, $0x1;
	_ =	strace $0x80000046;
	[dreg:$0x1] =	wrdreg $0xFFFFFFFF  }
0xab: {  	s28 =	simm.s32 $_size_execute0_lowered;
	s7 =	sadd.s32 s7, s9;
	[dreg:$0x0] =	wrdreg $0x0  }
0xac: {  	s9 =	sshll.u32 s28, $0x1;
	[dreg:$0x2] =	wrdreg s7  }
0xad: {  	[dreg:$0x3] =	wrdreg s9  }
0xae: {  	[dreg:$0x4] =	wrdreg $0xC0  }
0xaf: {  	_ =	task [dreg:s11], $0x5FFFF  }
0xb0: {  	[dreg:$0x1] =	wrdreg $0xFFFFFFFF  }
0xb1: {  	[dreg:$0x0] =	wrdreg $0x60  }
0xb2: {  	[dreg:$0x2] =	wrdreg s4  }
0xb3: {  	[dreg:$0x3] =	wrdreg s5  }
0xb4: {  	[dreg:$0x4] =	wrdreg s24  }
0xb5: {  	[dreg:$0x5] =	wrdreg s2  }
0xb6: {  	[dreg:$0x6] =	wrdreg s18  }
0xb7: {  	[dreg:$0x7] =	wrdreg s6  }
0xb8: {  	[dreg:$0x8] =	wrdreg $0x9  }
0xb9: {  	_ =	task.clear_ibuf [dreg:s11], $0x9FFFF;
	_ =	strace $0x90000046  }
0xba: {  	s29 =	simm.s32 $0x9;
	_ =	strace $0x80000048  }
0xbb: {  	_ =	swait.ge [sflag:s29], $0x1  }
0xbc: {  	[sflag:s29] =	ssyncadd.s32 $0xFFFFFFFF  }
0xbd: {  	_ =	strace $0x90000048  }
0xbe: {  	_ =	sfence  }
0xbf: {  	s30 =	sld [smem:$0x0];
	_ =	sdelay $0x2  }
0xc0: {  	s31 =	sshll.u32 s1, $0xD;
	s1 =	sshrl.u32 s1, $0x2  }
0xc1: {  	s3 =	sand.u32 $0x4000, s31;
	s1 =	sadd.s32 s1, s30  }
0xc2: {  	s0 =	sor.u32 s3, s0;
	s1 =	sshll.u32 s1, $0x11  }
0xc3: {  	s0 =	sor.u32 s1, s0  }
0xc4: {  	s0 =	sadd.s32 $0x8F2B, s0  }
0xc5: {  	[sflag:s0] =	ssyncadd.remote.s32 $0x1  }
0xc6: {  	_ =	sfence.sel $0xFFFF  }
0xc7: {  	[dreg:$0x0] =	wrdreg $0xFFFFFFFF;
	(pc) =	sbr.abs _section_cstart, $3  }
0xc8: {  	[dreg:$0x1] =	wrdreg $0xFFFFFFFF  }
0xc9: {  	_ =	task.clear_ibuf [dreg:s11], $0x2FFFF;
	_ =	strace $0x9FFFFFFF  }
0xca: {  	(tm) =	ssettm $0x7FFFFFFF  }
0xcb: {  	_ =	shalt  }
tec
execute0_lowered:
.L_overlay_start_1:
0x0: {  	(tag) =	ssettag $0x1  }
0x1: {  	s1 =	rddreg [dreg:$0x0];
	s0 =	srdreg.scid  }
0x2: {  	s2 =	rddreg [dreg:$0x1];
	s18 =	stileid.u32  }
0x3: {  	s3 =	sand.u32 $0x1, s0;
	s0 =	rddreg [dreg:$0x2];
	s17 =	sshll.u32 s18, $0x1  }
0x4: {  	s8 =	smul.u32 $0xC3800, s18;
	s10 =	sshll.u32 s18, $0x11;
	p0 =	sgt.u32 s18, $0x7  }
0x5: {  	s4 =	ssub.s32 $0x2, s3;
	s5 =	sadd.s32 $0x6A00, s0;
	s9 =	sshll.u32 s3, $0x9  }
0x6: {  	s6 =	sshrl.u32 s4, $0x1;
	s19 =	sor.u32 s9, s8;
	s11 =	sor.u32 s9, s10  }
0x7: {  	s14 =	sor.u32 $0x80, s9;
	s7 =	ssub.s32 s4, s6;
	s4 =	sand.u32 $0xE, s17  }
0x8: {  	s13 =	sshrl.u32 s19, $0x3;
	s11 =	sshrl.u32 s11, $0x3;
	s23 =	sor.u32 s8, s14  }
0x9: {  	s26 =	sor.u32 s10, s14;
	s17 =	sor.u32 $0x180, s9;
	s12 =	sshrl.u32 s4, $0x1  }
0xa: {  	s6 =	sor.u32 s3, s4;
	s24 =	sadd.s32 s1, s13;
	s19 =	sadd.s32 s5, s11  }
0xb: {  	s3 =	sadd.s32 $0x8A00, s0;
	s25 =	sshrl.u32 s23, $0x3;
	s4 =	sshll.u32 s4, $0x10  }
0xc: {  	s15 =	sshrl.u32 s26, $0x3;
	s23 =	sor.u32 s10, s17;
	s7 =	smax.u32 s7, $0x1  }
0xd: {  	s12 =	smul.u32 $0xC3800, s12;
	s21 =	sadd.s32 s11, s3;
	s25 =	sadd.s32 s1, s25  }
0xe: {  	s26 =	sadd.s32 s5, s15;
	s29 =	sadd.s32 s15, s3;
	s11 =	sor.u32 $0x100, s9  }
0xf: {  	s18 =	smov.u32 s24;
	s15 =	sor.u32 s8, s11;
	s8 =	sor.u32 s8, s17  }
0x10: {  	s20 =	sor.u32 s9, s12;
	s16 =	sor.u32 s12, s14;
	s15 =	sshrl.u32 s15, $0x3  }
0x11: {  	s8 =	sshrl.u32 s8, $0x3;
	s9 =	sor.u32 s9, s4;
	s22 =	sshrl.u32 s20, $0x3  }
0x12: {  	s13 =	sshrl.u32 s16, $0x3;
	s30 =	sadd.s32 s1, s15;
	s20 =	sor.u32 s10, s11  }
0x13: {  	s31 =	sadd.s32 s1, s8;
	s1 =	sshrl.u32 s23, $0x3;
	s22 =	sadd.s32 s2, s22  }
0x14: {  	s15 =	sshrl.u32 s20, $0x3;
	s20 =	sor.u32 s12, s11;
	s23 =	sadd.s32 s2, s13  }
0x15: {  	s13 =	sor.u32 s4, s11;
	s16 =	sadd.s32 s15, s3;
	[dreg:$0xa] =	wrdreg s23  }
0x16: {  	s10 =	sadd.s32 s5, s15;
	s5 =	sadd.s32 s5, s1;
	[dreg:$0x7] =	wrdreg s16  }
0x17: {  	s1 =	sadd.s32 s1, s3;
	s15 =	sadd.s32 $0x28A00, s0;
	[dreg:$0x8] =	wrdreg s5  }
0x18: {  	s23 =	sshrl.u32 s13, $0x3;
	[dreg:$0x9] =	wrdreg s1;
	s1 =	sshrl.u32 s20, $0x3  }
0x19: {  	s5 =	sor.u32 s12, s17;
	s16 =	simm.s32 $0x0;
	s12 =	sor.u32 s4, s14  }
0x1a: {  	s4 =	sor.u32 s4, s17;
	s14 =	sadd.s32 $0x26A00, s0;
	s24 =	smov.u32 s10  }
0x1b: {  	s10 =	simm.s32 $0x80;
	s1 =	sadd.s32 s2, s1;
	[smem:$0x7FF] =	sst s16  }
0x1c: {  	s8 =	sshrl.u32 s5, $0x3;
	s11 =	sadd.s32 s14, s23;
	[dreg:$0xb] =	wrdreg s1  }
0x1d: {  	s20 =	sshrl.u32 s12, $0x3;
	s12 =	sadd.s32 s23, s15;
	[dreg:$0x11] =	wrdreg s11  }
0x1e: {  	s13 =	sshrl.u32 s4, $0x3;
	s1 =	sadd.s32 s2, s8;
	[dreg:$0x12] =	wrdreg s12  }
0x1f: {  	[dreg:$0xc] =	wrdreg s1;
	s1 =	sshrl.u32 s9, $0x3;
	s9 =	sadd.s32 s14, s20  }
0x20: {  	s23 =	sadd.s32 $0x3800, s0;
	s17 =	sadd.s32 s14, s1;
	[dreg:$0xf] =	wrdreg s9  }
0x21: {  	s11 =	simm.s32 $0x400;
	s1 =	sadd.s32 s1, s15;
	[dreg:$0xd] =	wrdreg s17  }
0x22: {  	s12 =	simm.s32 $0x1C700;
	s14 =	sadd.s32 s14, s13;
	[dreg:$0xe] =	wrdreg s1  }
0x23: {  	s9 =	simm.s32 $0x2;
	s1 =	sadd.s32 s20, s15;
	[dreg:$0x13] =	wrdreg s14  }
0x24: {  	s17 =	sshll.u32 s6, $0xA;
	s6 =	sshll.u32 s6, $0x7;
	s14 =	simm.s32 $0x0  }
0x25: {  	[dreg:$0x10] =	wrdreg s1;
	s1 =	sadd.s32 s13, s15;
	s15 =	sadd.s32 $0x600, s0  }
.Ltmp0:
0x26: {  	s0 =	sadd.s32 $0x46A00, s0;
	s20 =	sadd.s32 $0x18700, s17;
	(pc) =	sbr.rel .LBB2_1-.Ltmp0, $4  }
0x27: {  	s28 =	sadd.s32 $0x18800, s17;
	s2 =	sadd.s32 $0x18900, s17;
	s3 =	sadd.s32 $0x18980, s17  }
0x28: {  	s4 =	sadd.s32 $0x18A00, s17;
	s5 =	sadd.s32 $0x18A80, s17;
	[dreg:$0x14] =	wrdreg s1  }
0x29: {  	s1 =	sadd.s32 $0x18880, s17;
	_ =	strace $0x80000047;
	[dreg:$0x15] =	wrdreg s15  }
0x2a: {  	[dreg:$0x16] =	wrdreg s23;
	s23 =	sadd.s32 $0x18780, s17;
	s17 =	simm.s32 $0x1  }
.LBB2_35:
0x2b: {  	[tilespmem:s13+$0xFFFFFFE0] =	vst v5  }
0x2c: {  	[tilespmem:s13+$0xFFFFFFF0] =	vst v3  }
0x2d: {  	[tilespmem:s13+$0x0] =	vst v0  }
0x2e: {  	[tilespmem:s13+$0x10] =	vst v1  }
0x2f: {  	[tilespmem:s13+$0x20] =	vst v2  }
0x30: {  	[tilespmem:s13+$0xFFFFFFC0] =	vst v4  }
0x31: {  	s15 =	rddreg [dreg:$0x14]  }
0x32: {  	s8 =	smov.u32 s0;
	s13 =	rddreg [dreg:$0x16]  }
.LBB2_36:
0x33: {  	[hbm4b:s15+s10] =	stream.strided.scatter [tilespmem:s12], [sflag:$0x2], $0x2000, s11, s10, $0x38;
	[tilespmem:$0x1E700] =	vst v63  }
0x34: {  	_ =	swait.ge [sflag:s9], $0x2000  }
0x35: {  	[sflag:s9] =	ssyncset.done $0x0  }
0x36: {  	[sflag:s9] =	ssyncadd.s32 $0xFFFFE000  }
0x37: {  	[tilespmem:s12], [sflag:$0x1] =	stream.indirect.gather [hbm4b:s13+s10], $0x1, s20, s10, $0xb8;
	[tilespmem:$0x1E700] =	vst v63  }
0x38: {  	s15 =	simm.s32 $0x1C780  }
0x39: {  	[tilespmem:s15], [sflag:$0x1] =	stream.indirect.gather [hbm4b:s13+s10], $0x1, s23, s10, $0xb8;
	[tilespmem:$0x1E700] =	vst v63  }
0x3a: {  	s15 =	simm.s32 $0x1C800  }
0x3b: {  	[tilespmem:s15], [sflag:$0x1] =	stream.indirect.gather [hbm4b:s13+s10], $0x1, s28, s10, $0xb8;
	[tilespmem:$0x1E700] =	vst v63  }
0x3c: {  	s15 =	simm.s32 $0x1C880  }
0x3d: {  	[tilespmem:s15], [sflag:$0x1] =	stream.indirect.gather [hbm4b:s13+s10], $0x1, s1, s10, $0xb8;
	[tilespmem:$0x1E700] =	vst v63  }
0x3e: {  	s15 =	simm.s32 $0x1C900  }
0x3f: {  	[tilespmem:s15], [sflag:$0x1] =	stream.indirect.gather [hbm4b:s13+s10], $0x1, s2, s10, $0xb8;
	[tilespmem:$0x1E700] =	vst v63  }
0x40: {  	s15 =	simm.s32 $0x1C980  }
0x41: {  	[tilespmem:s15], [sflag:$0x1] =	stream.indirect.gather [hbm4b:s13+s10], $0x1, s3, s10, $0xb8;
	[tilespmem:$0x1E700] =	vst v63  }
0x42: {  	s15 =	simm.s32 $0x1CA00  }
0x43: {  	[tilespmem:s15], [sflag:$0x1] =	stream.indirect.gather [hbm4b:s13+s10], $0x1, s4, s10, $0xb8;
	[tilespmem:$0x1E700] =	vst v63  }
0x44: {  	s15 =	simm.s32 $0x1CA80  }
0x45: {  	[tilespmem:s15], [sflag:$0x1] =	stream.indirect.gather [hbm4b:s13+s10], $0x1, s5, s10, $0xb8;
	[tilespmem:$0x1E700] =	vst v63  }
0x46: {  	_ =	swait.ge [sflag:s17], $0x80  }
0x47: {  	[sflag:s17] =	ssyncset.done $0x0  }
0x48: {  	[sflag:s17] =	ssyncadd.s32 $0xFFFFFF80  }
0x49: {  	_ =	swait.ge [sflag:s17], $0x80  }
0x4a: {  	[sflag:s17] =	ssyncset.done $0x0  }
0x4b: {  	[sflag:s17] =	ssyncadd.s32 $0xFFFFFF80  }
0x4c: {  	_ =	swait.ge [sflag:s17], $0x80  }
0x4d: {  	[sflag:s17] =	ssyncset.done $0x0  }
0x4e: {  	[sflag:s17] =	ssyncadd.s32 $0xFFFFFF80  }
0x4f: {  	_ =	swait.ge [sflag:s17], $0x80  }
0x50: {  	[sflag:s17] =	ssyncset.done $0x0  }
0x51: {  	[sflag:s17] =	ssyncadd.s32 $0xFFFFFF80  }
0x52: {  	_ =	swait.ge [sflag:s17], $0x80  }
0x53: {  	[sflag:s17] =	ssyncset.done $0x0  }
0x54: {  	[sflag:s17] =	ssyncadd.s32 $0xFFFFFF80  }
0x55: {  	_ =	swait.ge [sflag:s17], $0x80  }
0x56: {  	[sflag:s17] =	ssyncset.done $0x0  }
0x57: {  	[sflag:s17] =	ssyncadd.s32 $0xFFFFFF80  }
0x58: {  	_ =	swait.ge [sflag:s17], $0x80  }
0x59: {  	[sflag:s17] =	ssyncset.done $0x0  }
0x5a: {  	[sflag:s17] =	ssyncadd.s32 $0xFFFFFF80  }
0x5b: {  	s14 =	sadd.s32 $0x1, s14;
	_ =	swait.ge [sflag:s17], $0x80  }
0x5c: {  	p1 =	sne.s32 s14, s7;
	[sflag:s17] =	ssyncset.done $0x0  }
.Ltmp1:
0x5d: {  	s8 =	sadd.s32 s8, s6;
	[sflag:s17] =	ssyncadd.s32 $0xFFFFFF80;
	(pc) =	sbr.rel @!p1 .LBB2_37-.Ltmp1, $4  }
0x5e: {  	[hbm4b:s8+s16] =	stream.linear.scatter [tilespmem:s12], [sflag:$0x2], $0x400, $0x38;
	[tilespmem:$0x1E700] =	vst v63  }
0x5f: {  	_ =	swait.ge [sflag:s9], $0x400  }
0x60: {  	[sflag:s9] =	ssyncset.done $0x0  }
0x61: {  	[sflag:s9] =	ssyncadd.s32 $0xFFFFFC00  }
.LBB2_1:
.Ltmp2:
0x62: {  	(pc) =	sbr.rel @!p0 .LBB2_2-.Ltmp2, $1  }
0x63: {  	_ =	sdelay $0x3  }
0x64: {  	s8 =	rddreg [dreg:$0x4];
	s13 =	simm.s32 $0x18700  }
0x65: {  	[tilespmem:s13], [sflag:$0x2] =	stream.linear.gather [hbm4b:s8+s16], $0x4000, $0x38;
	[tilespmem:$0x1E700] =	vst v63  }
0x66: {  	_ =	swait.ge [sflag:s9], $0x4000  }
0x67: {  	[sflag:s9] =	ssyncset.done $0x0  }
0x68: {  	[sflag:s9] =	ssyncadd.s32 $0xFFFFC000  }
0x69: {  	[tilespmem:s16], [sflag:$0x2] =	stream.strided.gather [hbm4b:s22+s10], $0x18700, s11, s10, $0x38;
	[tilespmem:$0x1E700] =	vst v63  }
0x6a: {  	_ =	swait.ge [sflag:s9], $0x18700  }
0x6b: {  	[sflag:s9] =	ssyncset.done $0x0  }
0x6c: {  	s15 =	simm.s32 $0x18740;
	[sflag:s9] =	ssyncadd.s32 $0xFFFE7900  }
0x6d: {  	v0 =	vld [tilespmem:s15+$0x30]  }
0x6e: {  	v1 =	vld [tilespmem:s15+$0xFFFFFFD0]  }
0x6f: {  	v2 =	vld [tilespmem:s15+$0xFFFFFFE0]  }
0x70: {  	v3 =	vld [tilespmem:s15+$0xFFFFFFF0]  }
0x71: {  	v4 =	vld [tilespmem:s15+$0x0]  }
0x72: {  	v6 =	vld [tilespmem:s15+$0x10]  }
0x73: {  	v7 =	vld [tilespmem:s15+$0x20]  }
0x74: {  	v8 =	vld [tilespmem:s15+$0xFFFFFFC0]  }
0x75: {  	v9 =	vld.idx.msk [tilespmem:v0+s16+$0x0], $0xffff  }
0x76: {  	v10 =	vld.idx.msk [tilespmem:v1+s16+$0x0], $0xffff  }
0x77: {  	v5 =	vld.idx.msk [tilespmem:v2+s16+$0x0], $0xffff  }
0x78: {  	v3 =	vld.idx.msk [tilespmem:v3+s16+$0x0], $0xffff  }
0x79: {  	v0 =	vld.idx.msk [tilespmem:v4+s16+$0x0], $0xffff  }
0x7a: {  	s13 =	simm.s32 $0x1C740;
	v1 =	vld.idx.msk [tilespmem:v6+s16+$0x0], $0xffff  }
0x7b: {  	v2 =	vld.idx.msk [tilespmem:v7+s16+$0x0], $0xffff;
	[tilespmem:s13+$0x30] =	vst v9  }
0x7c: {  	s8 =	simm.s32 $0x0;
	s15 =	simm.s32 $0x187C0;
	v4 =	vld.idx.msk [tilespmem:v8+s16+$0x0], $0xffff;
	[tilespmem:s13+$0xFFFFFFD0] =	vst v10  }
.LBB2_20:
0x7d: {  	v6 =	vld [tilespmem:s15+$0x30];
	s8 =	sadd.s32 $0x8, s8;
	[tilespmem:s13+$0xFFFFFFE0] =	vst v5  }
0x7e: {  	v5 =	vld [tilespmem:s15+$0xFFFFFFD0];
	p1 =	slt.u32 s8, $0x1F8;
	[tilespmem:s13+$0xFFFFFFF0] =	vst v3  }
0x7f: {  	v3 =	vld [tilespmem:s15+$0xFFFFFFE0];
	[tilespmem:s13+$0x0] =	vst v0  }
0x80: {  	v0 =	vld [tilespmem:s15+$0xFFFFFFF0];
	[tilespmem:s13+$0x10] =	vst v1  }
0x81: {  	v1 =	vld [tilespmem:s15+$0x0];
	[tilespmem:s13+$0x20] =	vst v2  }
0x82: {  	v2 =	vld [tilespmem:s15+$0x10];
	[tilespmem:s13+$0xFFFFFFC0] =	vst v4  }
0x83: {  	v4 =	vld [tilespmem:s15+$0x20]  }
0x84: {  	v7 =	vld [tilespmem:s15+$0xFFFFFFC0]  }
0x85: {  	v6 =	vld.idx.msk [tilespmem:v6+s16+$0x0], $0xffff  }
0x86: {  	v8 =	vld.idx.msk [tilespmem:v5+s16+$0x0], $0xffff  }
0x87: {  	v5 =	vld.idx.msk [tilespmem:v3+s16+$0x0], $0xffff  }
.Ltmp3:
0x88: {  	v3 =	vld.idx.msk [tilespmem:v0+s16+$0x0], $0xffff;
	(pc) =	sbr.rel @p1 .LBB2_20-.Ltmp3, $4  }
0x89: {  	v0 =	vld.idx.msk [tilespmem:v1+s16+$0x0], $0xffff  }
0x8a: {  	s13 =	sadd.s32 $0x80, s13;
	v1 =	vld.idx.msk [tilespmem:v2+s16+$0x0], $0xffff  }
0x8b: {  	v2 =	vld.idx.msk [tilespmem:v4+s16+$0x0], $0xffff;
	[tilespmem:s13+$0x30] =	vst v6  }
0x8c: {  	s15 =	sadd.s32 $0x80, s15;
	v4 =	vld.idx.msk [tilespmem:v7+s16+$0x0], $0xffff;
	[tilespmem:s13+$0xFFFFFFD0] =	vst v8  }
0x8d: {  	[tilespmem:s13+$0xFFFFFFE0] =	vst v5  }
0x8e: {  	[tilespmem:s13+$0xFFFFFFF0] =	vst v3  }
0x8f: {  	[tilespmem:s13+$0x0] =	vst v0  }
0x90: {  	[tilespmem:s13+$0x10] =	vst v1  }
0x91: {  	[tilespmem:s13+$0x20] =	vst v2  }
0x92: {  	[tilespmem:s13+$0xFFFFFFC0] =	vst v4  }
0x93: {  	s8 =	rddreg [dreg:$0xd]  }
0x94: {  	[hbm4b:s8+s10] =	stream.strided.scatter [tilespmem:s12], [sflag:$0x2], $0x2000, s11, s10, $0x38;
	[tilespmem:$0x1E700] =	vst v63  }
0x95: {  	_ =	swait.ge [sflag:s9], $0x2000  }
0x96: {  	[sflag:s9] =	ssyncset.done $0x0  }
0x97: {  	s15 =	simm.s32 $0x1A770;
	[sflag:s9] =	ssyncadd.s32 $0xFFFFE000  }
0x98: {  	v0 =	vld [tilespmem:s15+$0x0]  }
0x99: {  	v1 =	vld [tilespmem:s15+$0xFFFFFFA0]  }
0x9a: {  	v2 =	vld [tilespmem:s15+$0xFFFFFFB0]  }
0x9b: {  	v3 =	vld [tilespmem:s15+$0xFFFFFFC0]  }
0x9c: {  	v4 =	vld [tilespmem:s15+$0xFFFFFFD0]  }
0x9d: {  	v6 =	vld [tilespmem:s15+$0xFFFFFFE0]  }
0x9e: {  	v7 =	vld [tilespmem:s15+$0xFFFFFFF0]  }
0x9f: {  	v8 =	vld [tilespmem:s15+$0xFFFFFF90]  }
0xa0: {  	v9 =	vld.idx.msk [tilespmem:v0+s16+$0x0], $0xffff  }
0xa1: {  	v10 =	vld.idx.msk [tilespmem:v1+s16+$0x0], $0xffff  }
0xa2: {  	v5 =	vld.idx.msk [tilespmem:v2+s16+$0x0], $0xffff  }
0xa3: {  	v3 =	vld.idx.msk [tilespmem:v3+s16+$0x0], $0xffff  }
0xa4: {  	v0 =	vld.idx.msk [tilespmem:v4+s16+$0x0], $0xffff  }
0xa5: {  	s13 =	simm.s32 $0x1C740;
	v1 =	vld.idx.msk [tilespmem:v6+s16+$0x0], $0xffff  }
0xa6: {  	v2 =	vld.idx.msk [tilespmem:v7+s16+$0x0], $0xffff;
	[tilespmem:s13+$0x30] =	vst v9  }
0xa7: {  	s8 =	simm.s32 $0x0;
	s15 =	simm.s32 $0x1A7F0;
	v4 =	vld.idx.msk [tilespmem:v8+s16+$0x0], $0xffff;
	[tilespmem:s13+$0xFFFFFFD0] =	vst v10  }
.LBB2_22:
0xa8: {  	v6 =	vld [tilespmem:s15+$0x0];
	s8 =	sadd.s32 $0x8, s8;
	[tilespmem:s13+$0xFFFFFFE0] =	vst v5  }
0xa9: {  	v5 =	vld [tilespmem:s15+$0xFFFFFFA0];
	p1 =	slt.u32 s8, $0x1F8;
	[tilespmem:s13+$0xFFFFFFF0] =	vst v3  }
0xaa: {  	v3 =	vld [tilespmem:s15+$0xFFFFFFB0];
	[tilespmem:s13+$0x0] =	vst v0  }
0xab: {  	v0 =	vld [tilespmem:s15+$0xFFFFFFC0];
	[tilespmem:s13+$0x10] =	vst v1  }
0xac: {  	v1 =	vld [tilespmem:s15+$0xFFFFFFD0];
	[tilespmem:s13+$0x20] =	vst v2  }
0xad: {  	v2 =	vld [tilespmem:s15+$0xFFFFFFE0];
	[tilespmem:s13+$0xFFFFFFC0] =	vst v4  }
0xae: {  	v4 =	vld [tilespmem:s15+$0xFFFFFFF0]  }
0xaf: {  	v7 =	vld [tilespmem:s15+$0xFFFFFF90]  }
0xb0: {  	v6 =	vld.idx.msk [tilespmem:v6+s16+$0x0], $0xffff  }
0xb1: {  	v8 =	vld.idx.msk [tilespmem:v5+s16+$0x0], $0xffff  }
0xb2: {  	v5 =	vld.idx.msk [tilespmem:v3+s16+$0x0], $0xffff  }
.Ltmp4:
0xb3: {  	v3 =	vld.idx.msk [tilespmem:v0+s16+$0x0], $0xffff;
	(pc) =	sbr.rel @p1 .LBB2_22-.Ltmp4, $4  }
0xb4: {  	v0 =	vld.idx.msk [tilespmem:v1+s16+$0x0], $0xffff  }
0xb5: {  	s13 =	sadd.s32 $0x80, s13;
	v1 =	vld.idx.msk [tilespmem:v2+s16+$0x0], $0xffff  }
0xb6: {  	v2 =	vld.idx.msk [tilespmem:v4+s16+$0x0], $0xffff;
	[tilespmem:s13+$0x30] =	vst v6  }
0xb7: {  	s15 =	sadd.s32 $0x80, s15;
	v4 =	vld.idx.msk [tilespmem:v7+s16+$0x0], $0xffff;
	[tilespmem:s13+$0xFFFFFFD0] =	vst v8  }
0xb8: {  	[tilespmem:s13+$0xFFFFFFE0] =	vst v5  }
0xb9: {  	[tilespmem:s13+$0xFFFFFFF0] =	vst v3  }
0xba: {  	[tilespmem:s13+$0x0] =	vst v0  }
0xbb: {  	[tilespmem:s13+$0x10] =	vst v1  }
0xbc: {  	[tilespmem:s13+$0x20] =	vst v2  }
0xbd: {  	[tilespmem:s13+$0xFFFFFFC0] =	vst v4  }
0xbe: {  	s8 =	rddreg [dreg:$0xe]  }
0xbf: {  	[hbm4b:s8+s10] =	stream.strided.scatter [tilespmem:s12], [sflag:$0x2], $0x2000, s11, s10, $0x38;
	[tilespmem:$0x1E700] =	vst v63  }
0xc0: {  	_ =	swait.ge [sflag:s9], $0x2000  }
0xc1: {  	[sflag:s9] =	ssyncset.done $0x0  }
0xc2: {  	s13 =	rddreg [dreg:$0xa];
	[sflag:s9] =	ssyncadd.s32 $0xFFFFE000  }
0xc3: {  	[tilespmem:s16], [sflag:$0x2] =	stream.strided.gather [hbm4b:s13+s10], $0x18700, s11, s10, $0x38;
	[tilespmem:$0x1E700] =	vst v63  }
0xc4: {  	_ =	swait.ge [sflag:s9], $0x18700  }
0xc5: {  	[sflag:s9] =	ssyncset.done $0x0  }
0xc6: {  	s15 =	simm.s32 $0x18740;
	[sflag:s9] =	ssyncadd.s32 $0xFFFE7900  }
0xc7: {  	v0 =	vld [tilespmem:s15+$0x30]  }
0xc8: {  	v1 =	vld [tilespmem:s15+$0xFFFFFFD0]  }
0xc9: {  	v2 =	vld [tilespmem:s15+$0xFFFFFFE0]  }
0xca: {  	v3 =	vld [tilespmem:s15+$0xFFFFFFF0]  }
0xcb: {  	v4 =	vld [tilespmem:s15+$0x0]  }
0xcc: {  	v6 =	vld [tilespmem:s15+$0x10]  }
0xcd: {  	v7 =	vld [tilespmem:s15+$0x20]  }
0xce: {  	v8 =	vld [tilespmem:s15+$0xFFFFFFC0]  }
0xcf: {  	v9 =	vld.idx.msk [tilespmem:v0+s16+$0x0], $0xffff  }
0xd0: {  	v10 =	vld.idx.msk [tilespmem:v1+s16+$0x0], $0xffff  }
0xd1: {  	v5 =	vld.idx.msk [tilespmem:v2+s16+$0x0], $0xffff  }
0xd2: {  	v3 =	vld.idx.msk [tilespmem:v3+s16+$0x0], $0xffff  }
0xd3: {  	v0 =	vld.idx.msk [tilespmem:v4+s16+$0x0], $0xffff  }
0xd4: {  	s13 =	simm.s32 $0x1C740;
	v1 =	vld.idx.msk [tilespmem:v6+s16+$0x0], $0xffff  }
0xd5: {  	v2 =	vld.idx.msk [tilespmem:v7+s16+$0x0], $0xffff;
	[tilespmem:s13+$0x30] =	vst v9  }
0xd6: {  	s8 =	simm.s32 $0x0;
	s15 =	simm.s32 $0x187C0;
	v4 =	vld.idx.msk [tilespmem:v8+s16+$0x0], $0xffff;
	[tilespmem:s13+$0xFFFFFFD0] =	vst v10  }
.LBB2_24:
0xd7: {  	v6 =	vld [tilespmem:s15+$0x30];
	s8 =	sadd.s32 $0x8, s8;
	[tilespmem:s13+$0xFFFFFFE0] =	vst v5  }
0xd8: {  	v5 =	vld [tilespmem:s15+$0xFFFFFFD0];
	p1 =	slt.u32 s8, $0x1F8;
	[tilespmem:s13+$0xFFFFFFF0] =	vst v3  }
0xd9: {  	v3 =	vld [tilespmem:s15+$0xFFFFFFE0];
	[tilespmem:s13+$0x0] =	vst v0  }
0xda: {  	v0 =	vld [tilespmem:s15+$0xFFFFFFF0];
	[tilespmem:s13+$0x10] =	vst v1  }
0xdb: {  	v1 =	vld [tilespmem:s15+$0x0];
	[tilespmem:s13+$0x20] =	vst v2  }
0xdc: {  	v2 =	vld [tilespmem:s15+$0x10];
	[tilespmem:s13+$0xFFFFFFC0] =	vst v4  }
0xdd: {  	v4 =	vld [tilespmem:s15+$0x20]  }
0xde: {  	v7 =	vld [tilespmem:s15+$0xFFFFFFC0]  }
0xdf: {  	v6 =	vld.idx.msk [tilespmem:v6+s16+$0x0], $0xffff  }
0xe0: {  	v8 =	vld.idx.msk [tilespmem:v5+s16+$0x0], $0xffff  }
0xe1: {  	v5 =	vld.idx.msk [tilespmem:v3+s16+$0x0], $0xffff  }
.Ltmp5:
0xe2: {  	v3 =	vld.idx.msk [tilespmem:v0+s16+$0x0], $0xffff;
	(pc) =	sbr.rel @p1 .LBB2_24-.Ltmp5, $4  }
0xe3: {  	v0 =	vld.idx.msk [tilespmem:v1+s16+$0x0], $0xffff  }
0xe4: {  	s13 =	sadd.s32 $0x80, s13;
	v1 =	vld.idx.msk [tilespmem:v2+s16+$0x0], $0xffff  }
0xe5: {  	v2 =	vld.idx.msk [tilespmem:v4+s16+$0x0], $0xffff;
	[tilespmem:s13+$0x30] =	vst v6  }
0xe6: {  	s15 =	sadd.s32 $0x80, s15;
	v4 =	vld.idx.msk [tilespmem:v7+s16+$0x0], $0xffff;
	[tilespmem:s13+$0xFFFFFFD0] =	vst v8  }
0xe7: {  	[tilespmem:s13+$0xFFFFFFE0] =	vst v5  }
0xe8: {  	[tilespmem:s13+$0xFFFFFFF0] =	vst v3  }
0xe9: {  	[tilespmem:s13+$0x0] =	vst v0  }
0xea: {  	[tilespmem:s13+$0x10] =	vst v1  }
0xeb: {  	[tilespmem:s13+$0x20] =	vst v2  }
0xec: {  	[tilespmem:s13+$0xFFFFFFC0] =	vst v4  }
0xed: {  	s8 =	rddreg [dreg:$0xf]  }
0xee: {  	[hbm4b:s8+s10] =	stream.strided.scatter [tilespmem:s12], [sflag:$0x2], $0x2000, s11, s10, $0x38;
	[tilespmem:$0x1E700] =	vst v63  }
0xef: {  	_ =	swait.ge [sflag:s9], $0x2000  }
0xf0: {  	[sflag:s9] =	ssyncset.done $0x0  }
0xf1: {  	s15 =	simm.s32 $0x1A770;
	[sflag:s9] =	ssyncadd.s32 $0xFFFFE000  }
0xf2: {  	v0 =	vld [tilespmem:s15+$0x0]  }
0xf3: {  	v1 =	vld [tilespmem:s15+$0xFFFFFFA0]  }
0xf4: {  	v2 =	vld [tilespmem:s15+$0xFFFFFFB0]  }
0xf5: {  	v3 =	vld [tilespmem:s15+$0xFFFFFFC0]  }
0xf6: {  	v4 =	vld [tilespmem:s15+$0xFFFFFFD0]  }
0xf7: {  	v6 =	vld [tilespmem:s15+$0xFFFFFFE0]  }
0xf8: {  	v7 =	vld [tilespmem:s15+$0xFFFFFFF0]  }
0xf9: {  	v8 =	vld [tilespmem:s15+$0xFFFFFF90]  }
0xfa: {  	v9 =	vld.idx.msk [tilespmem:v0+s16+$0x0], $0xffff  }
0xfb: {  	v10 =	vld.idx.msk [tilespmem:v1+s16+$0x0], $0xffff  }
0xfc: {  	v5 =	vld.idx.msk [tilespmem:v2+s16+$0x0], $0xffff  }
0xfd: {  	v3 =	vld.idx.msk [tilespmem:v3+s16+$0x0], $0xffff  }
0xfe: {  	v0 =	vld.idx.msk [tilespmem:v4+s16+$0x0], $0xffff  }
0xff: {  	s13 =	simm.s32 $0x1C740;
	v1 =	vld.idx.msk [tilespmem:v6+s16+$0x0], $0xffff  }
0x100: {  	v2 =	vld.idx.msk [tilespmem:v7+s16+$0x0], $0xffff;
	[tilespmem:s13+$0x30] =	vst v9  }
0x101: {  	s8 =	simm.s32 $0x0;
	s15 =	simm.s32 $0x1A7F0;
	v4 =	vld.idx.msk [tilespmem:v8+s16+$0x0], $0xffff;
	[tilespmem:s13+$0xFFFFFFD0] =	vst v10  }
.LBB2_26:
0x102: {  	v6 =	vld [tilespmem:s15+$0x0];
	s8 =	sadd.s32 $0x8, s8;
	[tilespmem:s13+$0xFFFFFFE0] =	vst v5  }
0x103: {  	v5 =	vld [tilespmem:s15+$0xFFFFFFA0];
	p1 =	slt.u32 s8, $0x1F8;
	[tilespmem:s13+$0xFFFFFFF0] =	vst v3  }
0x104: {  	v3 =	vld [tilespmem:s15+$0xFFFFFFB0];
	[tilespmem:s13+$0x0] =	vst v0  }
0x105: {  	v0 =	vld [tilespmem:s15+$0xFFFFFFC0];
	[tilespmem:s13+$0x10] =	vst v1  }
0x106: {  	v1 =	vld [tilespmem:s15+$0xFFFFFFD0];
	[tilespmem:s13+$0x20] =	vst v2  }
0x107: {  	v2 =	vld [tilespmem:s15+$0xFFFFFFE0];
	[tilespmem:s13+$0xFFFFFFC0] =	vst v4  }
0x108: {  	v4 =	vld [tilespmem:s15+$0xFFFFFFF0]  }
0x109: {  	v7 =	vld [tilespmem:s15+$0xFFFFFF90]  }
0x10a: {  	v6 =	vld.idx.msk [tilespmem:v6+s16+$0x0], $0xffff  }
0x10b: {  	v8 =	vld.idx.msk [tilespmem:v5+s16+$0x0], $0xffff  }
0x10c: {  	v5 =	vld.idx.msk [tilespmem:v3+s16+$0x0], $0xffff  }
.Ltmp6:
0x10d: {  	v3 =	vld.idx.msk [tilespmem:v0+s16+$0x0], $0xffff;
	(pc) =	sbr.rel @p1 .LBB2_26-.Ltmp6, $4  }
0x10e: {  	v0 =	vld.idx.msk [tilespmem:v1+s16+$0x0], $0xffff  }
0x10f: {  	s13 =	sadd.s32 $0x80, s13;
	v1 =	vld.idx.msk [tilespmem:v2+s16+$0x0], $0xffff  }
0x110: {  	v2 =	vld.idx.msk [tilespmem:v4+s16+$0x0], $0xffff;
	[tilespmem:s13+$0x30] =	vst v6  }
0x111: {  	s15 =	sadd.s32 $0x80, s15;
	v4 =	vld.idx.msk [tilespmem:v7+s16+$0x0], $0xffff;
	[tilespmem:s13+$0xFFFFFFD0] =	vst v8  }
0x112: {  	[tilespmem:s13+$0xFFFFFFE0] =	vst v5  }
0x113: {  	[tilespmem:s13+$0xFFFFFFF0] =	vst v3  }
0x114: {  	[tilespmem:s13+$0x0] =	vst v0  }
0x115: {  	[tilespmem:s13+$0x10] =	vst v1  }
0x116: {  	[tilespmem:s13+$0x20] =	vst v2  }
0x117: {  	[tilespmem:s13+$0xFFFFFFC0] =	vst v4  }
0x118: {  	s8 =	rddreg [dreg:$0x10]  }
0x119: {  	[hbm4b:s8+s10] =	stream.strided.scatter [tilespmem:s12], [sflag:$0x2], $0x2000, s11, s10, $0x38;
	[tilespmem:$0x1E700] =	vst v63  }
0x11a: {  	_ =	swait.ge [sflag:s9], $0x2000  }
0x11b: {  	[sflag:s9] =	ssyncset.done $0x0  }
0x11c: {  	s13 =	rddreg [dreg:$0xb];
	[sflag:s9] =	ssyncadd.s32 $0xFFFFE000  }
0x11d: {  	[tilespmem:s16], [sflag:$0x2] =	stream.strided.gather [hbm4b:s13+s10], $0x18700, s11, s10, $0x38;
	[tilespmem:$0x1E700] =	vst v63  }
0x11e: {  	_ =	swait.ge [sflag:s9], $0x18700  }
0x11f: {  	[sflag:s9] =	ssyncset.done $0x0  }
0x120: {  	s15 =	simm.s32 $0x18740;
	[sflag:s9] =	ssyncadd.s32 $0xFFFE7900  }
0x121: {  	v0 =	vld [tilespmem:s15+$0x30]  }
0x122: {  	v1 =	vld [tilespmem:s15+$0xFFFFFFD0]  }
0x123: {  	v2 =	vld [tilespmem:s15+$0xFFFFFFE0]  }
0x124: {  	v3 =	vld [tilespmem:s15+$0xFFFFFFF0]  }
0x125: {  	v4 =	vld [tilespmem:s15+$0x0]  }
0x126: {  	v6 =	vld [tilespmem:s15+$0x10]  }
0x127: {  	v7 =	vld [tilespmem:s15+$0x20]  }
0x128: {  	v8 =	vld [tilespmem:s15+$0xFFFFFFC0]  }
0x129: {  	v9 =	vld.idx.msk [tilespmem:v0+s16+$0x0], $0xffff  }
0x12a: {  	v10 =	vld.idx.msk [tilespmem:v1+s16+$0x0], $0xffff  }
0x12b: {  	v5 =	vld.idx.msk [tilespmem:v2+s16+$0x0], $0xffff  }
0x12c: {  	v3 =	vld.idx.msk [tilespmem:v3+s16+$0x0], $0xffff  }
0x12d: {  	v0 =	vld.idx.msk [tilespmem:v4+s16+$0x0], $0xffff  }
0x12e: {  	s13 =	simm.s32 $0x1C740;
	v1 =	vld.idx.msk [tilespmem:v6+s16+$0x0], $0xffff  }
0x12f: {  	v2 =	vld.idx.msk [tilespmem:v7+s16+$0x0], $0xffff;
	[tilespmem:s13+$0x30] =	vst v9  }
0x130: {  	s8 =	simm.s32 $0x0;
	s15 =	simm.s32 $0x187C0;
	v4 =	vld.idx.msk [tilespmem:v8+s16+$0x0], $0xffff;
	[tilespmem:s13+$0xFFFFFFD0] =	vst v10  }
.LBB2_28:
0x131: {  	v6 =	vld [tilespmem:s15+$0x30];
	s8 =	sadd.s32 $0x8, s8;
	[tilespmem:s13+$0xFFFFFFE0] =	vst v5  }
0x132: {  	v5 =	vld [tilespmem:s15+$0xFFFFFFD0];
	p1 =	slt.u32 s8, $0x1F8;
	[tilespmem:s13+$0xFFFFFFF0] =	vst v3  }
0x133: {  	v3 =	vld [tilespmem:s15+$0xFFFFFFE0];
	[tilespmem:s13+$0x0] =	vst v0  }
0x134: {  	v0 =	vld [tilespmem:s15+$0xFFFFFFF0];
	[tilespmem:s13+$0x10] =	vst v1  }
0x135: {  	v1 =	vld [tilespmem:s15+$0x0];
	[tilespmem:s13+$0x20] =	vst v2  }
0x136: {  	v2 =	vld [tilespmem:s15+$0x10];
	[tilespmem:s13+$0xFFFFFFC0] =	vst v4  }
0x137: {  	v4 =	vld [tilespmem:s15+$0x20]  }
0x138: {  	v7 =	vld [tilespmem:s15+$0xFFFFFFC0]  }
0x139: {  	v6 =	vld.idx.msk [tilespmem:v6+s16+$0x0], $0xffff  }
0x13a: {  	v8 =	vld.idx.msk [tilespmem:v5+s16+$0x0], $0xffff  }
0x13b: {  	v5 =	vld.idx.msk [tilespmem:v3+s16+$0x0], $0xffff  }
.Ltmp7:
0x13c: {  	v3 =	vld.idx.msk [tilespmem:v0+s16+$0x0], $0xffff;
	(pc) =	sbr.rel @p1 .LBB2_28-.Ltmp7, $4  }
0x13d: {  	v0 =	vld.idx.msk [tilespmem:v1+s16+$0x0], $0xffff  }
0x13e: {  	s13 =	sadd.s32 $0x80, s13;
	v1 =	vld.idx.msk [tilespmem:v2+s16+$0x0], $0xffff  }
0x13f: {  	v2 =	vld.idx.msk [tilespmem:v4+s16+$0x0], $0xffff;
	[tilespmem:s13+$0x30] =	vst v6  }
0x140: {  	s15 =	sadd.s32 $0x80, s15;
	v4 =	vld.idx.msk [tilespmem:v7+s16+$0x0], $0xffff;
	[tilespmem:s13+$0xFFFFFFD0] =	vst v8  }
0x141: {  	[tilespmem:s13+$0xFFFFFFE0] =	vst v5  }
0x142: {  	[tilespmem:s13+$0xFFFFFFF0] =	vst v3  }
0x143: {  	[tilespmem:s13+$0x0] =	vst v0  }
0x144: {  	[tilespmem:s13+$0x10] =	vst v1  }
0x145: {  	[tilespmem:s13+$0x20] =	vst v2  }
0x146: {  	[tilespmem:s13+$0xFFFFFFC0] =	vst v4  }
0x147: {  	s8 =	rddreg [dreg:$0x11]  }
0x148: {  	[hbm4b:s8+s10] =	stream.strided.scatter [tilespmem:s12], [sflag:$0x2], $0x2000, s11, s10, $0x38;
	[tilespmem:$0x1E700] =	vst v63  }
0x149: {  	_ =	swait.ge [sflag:s9], $0x2000  }
0x14a: {  	[sflag:s9] =	ssyncset.done $0x0  }
0x14b: {  	s15 =	simm.s32 $0x1A770;
	[sflag:s9] =	ssyncadd.s32 $0xFFFFE000  }
0x14c: {  	v0 =	vld [tilespmem:s15+$0x0]  }
0x14d: {  	v1 =	vld [tilespmem:s15+$0xFFFFFFA0]  }
0x14e: {  	v2 =	vld [tilespmem:s15+$0xFFFFFFB0]  }
0x14f: {  	v3 =	vld [tilespmem:s15+$0xFFFFFFC0]  }
0x150: {  	v4 =	vld [tilespmem:s15+$0xFFFFFFD0]  }
0x151: {  	v6 =	vld [tilespmem:s15+$0xFFFFFFE0]  }
0x152: {  	v7 =	vld [tilespmem:s15+$0xFFFFFFF0]  }
0x153: {  	v8 =	vld [tilespmem:s15+$0xFFFFFF90]  }
0x154: {  	v9 =	vld.idx.msk [tilespmem:v0+s16+$0x0], $0xffff  }
0x155: {  	v10 =	vld.idx.msk [tilespmem:v1+s16+$0x0], $0xffff  }
0x156: {  	v5 =	vld.idx.msk [tilespmem:v2+s16+$0x0], $0xffff  }
0x157: {  	v3 =	vld.idx.msk [tilespmem:v3+s16+$0x0], $0xffff  }
0x158: {  	v0 =	vld.idx.msk [tilespmem:v4+s16+$0x0], $0xffff  }
0x159: {  	s13 =	simm.s32 $0x1C740;
	v1 =	vld.idx.msk [tilespmem:v6+s16+$0x0], $0xffff  }
0x15a: {  	v2 =	vld.idx.msk [tilespmem:v7+s16+$0x0], $0xffff;
	[tilespmem:s13+$0x30] =	vst v9  }
0x15b: {  	s8 =	simm.s32 $0x0;
	s15 =	simm.s32 $0x1A7F0;
	v4 =	vld.idx.msk [tilespmem:v8+s16+$0x0], $0xffff;
	[tilespmem:s13+$0xFFFFFFD0] =	vst v10  }
.LBB2_30:
0x15c: {  	v6 =	vld [tilespmem:s15+$0x0];
	s8 =	sadd.s32 $0x8, s8;
	[tilespmem:s13+$0xFFFFFFE0] =	vst v5  }
0x15d: {  	v5 =	vld [tilespmem:s15+$0xFFFFFFA0];
	p1 =	slt.u32 s8, $0x1F8;
	[tilespmem:s13+$0xFFFFFFF0] =	vst v3  }
0x15e: {  	v3 =	vld [tilespmem:s15+$0xFFFFFFB0];
	[tilespmem:s13+$0x0] =	vst v0  }
0x15f: {  	v0 =	vld [tilespmem:s15+$0xFFFFFFC0];
	[tilespmem:s13+$0x10] =	vst v1  }
0x160: {  	v1 =	vld [tilespmem:s15+$0xFFFFFFD0];
	[tilespmem:s13+$0x20] =	vst v2  }
0x161: {  	v2 =	vld [tilespmem:s15+$0xFFFFFFE0];
	[tilespmem:s13+$0xFFFFFFC0] =	vst v4  }
0x162: {  	v4 =	vld [tilespmem:s15+$0xFFFFFFF0]  }
0x163: {  	v7 =	vld [tilespmem:s15+$0xFFFFFF90]  }
0x164: {  	v6 =	vld.idx.msk [tilespmem:v6+s16+$0x0], $0xffff  }
0x165: {  	v8 =	vld.idx.msk [tilespmem:v5+s16+$0x0], $0xffff  }
0x166: {  	v5 =	vld.idx.msk [tilespmem:v3+s16+$0x0], $0xffff  }
.Ltmp8:
0x167: {  	v3 =	vld.idx.msk [tilespmem:v0+s16+$0x0], $0xffff;
	(pc) =	sbr.rel @p1 .LBB2_30-.Ltmp8, $4  }
0x168: {  	v0 =	vld.idx.msk [tilespmem:v1+s16+$0x0], $0xffff  }
0x169: {  	s13 =	sadd.s32 $0x80, s13;
	v1 =	vld.idx.msk [tilespmem:v2+s16+$0x0], $0xffff  }
0x16a: {  	v2 =	vld.idx.msk [tilespmem:v4+s16+$0x0], $0xffff;
	[tilespmem:s13+$0x30] =	vst v6  }
0x16b: {  	s15 =	sadd.s32 $0x80, s15;
	v4 =	vld.idx.msk [tilespmem:v7+s16+$0x0], $0xffff;
	[tilespmem:s13+$0xFFFFFFD0] =	vst v8  }
0x16c: {  	[tilespmem:s13+$0xFFFFFFE0] =	vst v5  }
0x16d: {  	[tilespmem:s13+$0xFFFFFFF0] =	vst v3  }
0x16e: {  	[tilespmem:s13+$0x0] =	vst v0  }
0x16f: {  	[tilespmem:s13+$0x10] =	vst v1  }
0x170: {  	[tilespmem:s13+$0x20] =	vst v2  }
0x171: {  	[tilespmem:s13+$0xFFFFFFC0] =	vst v4  }
0x172: {  	s8 =	rddreg [dreg:$0x12]  }
0x173: {  	[hbm4b:s8+s10] =	stream.strided.scatter [tilespmem:s12], [sflag:$0x2], $0x2000, s11, s10, $0x38;
	[tilespmem:$0x1E700] =	vst v63  }
0x174: {  	_ =	swait.ge [sflag:s9], $0x2000  }
0x175: {  	[sflag:s9] =	ssyncset.done $0x0  }
0x176: {  	s13 =	rddreg [dreg:$0xc];
	[sflag:s9] =	ssyncadd.s32 $0xFFFFE000  }
0x177: {  	[tilespmem:s16], [sflag:$0x2] =	stream.strided.gather [hbm4b:s13+s10], $0x18700, s11, s10, $0x38;
	[tilespmem:$0x1E700] =	vst v63  }
0x178: {  	_ =	swait.ge [sflag:s9], $0x18700  }
0x179: {  	[sflag:s9] =	ssyncset.done $0x0  }
0x17a: {  	s15 =	simm.s32 $0x18740;
	[sflag:s9] =	ssyncadd.s32 $0xFFFE7900  }
0x17b: {  	v0 =	vld [tilespmem:s15+$0x30]  }
0x17c: {  	v1 =	vld [tilespmem:s15+$0xFFFFFFD0]  }
0x17d: {  	v2 =	vld [tilespmem:s15+$0xFFFFFFE0]  }
0x17e: {  	v3 =	vld [tilespmem:s15+$0xFFFFFFF0]  }
0x17f: {  	v4 =	vld [tilespmem:s15+$0x0]  }
0x180: {  	v6 =	vld [tilespmem:s15+$0x10]  }
0x181: {  	v7 =	vld [tilespmem:s15+$0x20]  }
0x182: {  	v8 =	vld [tilespmem:s15+$0xFFFFFFC0]  }
0x183: {  	v9 =	vld.idx.msk [tilespmem:v0+s16+$0x0], $0xffff  }
0x184: {  	v10 =	vld.idx.msk [tilespmem:v1+s16+$0x0], $0xffff  }
0x185: {  	v5 =	vld.idx.msk [tilespmem:v2+s16+$0x0], $0xffff  }
0x186: {  	v3 =	vld.idx.msk [tilespmem:v3+s16+$0x0], $0xffff  }
0x187: {  	v0 =	vld.idx.msk [tilespmem:v4+s16+$0x0], $0xffff  }
0x188: {  	s13 =	simm.s32 $0x1C740;
	v1 =	vld.idx.msk [tilespmem:v6+s16+$0x0], $0xffff  }
0x189: {  	v2 =	vld.idx.msk [tilespmem:v7+s16+$0x0], $0xffff;
	[tilespmem:s13+$0x30] =	vst v9  }
0x18a: {  	s8 =	simm.s32 $0x0;
	s15 =	simm.s32 $0x187C0;
	v4 =	vld.idx.msk [tilespmem:v8+s16+$0x0], $0xffff;
	[tilespmem:s13+$0xFFFFFFD0] =	vst v10  }
.LBB2_32:
0x18b: {  	v6 =	vld [tilespmem:s15+$0x30];
	s8 =	sadd.s32 $0x8, s8;
	[tilespmem:s13+$0xFFFFFFE0] =	vst v5  }
0x18c: {  	v5 =	vld [tilespmem:s15+$0xFFFFFFD0];
	p1 =	slt.u32 s8, $0x1F8;
	[tilespmem:s13+$0xFFFFFFF0] =	vst v3  }
0x18d: {  	v3 =	vld [tilespmem:s15+$0xFFFFFFE0];
	[tilespmem:s13+$0x0] =	vst v0  }
0x18e: {  	v0 =	vld [tilespmem:s15+$0xFFFFFFF0];
	[tilespmem:s13+$0x10] =	vst v1  }
0x18f: {  	v1 =	vld [tilespmem:s15+$0x0];
	[tilespmem:s13+$0x20] =	vst v2  }
0x190: {  	v2 =	vld [tilespmem:s15+$0x10];
	[tilespmem:s13+$0xFFFFFFC0] =	vst v4  }
0x191: {  	v4 =	vld [tilespmem:s15+$0x20]  }
0x192: {  	v7 =	vld [tilespmem:s15+$0xFFFFFFC0]  }
0x193: {  	v6 =	vld.idx.msk [tilespmem:v6+s16+$0x0], $0xffff  }
0x194: {  	v8 =	vld.idx.msk [tilespmem:v5+s16+$0x0], $0xffff  }
0x195: {  	v5 =	vld.idx.msk [tilespmem:v3+s16+$0x0], $0xffff  }
.Ltmp9:
0x196: {  	v3 =	vld.idx.msk [tilespmem:v0+s16+$0x0], $0xffff;
	(pc) =	sbr.rel @p1 .LBB2_32-.Ltmp9, $4  }
0x197: {  	v0 =	vld.idx.msk [tilespmem:v1+s16+$0x0], $0xffff  }
0x198: {  	s13 =	sadd.s32 $0x80, s13;
	v1 =	vld.idx.msk [tilespmem:v2+s16+$0x0], $0xffff  }
0x199: {  	v2 =	vld.idx.msk [tilespmem:v4+s16+$0x0], $0xffff;
	[tilespmem:s13+$0x30] =	vst v6  }
0x19a: {  	s15 =	sadd.s32 $0x80, s15;
	v4 =	vld.idx.msk [tilespmem:v7+s16+$0x0], $0xffff;
	[tilespmem:s13+$0xFFFFFFD0] =	vst v8  }
0x19b: {  	[tilespmem:s13+$0xFFFFFFE0] =	vst v5  }
0x19c: {  	[tilespmem:s13+$0xFFFFFFF0] =	vst v3  }
0x19d: {  	[tilespmem:s13+$0x0] =	vst v0  }
0x19e: {  	[tilespmem:s13+$0x10] =	vst v1  }
0x19f: {  	[tilespmem:s13+$0x20] =	vst v2  }
0x1a0: {  	[tilespmem:s13+$0xFFFFFFC0] =	vst v4  }
0x1a1: {  	s8 =	rddreg [dreg:$0x13]  }
0x1a2: {  	[hbm4b:s8+s10] =	stream.strided.scatter [tilespmem:s12], [sflag:$0x2], $0x2000, s11, s10, $0x38;
	[tilespmem:$0x1E700] =	vst v63  }
0x1a3: {  	_ =	swait.ge [sflag:s9], $0x2000  }
0x1a4: {  	[sflag:s9] =	ssyncset.done $0x0  }
0x1a5: {  	s15 =	simm.s32 $0x1A770;
	[sflag:s9] =	ssyncadd.s32 $0xFFFFE000  }
0x1a6: {  	v0 =	vld [tilespmem:s15+$0x0]  }
0x1a7: {  	v1 =	vld [tilespmem:s15+$0xFFFFFFA0]  }
0x1a8: {  	v2 =	vld [tilespmem:s15+$0xFFFFFFB0]  }
0x1a9: {  	v3 =	vld [tilespmem:s15+$0xFFFFFFC0]  }
0x1aa: {  	v4 =	vld [tilespmem:s15+$0xFFFFFFD0]  }
0x1ab: {  	v6 =	vld [tilespmem:s15+$0xFFFFFFE0]  }
0x1ac: {  	v7 =	vld [tilespmem:s15+$0xFFFFFFF0]  }
0x1ad: {  	v8 =	vld [tilespmem:s15+$0xFFFFFF90]  }
0x1ae: {  	v9 =	vld.idx.msk [tilespmem:v0+s16+$0x0], $0xffff  }
0x1af: {  	v10 =	vld.idx.msk [tilespmem:v1+s16+$0x0], $0xffff  }
0x1b0: {  	v5 =	vld.idx.msk [tilespmem:v2+s16+$0x0], $0xffff  }
0x1b1: {  	v3 =	vld.idx.msk [tilespmem:v3+s16+$0x0], $0xffff  }
0x1b2: {  	v0 =	vld.idx.msk [tilespmem:v4+s16+$0x0], $0xffff  }
0x1b3: {  	s13 =	simm.s32 $0x1C740;
	v1 =	vld.idx.msk [tilespmem:v6+s16+$0x0], $0xffff  }
0x1b4: {  	v2 =	vld.idx.msk [tilespmem:v7+s16+$0x0], $0xffff;
	[tilespmem:s13+$0x30] =	vst v9  }
0x1b5: {  	s8 =	simm.s32 $0x0;
	s15 =	simm.s32 $0x1A7F0;
	v4 =	vld.idx.msk [tilespmem:v8+s16+$0x0], $0xffff;
	[tilespmem:s13+$0xFFFFFFD0] =	vst v10  }
.LBB2_34:
0x1b6: {  	v6 =	vld [tilespmem:s15+$0x0];
	s8 =	sadd.s32 $0x8, s8;
	[tilespmem:s13+$0xFFFFFFE0] =	vst v5  }
0x1b7: {  	v5 =	vld [tilespmem:s15+$0xFFFFFFA0];
	p1 =	slt.u32 s8, $0x1F8;
	[tilespmem:s13+$0xFFFFFFF0] =	vst v3  }
0x1b8: {  	v3 =	vld [tilespmem:s15+$0xFFFFFFB0];
	[tilespmem:s13+$0x0] =	vst v0  }
0x1b9: {  	v0 =	vld [tilespmem:s15+$0xFFFFFFC0];
	[tilespmem:s13+$0x10] =	vst v1  }
0x1ba: {  	v1 =	vld [tilespmem:s15+$0xFFFFFFD0];
	[tilespmem:s13+$0x20] =	vst v2  }
0x1bb: {  	v2 =	vld [tilespmem:s15+$0xFFFFFFE0];
	[tilespmem:s13+$0xFFFFFFC0] =	vst v4  }
0x1bc: {  	v4 =	vld [tilespmem:s15+$0xFFFFFFF0]  }
0x1bd: {  	v7 =	vld [tilespmem:s15+$0xFFFFFF90]  }
0x1be: {  	v6 =	vld.idx.msk [tilespmem:v6+s16+$0x0], $0xffff  }
0x1bf: {  	v8 =	vld.idx.msk [tilespmem:v5+s16+$0x0], $0xffff  }
0x1c0: {  	v5 =	vld.idx.msk [tilespmem:v3+s16+$0x0], $0xffff  }
.Ltmp10:
0x1c1: {  	v3 =	vld.idx.msk [tilespmem:v0+s16+$0x0], $0xffff;
	(pc) =	sbr.rel @p1 .LBB2_34-.Ltmp10, $4  }
0x1c2: {  	v0 =	vld.idx.msk [tilespmem:v1+s16+$0x0], $0xffff  }
0x1c3: {  	s13 =	sadd.s32 $0x80, s13;
	v1 =	vld.idx.msk [tilespmem:v2+s16+$0x0], $0xffff  }
0x1c4: {  	v2 =	vld.idx.msk [tilespmem:v4+s16+$0x0], $0xffff;
	[tilespmem:s13+$0x30] =	vst v6  }
0x1c5: {  	s15 =	sadd.s32 $0x80, s15;
	v4 =	vld.idx.msk [tilespmem:v7+s16+$0x0], $0xffff;
	[tilespmem:s13+$0xFFFFFFD0] =	vst v8  }
.Ltmp11:
0x1c6: {  	_ = 	snop;
	(pc) =	sbr.rel .LBB2_35-.Ltmp11, $1  }
0x1c7: {  	_ =	sdelay $0x3  }
.LBB2_2:
0x1c8: {  	s8 =	rddreg [dreg:$0x3];
	s13 =	simm.s32 $0x18700  }
0x1c9: {  	[tilespmem:s13], [sflag:$0x2] =	stream.linear.gather [hbm4b:s8+s16], $0x4000, $0x38;
	[tilespmem:$0x1E700] =	vst v63  }
0x1ca: {  	_ =	swait.ge [sflag:s9], $0x4000  }
0x1cb: {  	[sflag:s9] =	ssyncset.done $0x0  }
0x1cc: {  	[sflag:s9] =	ssyncadd.s32 $0xFFFFC000  }
0x1cd: {  	[tilespmem:s16], [sflag:$0x2] =	stream.strided.gather [hbm4b:s18+s10], $0x18700, s11, s10, $0x38;
	[tilespmem:$0x1E700] =	vst v63  }
0x1ce: {  	_ =	swait.ge [sflag:s9], $0x18700  }
0x1cf: {  	[sflag:s9] =	ssyncset.done $0x0  }
0x1d0: {  	s15 =	simm.s32 $0x18740;
	[sflag:s9] =	ssyncadd.s32 $0xFFFE7900  }
0x1d1: {  	v0 =	vld [tilespmem:s15+$0x30]  }
0x1d2: {  	v1 =	vld [tilespmem:s15+$0xFFFFFFD0]  }
0x1d3: {  	v2 =	vld [tilespmem:s15+$0xFFFFFFE0]  }
0x1d4: {  	v3 =	vld [tilespmem:s15+$0xFFFFFFF0]  }
0x1d5: {  	v4 =	vld [tilespmem:s15+$0x0]  }
0x1d6: {  	v6 =	vld [tilespmem:s15+$0x10]  }
0x1d7: {  	v7 =	vld [tilespmem:s15+$0x20]  }
0x1d8: {  	v8 =	vld [tilespmem:s15+$0xFFFFFFC0]  }
0x1d9: {  	v9 =	vld.idx.msk [tilespmem:v0+s16+$0x0], $0xffff  }
0x1da: {  	v10 =	vld.idx.msk [tilespmem:v1+s16+$0x0], $0xffff  }
0x1db: {  	v5 =	vld.idx.msk [tilespmem:v2+s16+$0x0], $0xffff  }
0x1dc: {  	v3 =	vld.idx.msk [tilespmem:v3+s16+$0x0], $0xffff  }
0x1dd: {  	v0 =	vld.idx.msk [tilespmem:v4+s16+$0x0], $0xffff  }
0x1de: {  	s13 =	simm.s32 $0x1C740;
	v1 =	vld.idx.msk [tilespmem:v6+s16+$0x0], $0xffff  }
0x1df: {  	v2 =	vld.idx.msk [tilespmem:v7+s16+$0x0], $0xffff;
	[tilespmem:s13+$0x30] =	vst v9  }
0x1e0: {  	s8 =	simm.s32 $0x0;
	s15 =	simm.s32 $0x187C0;
	v4 =	vld.idx.msk [tilespmem:v8+s16+$0x0], $0xffff;
	[tilespmem:s13+$0xFFFFFFD0] =	vst v10  }
.LBB2_3:
0x1e1: {  	v6 =	vld [tilespmem:s15+$0x30];
	s8 =	sadd.s32 $0x8, s8;
	[tilespmem:s13+$0xFFFFFFE0] =	vst v5  }
0x1e2: {  	v5 =	vld [tilespmem:s15+$0xFFFFFFD0];
	p1 =	slt.u32 s8, $0x1F8;
	[tilespmem:s13+$0xFFFFFFF0] =	vst v3  }
0x1e3: {  	v3 =	vld [tilespmem:s15+$0xFFFFFFE0];
	[tilespmem:s13+$0x0] =	vst v0  }
0x1e4: {  	v0 =	vld [tilespmem:s15+$0xFFFFFFF0];
	[tilespmem:s13+$0x10] =	vst v1  }
0x1e5: {  	v1 =	vld [tilespmem:s15+$0x0];
	[tilespmem:s13+$0x20] =	vst v2  }
0x1e6: {  	v2 =	vld [tilespmem:s15+$0x10];
	[tilespmem:s13+$0xFFFFFFC0] =	vst v4  }
0x1e7: {  	v4 =	vld [tilespmem:s15+$0x20]  }
0x1e8: {  	v7 =	vld [tilespmem:s15+$0xFFFFFFC0]  }
0x1e9: {  	v6 =	vld.idx.msk [tilespmem:v6+s16+$0x0], $0xffff  }
0x1ea: {  	v8 =	vld.idx.msk [tilespmem:v5+s16+$0x0], $0xffff  }
0x1eb: {  	v5 =	vld.idx.msk [tilespmem:v3+s16+$0x0], $0xffff  }
.Ltmp12:
0x1ec: {  	v3 =	vld.idx.msk [tilespmem:v0+s16+$0x0], $0xffff;
	(pc) =	sbr.rel @p1 .LBB2_3-.Ltmp12, $4  }
0x1ed: {  	v0 =	vld.idx.msk [tilespmem:v1+s16+$0x0], $0xffff  }
0x1ee: {  	s13 =	sadd.s32 $0x80, s13;
	v1 =	vld.idx.msk [tilespmem:v2+s16+$0x0], $0xffff  }
0x1ef: {  	v2 =	vld.idx.msk [tilespmem:v4+s16+$0x0], $0xffff;
	[tilespmem:s13+$0x30] =	vst v6  }
0x1f0: {  	s15 =	sadd.s32 $0x80, s15;
	v4 =	vld.idx.msk [tilespmem:v7+s16+$0x0], $0xffff;
	[tilespmem:s13+$0xFFFFFFD0] =	vst v8  }
0x1f1: {  	[tilespmem:s13+$0xFFFFFFE0] =	vst v5  }
0x1f2: {  	[tilespmem:s13+$0xFFFFFFF0] =	vst v3  }
0x1f3: {  	[tilespmem:s13+$0x0] =	vst v0  }
0x1f4: {  	[tilespmem:s13+$0x10] =	vst v1  }
0x1f5: {  	[tilespmem:s13+$0x20] =	vst v2  }
0x1f6: {  	[tilespmem:s13+$0xFFFFFFC0] =	vst v4  }
0x1f7: {  	[hbm4b:s19+s10] =	stream.strided.scatter [tilespmem:s12], [sflag:$0x2], $0x2000, s11, s10, $0x38;
	[tilespmem:$0x1E700] =	vst v63  }
0x1f8: {  	_ =	swait.ge [sflag:s9], $0x2000  }
0x1f9: {  	[sflag:s9] =	ssyncset.done $0x0  }
0x1fa: {  	s8 =	simm.s32 $0x1A770;
	[sflag:s9] =	ssyncadd.s32 $0xFFFFE000  }
0x1fb: {  	v0 =	vld [tilespmem:s8+$0x0]  }
0x1fc: {  	v1 =	vld [tilespmem:s8+$0xFFFFFFA0]  }
0x1fd: {  	v2 =	vld [tilespmem:s8+$0xFFFFFFB0]  }
0x1fe: {  	v3 =	vld [tilespmem:s8+$0xFFFFFFC0]  }
0x1ff: {  	v4 =	vld [tilespmem:s8+$0xFFFFFFD0]  }
0x200: {  	v6 =	vld [tilespmem:s8+$0xFFFFFFE0]  }
0x201: {  	v7 =	vld [tilespmem:s8+$0xFFFFFFF0]  }
0x202: {  	v8 =	vld [tilespmem:s8+$0xFFFFFF90]  }
0x203: {  	v9 =	vld.idx.msk [tilespmem:v0+s16+$0x0], $0xffff  }
0x204: {  	v10 =	vld.idx.msk [tilespmem:v1+s16+$0x0], $0xffff  }
0x205: {  	v5 =	vld.idx.msk [tilespmem:v2+s16+$0x0], $0xffff  }
0x206: {  	v3 =	vld.idx.msk [tilespmem:v3+s16+$0x0], $0xffff  }
0x207: {  	v0 =	vld.idx.msk [tilespmem:v4+s16+$0x0], $0xffff  }
0x208: {  	s13 =	simm.s32 $0x1C740;
	v1 =	vld.idx.msk [tilespmem:v6+s16+$0x0], $0xffff  }
0x209: {  	v2 =	vld.idx.msk [tilespmem:v7+s16+$0x0], $0xffff;
	[tilespmem:s13+$0x30] =	vst v9  }
0x20a: {  	s15 =	simm.s32 $0x1A7F0;
	s8 =	simm.s32 $0x0;
	v4 =	vld.idx.msk [tilespmem:v8+s16+$0x0], $0xffff;
	[tilespmem:s13+$0xFFFFFFD0] =	vst v10  }
.LBB2_5:
0x20b: {  	v6 =	vld [tilespmem:s15+$0x0];
	s8 =	sadd.s32 $0x8, s8;
	[tilespmem:s13+$0xFFFFFFE0] =	vst v5  }
0x20c: {  	v5 =	vld [tilespmem:s15+$0xFFFFFFA0];
	p1 =	slt.u32 s8, $0x1F8;
	[tilespmem:s13+$0xFFFFFFF0] =	vst v3  }
0x20d: {  	v3 =	vld [tilespmem:s15+$0xFFFFFFB0];
	[tilespmem:s13+$0x0] =	vst v0  }
0x20e: {  	v0 =	vld [tilespmem:s15+$0xFFFFFFC0];
	[tilespmem:s13+$0x10] =	vst v1  }
0x20f: {  	v1 =	vld [tilespmem:s15+$0xFFFFFFD0];
	[tilespmem:s13+$0x20] =	vst v2  }
0x210: {  	v2 =	vld [tilespmem:s15+$0xFFFFFFE0];
	[tilespmem:s13+$0xFFFFFFC0] =	vst v4  }
0x211: {  	v4 =	vld [tilespmem:s15+$0xFFFFFFF0]  }
0x212: {  	v7 =	vld [tilespmem:s15+$0xFFFFFF90]  }
0x213: {  	v6 =	vld.idx.msk [tilespmem:v6+s16+$0x0], $0xffff  }
0x214: {  	v8 =	vld.idx.msk [tilespmem:v5+s16+$0x0], $0xffff  }
0x215: {  	v5 =	vld.idx.msk [tilespmem:v3+s16+$0x0], $0xffff  }
.Ltmp13:
0x216: {  	v3 =	vld.idx.msk [tilespmem:v0+s16+$0x0], $0xffff;
	(pc) =	sbr.rel @p1 .LBB2_5-.Ltmp13, $4  }
0x217: {  	v0 =	vld.idx.msk [tilespmem:v1+s16+$0x0], $0xffff  }
0x218: {  	s13 =	sadd.s32 $0x80, s13;
	v1 =	vld.idx.msk [tilespmem:v2+s16+$0x0], $0xffff  }
0x219: {  	v2 =	vld.idx.msk [tilespmem:v4+s16+$0x0], $0xffff;
	[tilespmem:s13+$0x30] =	vst v6  }
0x21a: {  	s15 =	sadd.s32 $0x80, s15;
	v4 =	vld.idx.msk [tilespmem:v7+s16+$0x0], $0xffff;
	[tilespmem:s13+$0xFFFFFFD0] =	vst v8  }
0x21b: {  	[tilespmem:s13+$0xFFFFFFE0] =	vst v5  }
0x21c: {  	[tilespmem:s13+$0xFFFFFFF0] =	vst v3  }
0x21d: {  	[tilespmem:s13+$0x0] =	vst v0  }
0x21e: {  	[tilespmem:s13+$0x10] =	vst v1  }
0x21f: {  	[tilespmem:s13+$0x20] =	vst v2  }
0x220: {  	[tilespmem:s13+$0xFFFFFFC0] =	vst v4  }
0x221: {  	[hbm4b:s21+s10] =	stream.strided.scatter [tilespmem:s12], [sflag:$0x2], $0x2000, s11, s10, $0x38;
	[tilespmem:$0x1E700] =	vst v63  }
0x222: {  	_ =	swait.ge [sflag:s9], $0x2000  }
0x223: {  	[sflag:s9] =	ssyncset.done $0x0  }
0x224: {  	[sflag:s9] =	ssyncadd.s32 $0xFFFFE000  }
0x225: {  	[tilespmem:s16], [sflag:$0x2] =	stream.strided.gather [hbm4b:s25+s10], $0x18700, s11, s10, $0x38;
	[tilespmem:$0x1E700] =	vst v63  }
0x226: {  	_ =	swait.ge [sflag:s9], $0x18700  }
0x227: {  	[sflag:s9] =	ssyncset.done $0x0  }
0x228: {  	s8 =	simm.s32 $0x18740;
	[sflag:s9] =	ssyncadd.s32 $0xFFFE7900  }
0x229: {  	v0 =	vld [tilespmem:s8+$0x30]  }
0x22a: {  	v1 =	vld [tilespmem:s8+$0xFFFFFFD0]  }
0x22b: {  	v2 =	vld [tilespmem:s8+$0xFFFFFFE0]  }
0x22c: {  	v3 =	vld [tilespmem:s8+$0xFFFFFFF0]  }
0x22d: {  	v4 =	vld [tilespmem:s8+$0x0]  }
0x22e: {  	v6 =	vld [tilespmem:s8+$0x10]  }
0x22f: {  	v7 =	vld [tilespmem:s8+$0x20]  }
0x230: {  	v8 =	vld [tilespmem:s8+$0xFFFFFFC0]  }
0x231: {  	v9 =	vld.idx.msk [tilespmem:v0+s16+$0x0], $0xffff  }
0x232: {  	v10 =	vld.idx.msk [tilespmem:v1+s16+$0x0], $0xffff  }
0x233: {  	v5 =	vld.idx.msk [tilespmem:v2+s16+$0x0], $0xffff  }
0x234: {  	v3 =	vld.idx.msk [tilespmem:v3+s16+$0x0], $0xffff  }
0x235: {  	v0 =	vld.idx.msk [tilespmem:v4+s16+$0x0], $0xffff  }
0x236: {  	s13 =	simm.s32 $0x1C740;
	v1 =	vld.idx.msk [tilespmem:v6+s16+$0x0], $0xffff  }
0x237: {  	v2 =	vld.idx.msk [tilespmem:v7+s16+$0x0], $0xffff;
	[tilespmem:s13+$0x30] =	vst v9  }
0x238: {  	s15 =	simm.s32 $0x187C0;
	s8 =	simm.s32 $0x0;
	v4 =	vld.idx.msk [tilespmem:v8+s16+$0x0], $0xffff;
	[tilespmem:s13+$0xFFFFFFD0] =	vst v10  }
.LBB2_7:
0x239: {  	v6 =	vld [tilespmem:s15+$0x30];
	s8 =	sadd.s32 $0x8, s8;
	[tilespmem:s13+$0xFFFFFFE0] =	vst v5  }
0x23a: {  	v5 =	vld [tilespmem:s15+$0xFFFFFFD0];
	p1 =	slt.u32 s8, $0x1F8;
	[tilespmem:s13+$0xFFFFFFF0] =	vst v3  }
0x23b: {  	v3 =	vld [tilespmem:s15+$0xFFFFFFE0];
	[tilespmem:s13+$0x0] =	vst v0  }
0x23c: {  	v0 =	vld [tilespmem:s15+$0xFFFFFFF0];
	[tilespmem:s13+$0x10] =	vst v1  }
0x23d: {  	v1 =	vld [tilespmem:s15+$0x0];
	[tilespmem:s13+$0x20] =	vst v2  }
0x23e: {  	v2 =	vld [tilespmem:s15+$0x10];
	[tilespmem:s13+$0xFFFFFFC0] =	vst v4  }
0x23f: {  	v4 =	vld [tilespmem:s15+$0x20]  }
0x240: {  	v7 =	vld [tilespmem:s15+$0xFFFFFFC0]  }
0x241: {  	v6 =	vld.idx.msk [tilespmem:v6+s16+$0x0], $0xffff  }
0x242: {  	v8 =	vld.idx.msk [tilespmem:v5+s16+$0x0], $0xffff  }
0x243: {  	v5 =	vld.idx.msk [tilespmem:v3+s16+$0x0], $0xffff  }
.Ltmp14:
0x244: {  	v3 =	vld.idx.msk [tilespmem:v0+s16+$0x0], $0xffff;
	(pc) =	sbr.rel @p1 .LBB2_7-.Ltmp14, $4  }
0x245: {  	v0 =	vld.idx.msk [tilespmem:v1+s16+$0x0], $0xffff  }
0x246: {  	s13 =	sadd.s32 $0x80, s13;
	v1 =	vld.idx.msk [tilespmem:v2+s16+$0x0], $0xffff  }
0x247: {  	v2 =	vld.idx.msk [tilespmem:v4+s16+$0x0], $0xffff;
	[tilespmem:s13+$0x30] =	vst v6  }
0x248: {  	s15 =	sadd.s32 $0x80, s15;
	v4 =	vld.idx.msk [tilespmem:v7+s16+$0x0], $0xffff;
	[tilespmem:s13+$0xFFFFFFD0] =	vst v8  }
0x249: {  	[tilespmem:s13+$0xFFFFFFE0] =	vst v5  }
0x24a: {  	[tilespmem:s13+$0xFFFFFFF0] =	vst v3  }
0x24b: {  	[tilespmem:s13+$0x0] =	vst v0  }
0x24c: {  	[tilespmem:s13+$0x10] =	vst v1  }
0x24d: {  	[tilespmem:s13+$0x20] =	vst v2  }
0x24e: {  	[tilespmem:s13+$0xFFFFFFC0] =	vst v4  }
0x24f: {  	[hbm4b:s26+s10] =	stream.strided.scatter [tilespmem:s12], [sflag:$0x2], $0x2000, s11, s10, $0x38;
	[tilespmem:$0x1E700] =	vst v63  }
0x250: {  	_ =	swait.ge [sflag:s9], $0x2000  }
0x251: {  	[sflag:s9] =	ssyncset.done $0x0  }
0x252: {  	s8 =	simm.s32 $0x1A770;
	[sflag:s9] =	ssyncadd.s32 $0xFFFFE000  }
0x253: {  	v0 =	vld [tilespmem:s8+$0x0]  }
0x254: {  	v1 =	vld [tilespmem:s8+$0xFFFFFFA0]  }
0x255: {  	v2 =	vld [tilespmem:s8+$0xFFFFFFB0]  }
0x256: {  	v3 =	vld [tilespmem:s8+$0xFFFFFFC0]  }
0x257: {  	v4 =	vld [tilespmem:s8+$0xFFFFFFD0]  }
0x258: {  	v6 =	vld [tilespmem:s8+$0xFFFFFFE0]  }
0x259: {  	v7 =	vld [tilespmem:s8+$0xFFFFFFF0]  }
0x25a: {  	v8 =	vld [tilespmem:s8+$0xFFFFFF90]  }
0x25b: {  	v9 =	vld.idx.msk [tilespmem:v0+s16+$0x0], $0xffff  }
0x25c: {  	v10 =	vld.idx.msk [tilespmem:v1+s16+$0x0], $0xffff  }
0x25d: {  	v5 =	vld.idx.msk [tilespmem:v2+s16+$0x0], $0xffff  }
0x25e: {  	v3 =	vld.idx.msk [tilespmem:v3+s16+$0x0], $0xffff  }
0x25f: {  	v0 =	vld.idx.msk [tilespmem:v4+s16+$0x0], $0xffff  }
0x260: {  	s13 =	simm.s32 $0x1C740;
	v1 =	vld.idx.msk [tilespmem:v6+s16+$0x0], $0xffff  }
0x261: {  	v2 =	vld.idx.msk [tilespmem:v7+s16+$0x0], $0xffff;
	[tilespmem:s13+$0x30] =	vst v9  }
0x262: {  	s15 =	simm.s32 $0x1A7F0;
	s8 =	simm.s32 $0x0;
	v4 =	vld.idx.msk [tilespmem:v8+s16+$0x0], $0xffff;
	[tilespmem:s13+$0xFFFFFFD0] =	vst v10  }
.LBB2_9:
0x263: {  	v6 =	vld [tilespmem:s15+$0x0];
	s8 =	sadd.s32 $0x8, s8;
	[tilespmem:s13+$0xFFFFFFE0] =	vst v5  }
0x264: {  	v5 =	vld [tilespmem:s15+$0xFFFFFFA0];
	p1 =	slt.u32 s8, $0x1F8;
	[tilespmem:s13+$0xFFFFFFF0] =	vst v3  }
0x265: {  	v3 =	vld [tilespmem:s15+$0xFFFFFFB0];
	[tilespmem:s13+$0x0] =	vst v0  }
0x266: {  	v0 =	vld [tilespmem:s15+$0xFFFFFFC0];
	[tilespmem:s13+$0x10] =	vst v1  }
0x267: {  	v1 =	vld [tilespmem:s15+$0xFFFFFFD0];
	[tilespmem:s13+$0x20] =	vst v2  }
0x268: {  	v2 =	vld [tilespmem:s15+$0xFFFFFFE0];
	[tilespmem:s13+$0xFFFFFFC0] =	vst v4  }
0x269: {  	v4 =	vld [tilespmem:s15+$0xFFFFFFF0]  }
0x26a: {  	v7 =	vld [tilespmem:s15+$0xFFFFFF90]  }
0x26b: {  	v6 =	vld.idx.msk [tilespmem:v6+s16+$0x0], $0xffff  }
0x26c: {  	v8 =	vld.idx.msk [tilespmem:v5+s16+$0x0], $0xffff  }
0x26d: {  	v5 =	vld.idx.msk [tilespmem:v3+s16+$0x0], $0xffff  }
.Ltmp15:
0x26e: {  	v3 =	vld.idx.msk [tilespmem:v0+s16+$0x0], $0xffff;
	(pc) =	sbr.rel @p1 .LBB2_9-.Ltmp15, $4  }
0x26f: {  	v0 =	vld.idx.msk [tilespmem:v1+s16+$0x0], $0xffff  }
0x270: {  	s13 =	sadd.s32 $0x80, s13;
	v1 =	vld.idx.msk [tilespmem:v2+s16+$0x0], $0xffff  }
0x271: {  	v2 =	vld.idx.msk [tilespmem:v4+s16+$0x0], $0xffff;
	[tilespmem:s13+$0x30] =	vst v6  }
0x272: {  	s15 =	sadd.s32 $0x80, s15;
	v4 =	vld.idx.msk [tilespmem:v7+s16+$0x0], $0xffff;
	[tilespmem:s13+$0xFFFFFFD0] =	vst v8  }
0x273: {  	[tilespmem:s13+$0xFFFFFFE0] =	vst v5  }
0x274: {  	[tilespmem:s13+$0xFFFFFFF0] =	vst v3  }
0x275: {  	[tilespmem:s13+$0x0] =	vst v0  }
0x276: {  	[tilespmem:s13+$0x10] =	vst v1  }
0x277: {  	[tilespmem:s13+$0x20] =	vst v2  }
0x278: {  	[tilespmem:s13+$0xFFFFFFC0] =	vst v4  }
0x279: {  	[hbm4b:s29+s10] =	stream.strided.scatter [tilespmem:s12], [sflag:$0x2], $0x2000, s11, s10, $0x38;
	[tilespmem:$0x1E700] =	vst v63  }
0x27a: {  	_ =	swait.ge [sflag:s9], $0x2000  }
0x27b: {  	[sflag:s9] =	ssyncset.done $0x0  }
0x27c: {  	[sflag:s9] =	ssyncadd.s32 $0xFFFFE000  }
0x27d: {  	[tilespmem:s16], [sflag:$0x2] =	stream.strided.gather [hbm4b:s30+s10], $0x18700, s11, s10, $0x38;
	[tilespmem:$0x1E700] =	vst v63  }
0x27e: {  	_ =	swait.ge [sflag:s9], $0x18700  }
0x27f: {  	[sflag:s9] =	ssyncset.done $0x0  }
0x280: {  	s8 =	simm.s32 $0x18740;
	[sflag:s9] =	ssyncadd.s32 $0xFFFE7900  }
0x281: {  	v0 =	vld [tilespmem:s8+$0x30]  }
0x282: {  	v1 =	vld [tilespmem:s8+$0xFFFFFFD0]  }
0x283: {  	v2 =	vld [tilespmem:s8+$0xFFFFFFE0]  }
0x284: {  	v3 =	vld [tilespmem:s8+$0xFFFFFFF0]  }
0x285: {  	v4 =	vld [tilespmem:s8+$0x0]  }
0x286: {  	v6 =	vld [tilespmem:s8+$0x10]  }
0x287: {  	v7 =	vld [tilespmem:s8+$0x20]  }
0x288: {  	v8 =	vld [tilespmem:s8+$0xFFFFFFC0]  }
0x289: {  	v9 =	vld.idx.msk [tilespmem:v0+s16+$0x0], $0xffff  }
0x28a: {  	v10 =	vld.idx.msk [tilespmem:v1+s16+$0x0], $0xffff  }
0x28b: {  	v5 =	vld.idx.msk [tilespmem:v2+s16+$0x0], $0xffff  }
0x28c: {  	v3 =	vld.idx.msk [tilespmem:v3+s16+$0x0], $0xffff  }
0x28d: {  	v0 =	vld.idx.msk [tilespmem:v4+s16+$0x0], $0xffff  }
0x28e: {  	s13 =	simm.s32 $0x1C740;
	v1 =	vld.idx.msk [tilespmem:v6+s16+$0x0], $0xffff  }
0x28f: {  	v2 =	vld.idx.msk [tilespmem:v7+s16+$0x0], $0xffff;
	[tilespmem:s13+$0x30] =	vst v9  }
0x290: {  	s15 =	simm.s32 $0x187C0;
	s8 =	simm.s32 $0x0;
	v4 =	vld.idx.msk [tilespmem:v8+s16+$0x0], $0xffff;
	[tilespmem:s13+$0xFFFFFFD0] =	vst v10  }
.LBB2_11:
0x291: {  	v6 =	vld [tilespmem:s15+$0x30];
	s8 =	sadd.s32 $0x8, s8;
	[tilespmem:s13+$0xFFFFFFE0] =	vst v5  }
0x292: {  	v5 =	vld [tilespmem:s15+$0xFFFFFFD0];
	p1 =	slt.u32 s8, $0x1F8;
	[tilespmem:s13+$0xFFFFFFF0] =	vst v3  }
0x293: {  	v3 =	vld [tilespmem:s15+$0xFFFFFFE0];
	[tilespmem:s13+$0x0] =	vst v0  }
0x294: {  	v0 =	vld [tilespmem:s15+$0xFFFFFFF0];
	[tilespmem:s13+$0x10] =	vst v1  }
0x295: {  	v1 =	vld [tilespmem:s15+$0x0];
	[tilespmem:s13+$0x20] =	vst v2  }
0x296: {  	v2 =	vld [tilespmem:s15+$0x10];
	[tilespmem:s13+$0xFFFFFFC0] =	vst v4  }
0x297: {  	v4 =	vld [tilespmem:s15+$0x20]  }
0x298: {  	v7 =	vld [tilespmem:s15+$0xFFFFFFC0]  }
0x299: {  	v6 =	vld.idx.msk [tilespmem:v6+s16+$0x0], $0xffff  }
0x29a: {  	v8 =	vld.idx.msk [tilespmem:v5+s16+$0x0], $0xffff  }
0x29b: {  	v5 =	vld.idx.msk [tilespmem:v3+s16+$0x0], $0xffff  }
.Ltmp16:
0x29c: {  	v3 =	vld.idx.msk [tilespmem:v0+s16+$0x0], $0xffff;
	(pc) =	sbr.rel @p1 .LBB2_11-.Ltmp16, $4  }
0x29d: {  	v0 =	vld.idx.msk [tilespmem:v1+s16+$0x0], $0xffff  }
0x29e: {  	s13 =	sadd.s32 $0x80, s13;
	v1 =	vld.idx.msk [tilespmem:v2+s16+$0x0], $0xffff  }
0x29f: {  	v2 =	vld.idx.msk [tilespmem:v4+s16+$0x0], $0xffff;
	[tilespmem:s13+$0x30] =	vst v6  }
0x2a0: {  	s15 =	sadd.s32 $0x80, s15;
	v4 =	vld.idx.msk [tilespmem:v7+s16+$0x0], $0xffff;
	[tilespmem:s13+$0xFFFFFFD0] =	vst v8  }
0x2a1: {  	[tilespmem:s13+$0xFFFFFFE0] =	vst v5  }
0x2a2: {  	[tilespmem:s13+$0xFFFFFFF0] =	vst v3  }
0x2a3: {  	[tilespmem:s13+$0x0] =	vst v0  }
0x2a4: {  	[tilespmem:s13+$0x10] =	vst v1  }
0x2a5: {  	[tilespmem:s13+$0x20] =	vst v2  }
0x2a6: {  	[tilespmem:s13+$0xFFFFFFC0] =	vst v4  }
0x2a7: {  	[hbm4b:s24+s10] =	stream.strided.scatter [tilespmem:s12], [sflag:$0x2], $0x2000, s11, s10, $0x38;
	[tilespmem:$0x1E700] =	vst v63  }
0x2a8: {  	_ =	swait.ge [sflag:s9], $0x2000  }
0x2a9: {  	[sflag:s9] =	ssyncset.done $0x0  }
0x2aa: {  	s8 =	simm.s32 $0x1A770;
	[sflag:s9] =	ssyncadd.s32 $0xFFFFE000  }
0x2ab: {  	v0 =	vld [tilespmem:s8+$0x0]  }
0x2ac: {  	v1 =	vld [tilespmem:s8+$0xFFFFFFA0]  }
0x2ad: {  	v2 =	vld [tilespmem:s8+$0xFFFFFFB0]  }
0x2ae: {  	v3 =	vld [tilespmem:s8+$0xFFFFFFC0]  }
0x2af: {  	v4 =	vld [tilespmem:s8+$0xFFFFFFD0]  }
0x2b0: {  	v6 =	vld [tilespmem:s8+$0xFFFFFFE0]  }
0x2b1: {  	v7 =	vld [tilespmem:s8+$0xFFFFFFF0]  }
0x2b2: {  	v8 =	vld [tilespmem:s8+$0xFFFFFF90]  }
0x2b3: {  	v9 =	vld.idx.msk [tilespmem:v0+s16+$0x0], $0xffff  }
0x2b4: {  	v10 =	vld.idx.msk [tilespmem:v1+s16+$0x0], $0xffff  }
0x2b5: {  	v5 =	vld.idx.msk [tilespmem:v2+s16+$0x0], $0xffff  }
0x2b6: {  	v3 =	vld.idx.msk [tilespmem:v3+s16+$0x0], $0xffff  }
0x2b7: {  	v0 =	vld.idx.msk [tilespmem:v4+s16+$0x0], $0xffff  }
0x2b8: {  	s13 =	simm.s32 $0x1C740;
	v1 =	vld.idx.msk [tilespmem:v6+s16+$0x0], $0xffff  }
0x2b9: {  	v2 =	vld.idx.msk [tilespmem:v7+s16+$0x0], $0xffff;
	[tilespmem:s13+$0x30] =	vst v9  }
0x2ba: {  	s15 =	simm.s32 $0x1A7F0;
	s8 =	simm.s32 $0x0;
	v4 =	vld.idx.msk [tilespmem:v8+s16+$0x0], $0xffff;
	[tilespmem:s13+$0xFFFFFFD0] =	vst v10  }
.LBB2_13:
0x2bb: {  	v6 =	vld [tilespmem:s15+$0x0];
	s8 =	sadd.s32 $0x8, s8;
	[tilespmem:s13+$0xFFFFFFE0] =	vst v5  }
0x2bc: {  	v5 =	vld [tilespmem:s15+$0xFFFFFFA0];
	p1 =	slt.u32 s8, $0x1F8;
	[tilespmem:s13+$0xFFFFFFF0] =	vst v3  }
0x2bd: {  	v3 =	vld [tilespmem:s15+$0xFFFFFFB0];
	[tilespmem:s13+$0x0] =	vst v0  }
0x2be: {  	v0 =	vld [tilespmem:s15+$0xFFFFFFC0];
	[tilespmem:s13+$0x10] =	vst v1  }
0x2bf: {  	v1 =	vld [tilespmem:s15+$0xFFFFFFD0];
	[tilespmem:s13+$0x20] =	vst v2  }
0x2c0: {  	v2 =	vld [tilespmem:s15+$0xFFFFFFE0];
	[tilespmem:s13+$0xFFFFFFC0] =	vst v4  }
0x2c1: {  	v4 =	vld [tilespmem:s15+$0xFFFFFFF0]  }
0x2c2: {  	v7 =	vld [tilespmem:s15+$0xFFFFFF90]  }
0x2c3: {  	v6 =	vld.idx.msk [tilespmem:v6+s16+$0x0], $0xffff  }
0x2c4: {  	v8 =	vld.idx.msk [tilespmem:v5+s16+$0x0], $0xffff  }
0x2c5: {  	v5 =	vld.idx.msk [tilespmem:v3+s16+$0x0], $0xffff  }
.Ltmp17:
0x2c6: {  	v3 =	vld.idx.msk [tilespmem:v0+s16+$0x0], $0xffff;
	(pc) =	sbr.rel @p1 .LBB2_13-.Ltmp17, $4  }
0x2c7: {  	v0 =	vld.idx.msk [tilespmem:v1+s16+$0x0], $0xffff  }
0x2c8: {  	s13 =	sadd.s32 $0x80, s13;
	v1 =	vld.idx.msk [tilespmem:v2+s16+$0x0], $0xffff  }
0x2c9: {  	v2 =	vld.idx.msk [tilespmem:v4+s16+$0x0], $0xffff;
	[tilespmem:s13+$0x30] =	vst v6  }
0x2ca: {  	s15 =	sadd.s32 $0x80, s15;
	v4 =	vld.idx.msk [tilespmem:v7+s16+$0x0], $0xffff;
	[tilespmem:s13+$0xFFFFFFD0] =	vst v8  }
0x2cb: {  	[tilespmem:s13+$0xFFFFFFE0] =	vst v5  }
0x2cc: {  	[tilespmem:s13+$0xFFFFFFF0] =	vst v3  }
0x2cd: {  	[tilespmem:s13+$0x0] =	vst v0  }
0x2ce: {  	[tilespmem:s13+$0x10] =	vst v1  }
0x2cf: {  	[tilespmem:s13+$0x20] =	vst v2  }
0x2d0: {  	[tilespmem:s13+$0xFFFFFFC0] =	vst v4  }
0x2d1: {  	s8 =	rddreg [dreg:$0x7]  }
0x2d2: {  	[hbm4b:s8+s10] =	stream.strided.scatter [tilespmem:s12], [sflag:$0x2], $0x2000, s11, s10, $0x38;
	[tilespmem:$0x1E700] =	vst v63  }
0x2d3: {  	_ =	swait.ge [sflag:s9], $0x2000  }
0x2d4: {  	[sflag:s9] =	ssyncset.done $0x0  }
0x2d5: {  	[sflag:s9] =	ssyncadd.s32 $0xFFFFE000  }
0x2d6: {  	[tilespmem:s16], [sflag:$0x2] =	stream.strided.gather [hbm4b:s31+s10], $0x18700, s11, s10, $0x38;
	[tilespmem:$0x1E700] =	vst v63  }
0x2d7: {  	_ =	swait.ge [sflag:s9], $0x18700  }
0x2d8: {  	[sflag:s9] =	ssyncset.done $0x0  }
0x2d9: {  	s15 =	simm.s32 $0x18740;
	[sflag:s9] =	ssyncadd.s32 $0xFFFE7900  }
0x2da: {  	v0 =	vld [tilespmem:s15+$0x30]  }
0x2db: {  	v1 =	vld [tilespmem:s15+$0xFFFFFFD0]  }
0x2dc: {  	v2 =	vld [tilespmem:s15+$0xFFFFFFE0]  }
0x2dd: {  	v3 =	vld [tilespmem:s15+$0xFFFFFFF0]  }
0x2de: {  	v4 =	vld [tilespmem:s15+$0x0]  }
0x2df: {  	v6 =	vld [tilespmem:s15+$0x10]  }
0x2e0: {  	v7 =	vld [tilespmem:s15+$0x20]  }
0x2e1: {  	v8 =	vld [tilespmem:s15+$0xFFFFFFC0]  }
0x2e2: {  	v9 =	vld.idx.msk [tilespmem:v0+s16+$0x0], $0xffff  }
0x2e3: {  	v10 =	vld.idx.msk [tilespmem:v1+s16+$0x0], $0xffff  }
0x2e4: {  	v5 =	vld.idx.msk [tilespmem:v2+s16+$0x0], $0xffff  }
0x2e5: {  	v3 =	vld.idx.msk [tilespmem:v3+s16+$0x0], $0xffff  }
0x2e6: {  	v0 =	vld.idx.msk [tilespmem:v4+s16+$0x0], $0xffff  }
0x2e7: {  	s13 =	simm.s32 $0x1C740;
	v1 =	vld.idx.msk [tilespmem:v6+s16+$0x0], $0xffff  }
0x2e8: {  	v2 =	vld.idx.msk [tilespmem:v7+s16+$0x0], $0xffff;
	[tilespmem:s13+$0x30] =	vst v9  }
0x2e9: {  	s8 =	simm.s32 $0x0;
	s15 =	simm.s32 $0x187C0;
	v4 =	vld.idx.msk [tilespmem:v8+s16+$0x0], $0xffff;
	[tilespmem:s13+$0xFFFFFFD0] =	vst v10  }
.LBB2_15:
0x2ea: {  	v6 =	vld [tilespmem:s15+$0x30];
	s8 =	sadd.s32 $0x8, s8;
	[tilespmem:s13+$0xFFFFFFE0] =	vst v5  }
0x2eb: {  	v5 =	vld [tilespmem:s15+$0xFFFFFFD0];
	p1 =	slt.u32 s8, $0x1F8;
	[tilespmem:s13+$0xFFFFFFF0] =	vst v3  }
0x2ec: {  	v3 =	vld [tilespmem:s15+$0xFFFFFFE0];
	[tilespmem:s13+$0x0] =	vst v0  }
0x2ed: {  	v0 =	vld [tilespmem:s15+$0xFFFFFFF0];
	[tilespmem:s13+$0x10] =	vst v1  }
0x2ee: {  	v1 =	vld [tilespmem:s15+$0x0];
	[tilespmem:s13+$0x20] =	vst v2  }
0x2ef: {  	v2 =	vld [tilespmem:s15+$0x10];
	[tilespmem:s13+$0xFFFFFFC0] =	vst v4  }
0x2f0: {  	v4 =	vld [tilespmem:s15+$0x20]  }
0x2f1: {  	v7 =	vld [tilespmem:s15+$0xFFFFFFC0]  }
0x2f2: {  	v6 =	vld.idx.msk [tilespmem:v6+s16+$0x0], $0xffff  }
0x2f3: {  	v8 =	vld.idx.msk [tilespmem:v5+s16+$0x0], $0xffff  }
0x2f4: {  	v5 =	vld.idx.msk [tilespmem:v3+s16+$0x0], $0xffff  }
.Ltmp18:
0x2f5: {  	v3 =	vld.idx.msk [tilespmem:v0+s16+$0x0], $0xffff;
	(pc) =	sbr.rel @p1 .LBB2_15-.Ltmp18, $4  }
0x2f6: {  	v0 =	vld.idx.msk [tilespmem:v1+s16+$0x0], $0xffff  }
0x2f7: {  	s13 =	sadd.s32 $0x80, s13;
	v1 =	vld.idx.msk [tilespmem:v2+s16+$0x0], $0xffff  }
0x2f8: {  	v2 =	vld.idx.msk [tilespmem:v4+s16+$0x0], $0xffff;
	[tilespmem:s13+$0x30] =	vst v6  }
0x2f9: {  	s15 =	sadd.s32 $0x80, s15;
	v4 =	vld.idx.msk [tilespmem:v7+s16+$0x0], $0xffff;
	[tilespmem:s13+$0xFFFFFFD0] =	vst v8  }
0x2fa: {  	[tilespmem:s13+$0xFFFFFFE0] =	vst v5  }
0x2fb: {  	[tilespmem:s13+$0xFFFFFFF0] =	vst v3  }
0x2fc: {  	[tilespmem:s13+$0x0] =	vst v0  }
0x2fd: {  	[tilespmem:s13+$0x10] =	vst v1  }
0x2fe: {  	[tilespmem:s13+$0x20] =	vst v2  }
0x2ff: {  	[tilespmem:s13+$0xFFFFFFC0] =	vst v4  }
0x300: {  	s8 =	rddreg [dreg:$0x8]  }
0x301: {  	[hbm4b:s8+s10] =	stream.strided.scatter [tilespmem:s12], [sflag:$0x2], $0x2000, s11, s10, $0x38;
	[tilespmem:$0x1E700] =	vst v63  }
0x302: {  	_ =	swait.ge [sflag:s9], $0x2000  }
0x303: {  	[sflag:s9] =	ssyncset.done $0x0  }
0x304: {  	s15 =	simm.s32 $0x1A770;
	[sflag:s9] =	ssyncadd.s32 $0xFFFFE000  }
0x305: {  	v0 =	vld [tilespmem:s15+$0x0]  }
0x306: {  	v1 =	vld [tilespmem:s15+$0xFFFFFFA0]  }
0x307: {  	v2 =	vld [tilespmem:s15+$0xFFFFFFB0]  }
0x308: {  	v3 =	vld [tilespmem:s15+$0xFFFFFFC0]  }
0x309: {  	v4 =	vld [tilespmem:s15+$0xFFFFFFD0]  }
0x30a: {  	v6 =	vld [tilespmem:s15+$0xFFFFFFE0]  }
0x30b: {  	v7 =	vld [tilespmem:s15+$0xFFFFFFF0]  }
0x30c: {  	v8 =	vld [tilespmem:s15+$0xFFFFFF90]  }
0x30d: {  	v9 =	vld.idx.msk [tilespmem:v0+s16+$0x0], $0xffff  }
0x30e: {  	v10 =	vld.idx.msk [tilespmem:v1+s16+$0x0], $0xffff  }
0x30f: {  	v5 =	vld.idx.msk [tilespmem:v2+s16+$0x0], $0xffff  }
0x310: {  	v3 =	vld.idx.msk [tilespmem:v3+s16+$0x0], $0xffff  }
0x311: {  	v0 =	vld.idx.msk [tilespmem:v4+s16+$0x0], $0xffff  }
0x312: {  	s13 =	simm.s32 $0x1C740;
	v1 =	vld.idx.msk [tilespmem:v6+s16+$0x0], $0xffff  }
0x313: {  	v2 =	vld.idx.msk [tilespmem:v7+s16+$0x0], $0xffff;
	[tilespmem:s13+$0x30] =	vst v9  }
0x314: {  	s8 =	simm.s32 $0x0;
	s15 =	simm.s32 $0x1A7F0;
	v4 =	vld.idx.msk [tilespmem:v8+s16+$0x0], $0xffff;
	[tilespmem:s13+$0xFFFFFFD0] =	vst v10  }
.LBB2_17:
0x315: {  	v6 =	vld [tilespmem:s15+$0x0];
	s8 =	sadd.s32 $0x8, s8;
	[tilespmem:s13+$0xFFFFFFE0] =	vst v5  }
0x316: {  	v5 =	vld [tilespmem:s15+$0xFFFFFFA0];
	p1 =	slt.u32 s8, $0x1F8;
	[tilespmem:s13+$0xFFFFFFF0] =	vst v3  }
0x317: {  	v3 =	vld [tilespmem:s15+$0xFFFFFFB0];
	[tilespmem:s13+$0x0] =	vst v0  }
0x318: {  	v0 =	vld [tilespmem:s15+$0xFFFFFFC0];
	[tilespmem:s13+$0x10] =	vst v1  }
0x319: {  	v1 =	vld [tilespmem:s15+$0xFFFFFFD0];
	[tilespmem:s13+$0x20] =	vst v2  }
0x31a: {  	v2 =	vld [tilespmem:s15+$0xFFFFFFE0];
	[tilespmem:s13+$0xFFFFFFC0] =	vst v4  }
0x31b: {  	v4 =	vld [tilespmem:s15+$0xFFFFFFF0]  }
0x31c: {  	v7 =	vld [tilespmem:s15+$0xFFFFFF90]  }
0x31d: {  	v6 =	vld.idx.msk [tilespmem:v6+s16+$0x0], $0xffff  }
0x31e: {  	v8 =	vld.idx.msk [tilespmem:v5+s16+$0x0], $0xffff  }
0x31f: {  	v5 =	vld.idx.msk [tilespmem:v3+s16+$0x0], $0xffff  }
.Ltmp19:
0x320: {  	v3 =	vld.idx.msk [tilespmem:v0+s16+$0x0], $0xffff;
	(pc) =	sbr.rel @p1 .LBB2_17-.Ltmp19, $4  }
0x321: {  	v0 =	vld.idx.msk [tilespmem:v1+s16+$0x0], $0xffff  }
0x322: {  	s13 =	sadd.s32 $0x80, s13;
	v1 =	vld.idx.msk [tilespmem:v2+s16+$0x0], $0xffff  }
0x323: {  	v2 =	vld.idx.msk [tilespmem:v4+s16+$0x0], $0xffff;
	[tilespmem:s13+$0x30] =	vst v6  }
0x324: {  	s15 =	sadd.s32 $0x80, s15;
	v4 =	vld.idx.msk [tilespmem:v7+s16+$0x0], $0xffff;
	[tilespmem:s13+$0xFFFFFFD0] =	vst v8  }
0x325: {  	[tilespmem:s13+$0xFFFFFFE0] =	vst v5  }
0x326: {  	[tilespmem:s13+$0xFFFFFFF0] =	vst v3  }
0x327: {  	[tilespmem:s13+$0x0] =	vst v0  }
.Ltmp20:
0x328: {  	[tilespmem:s13+$0x10] =	vst v1;
	(pc) =	sbr.rel .LBB2_36-.Ltmp20, $4  }
0x329: {  	[tilespmem:s13+$0x20] =	vst v2  }
0x32a: {  	s8 =	rddreg [dreg:$0x5];
	[tilespmem:s13+$0xFFFFFFC0] =	vst v4  }
0x32b: {  	s15 =	rddreg [dreg:$0x9]  }
0x32c: {  	s13 =	rddreg [dreg:$0x15]  }
.LBB2_37:
0x32d: {  	_ =	sfence.sel $0x180000  }
0x32e: {  	[bflag:$0x0] =	sbarrier.arrive $0xFFFF  }
0x32f: {  	_ =	strace $0x90000047  }
0x330: {  	s0 =	stileid.u32;
	[bflag:$0x2] =	sbarrier.arrive $0xFFFF  }
0x331: {  	p0 =	sne.s32 s0, $0x0;
	s0 =	rddreg [dreg:$0x6]  }
0x332: {  	s0 =	sadd.s32 @!p0 $0x100000, s0  }
0x333: {  	[sflag:s0] =	ssyncadd.tile.s32 @!p0 $0x1;
	_ =	shalt  }
.Lfunc_end2:
_tile_overlayer_lowered:
.L_overlay_start_2:
0x334: {  	(tag) =	ssettag $0x2  }
0x335: {  	s0 =	rddreg [dreg:$0x0];
	s2 =	stileid.u32  }
0x336: {  	s1 =	rddreg [dreg:$0x1];
	p0 =	sne.s32 s2, $0x0  }
0x337: {  	s3 =	rddreg [dreg:$0x2];
	[bflag:$0x3] =	sbarrier.arrive $0xFFFF;
	s2 =	simm.s32 @!p0 $0x1C02  }
0x338: {  	[timem:s3], [sflag:s2] =	dma.local @!p0 [hbm:s0], s1  }
0x339: {  	s0 =	simm.s32 @!p0 $0x2  }
0x33a: {  	_ =	swait.ge @!p0 [sflag:s0], s1  }
0x33b: {  	s1 =	ssub.s32 @!p0 $0x0, s1;
	[sflag:s0] =	ssyncset.done @!p0 $0x0  }
0x33c: {  	[sflag:s0] =	ssyncadd.s32 @!p0 s1  }
0x33d: {  	[bflag:$0x3] =	sbarrier.arrive $0xFFFF  }
0x33e: {  	_ =	shalt  }

</sc_bundles>
